<compile_context>
chip_gen: v7x
topology: tpu7x:2x2x1
jax: 0.10.2.dev20260603
libtpu: 0.0.44.dev20260713+nightly
codegen_flags: <defaults>
</compile_context>

<pallas_src>
import functools

import jax
import jax.numpy as jnp
from jax import lax
from jax.experimental import pallas as pl
from jax.experimental.pallas import tpu as pltpu
from jax.experimental.pallas import tpu_sc as plsc

_N = 10000
_NP = 10240
_E = 320000
_EP = 327680
_TCH = 2560
_CW = 128
_G = 32
_RPT = _NP // 16
_K0 = 144
_K1 = 16


def _segsum(table, col0, row0, col1, row1, feat):
    mesh = plsc.VectorSubcoreMesh(core_axis_name="c", subcore_axis_name="s")

    @functools.partial(
        pl.kernel,
        out_type=jax.ShapeDtypeStruct((2, _NP, feat), jnp.float32),
        mesh=mesh,
        compiler_params=pltpu.CompilerParams(use_tc_tiling_on_sc=False),
        scratch_types=[
            pltpu.VMEM((_K0, _CW), jnp.int32),
            pltpu.VMEM((_K0, _CW), jnp.int32),
            pltpu.VMEM((4, _CW, feat), jnp.float32),
            pltpu.VMEM_SHARED((_NP, feat), jnp.float32),
            pltpu.SemaphoreType.DMA,
            pltpu.SemaphoreType.DMA,
        ],
    )
    def seg(table_hbm, col0_hbm, row0_hbm, col1_hbm, row1_hbm,
            out_hbm, col_v, row_v, gbuf, acc, sem_g, sem_s):
        c = lax.axis_index("c")
        s = lax.axis_index("s")

        def zrow(i, carry):
            for j in range(feat // 16):
                gbuf[0, i, pl.ds(j * 16, 16)] = jnp.zeros((16,), jnp.float32)
            return carry

        lax.fori_loop(0, _CW, zrow, 0)
        for k in range(_RPT // _CW):
            pltpu.sync_copy(gbuf.at[0], acc.at[pl.ds(s * _RPT + k * _CW, _CW)])

        def body(t, carry):
            base = t * 4
            gets = [pltpu.async_copy(table_hbm.at[col_v.at[base + b]],
                                     gbuf.at[b], sem_g)
                    for b in range(4)]
            for g in gets:
                g.wait()
            for b in range(4):
                pltpu.async_copy(gbuf.at[b], acc.at[row_v.at[base + b]],
                                 sem_s, add=True).wait()
            return carry

        @pl.when(c == 0)
        def _():
            pltpu.sync_copy(col0_hbm.at[s], col_v)
            pltpu.sync_copy(row0_hbm.at[s], row_v)
            plsc.subcore_barrier()
            lax.fori_loop(0, _K0 // 4, body, 0)

        @pl.when(c == 1)
        def _():
            pltpu.sync_copy(col1_hbm.at[s], col_v.at[pl.ds(0, _K1)])
            pltpu.sync_copy(row1_hbm.at[s], row_v.at[pl.ds(0, _K1)])
            plsc.subcore_barrier()
            lax.fori_loop(0, _K1 // 4, body, 0)

        plsc.subcore_barrier()
        pltpu.sync_copy(acc.at[pl.ds(s * _RPT, _RPT)],
                        out_hbm.at[c, pl.ds(s * _RPT, _RPT)])

    return seg(table, col0, row0, col1, row1)


def _proj1_body(x_ref, w_ref, o_ref):
    o_ref[...] = jnp.dot(x_ref[...], w_ref[...],
                         preferred_element_type=jnp.float32)


def _proj2_body(s_ref, w_ref, o_ref):
    h = jnp.maximum(s_ref[0] + s_ref[1], 0.0)
    o_ref[...] = jnp.dot(h, w_ref[...], preferred_element_type=jnp.float32)


def _readout_body(s_ref, b_ref, w1_ref, b1_ref, w2_ref, b2_ref, o_ref,
                  acc, cnt):
    i = pl.program_id(0)

    @pl.when(i == 0)
    def _():
        acc[...] = jnp.zeros_like(acc)
        cnt[...] = jnp.zeros_like(cnt)

    h = jnp.maximum(s_ref[0] + s_ref[1], 0.0)
    b = b_ref[0]
    onehot = (b == lax.broadcasted_iota(jnp.int32, (1280, _G), 1)
              ).astype(jnp.float32)
    dn = (((0,), (0,)), ((), ()))
    acc[...] += lax.dot_general(onehot, h, dn,
                                preferred_element_type=jnp.float32)
    cnt[...] += lax.dot_general(onehot, jnp.ones((1280, 64), jnp.float32),
                                dn, preferred_element_type=jnp.float32)

    @pl.when(i == pl.num_programs(0) - 1)
    def _():
        g = acc[...] / jnp.maximum(cnt[...], 1.0)
        t = jnp.maximum(
            jnp.dot(g, w1_ref[...], preferred_element_type=jnp.float32)
            + b1_ref[...], 0.0)
        o_ref[...] = (jnp.dot(t, w2_ref[...],
                              preferred_element_type=jnp.float32)
                      + b2_ref[...])


def kernel(x, edge_attr, c1_fc, c1_ed, c1_att, c2_fc, c2_ed, c2_att,
           e1_fc, e1_ed, e1_att, e2_fc, e2_ed, e2_att,
           fc1_w, fc1_b, fc2_w, fc2_b, edge_index, batch):
    f32 = jnp.float32
    xpad = jnp.concatenate([x, jnp.zeros((_NP - _N, x.shape[1]), f32)], axis=0)
    w1 = jnp.concatenate([c1_fc.T, e1_fc.T], axis=1)
    w2 = jnp.zeros((32, 64), f32)
    w2 = w2.at[:16, :32].set(c2_fc.T).at[16:, 32:].set(e2_fc.T)

    pad = _EP - _E
    colp = jnp.concatenate([edge_index[1], jnp.full((pad,), _N, jnp.int32)])
    rowp = jnp.concatenate([edge_index[0], jnp.zeros((pad,), jnp.int32)])
    split = 16 * _K0 * _CW
    col0 = colp[:split].reshape(16, _K0, _CW)
    row0 = rowp[:split].reshape(16, _K0, _CW)
    col1 = colp[split:].reshape(16, _K1, _CW)
    row1 = rowp[split:].reshape(16, _K1, _CW)

    batchp = jnp.concatenate([batch, jnp.full((_NP - _N,), _G, jnp.int32)])
    batch3 = batchp.reshape(8, 1280, 1)

    xp = pl.pallas_call(
        _proj1_body,
        grid=(8,),
        in_specs=[pl.BlockSpec((1280, 128), lambda i: (i, 0)),
                  pl.BlockSpec((128, 32), lambda i: (0, 0))],
        out_specs=pl.BlockSpec((1280, 32), lambda i: (i, 0)),
        out_shape=jax.ShapeDtypeStruct((_NP, 32), f32),
    )(xpad, w1)

    s1p = _segsum(xp, col0, row0, col1, row1, 32)

    zp = pl.pallas_call(
        _proj2_body,
        grid=(8,),
        in_specs=[pl.BlockSpec((2, 1280, 32), lambda i: (0, i, 0)),
                  pl.BlockSpec((32, 64), lambda i: (0, 0))],
        out_specs=pl.BlockSpec((1280, 64), lambda i: (i, 0)),
        out_shape=jax.ShapeDtypeStruct((_NP, 64), f32),
    )(s1p, w2)

    s2p = _segsum(zp, col0, row0, col1, row1, 64)

    out = pl.pallas_call(
        _readout_body,
        grid=(8,),
        in_specs=[pl.BlockSpec((2, 1280, 64), lambda i: (0, i, 0)),
                  pl.BlockSpec((1, 1280, 1), lambda i: (i, 0, 0)),
                  pl.BlockSpec((64, 128), lambda i: (0, 0)),
                  pl.BlockSpec((1, 128), lambda i: (0, 0)),
                  pl.BlockSpec((128, 1), lambda i: (0, 0)),
                  pl.BlockSpec((1, 1), lambda i: (0, 0))],
        out_specs=pl.BlockSpec((_G, 1), lambda i: (0, 0)),
        out_shape=jax.ShapeDtypeStruct((_G, 1), f32),
        scratch_shapes=[pltpu.VMEM((_G, 64), f32), pltpu.VMEM((_G, 64), f32)],
    )(s2p, batch3, fc1_w.T, fc1_b.reshape(1, 128), fc2_w.T,
      fc2_b.reshape(1, 1))
    return out

# --- scband reference (transcript-rebuilt; emitter-appended) ---
"""Pipeline reference for scband-ginet-4836133175446 (READ-ONLY COPY).

The authoritative reference and input builder live on the scoring server;
editing this copy changes nothing except your own understanding.
"""

import jax, jax.numpy as jnp
import numpy as np

N = 10000
E = 320000
D = 128
DE = 16
G = 32


def setup_inputs(seed: int = 0) -> dict:
    key = jax.random.key(seed)
    ks = jax.random.split(key, 20)

    def u(k, shape, fan_in):
        b = 1.0 / np.sqrt(fan_in)
        return jax.random.uniform(k, shape, minval=-b, maxval=b, dtype=jnp.float32)

    inp = {
        "x": jax.random.normal(ks[0], (N, D), dtype=jnp.float32),
        "edge_attr": jax.random.normal(ks[1], (E, DE), dtype=jnp.float32),
        "c1_fc": u(ks[2], (16, D), D),
        "c1_ed": u(ks[3], (DE, DE), D),
        "c1_att": u(ks[4], (1, 2 * 16 + DE), D),
        "c2_fc": u(ks[5], (32, 16), 16),
        "c2_ed": u(ks[6], (DE, DE), 16),
        "c2_att": u(ks[7], (1, 2 * 32 + DE), 16),
        "e1_fc": u(ks[8], (16, D), D),
        "e1_ed": u(ks[9], (DE, DE), D),
        "e1_att": u(ks[10], (1, 2 * 16 + DE), D),
        "e2_fc": u(ks[11], (32, 16), 16),
        "e2_ed": u(ks[12], (DE, DE), 16),
        "e2_att": u(ks[13], (1, 2 * 32 + DE), 16),
        "fc1_w": u(ks[14], (128, 64), 64),
        "fc1_b": u(ks[15], (128,), 64),
        "fc2_w": u(ks[16], (1, 128), 128),
        "fc2_b": u(ks[17], (1,), 128),
        "edge_index": jax.random.randint(ks[18], (2, E), 0, N, dtype=jnp.int32),
        "batch": jnp.sort(jax.random.randint(ks[19], (N,), 0, G, dtype=jnp.int32)),
    }
    return inp


def _conv(x, edge_index, edge_attr, w_fc, w_ed, w_att, num_nodes):
    row = edge_index[0]
    col = edge_index[1]
    xcol = x[col] @ w_fc.T
    xrow = x[row] @ w_fc.T
    ed = edge_attr @ w_ed.T
    alpha = jnp.concatenate([xrow, xcol, ed], axis=1) @ w_att.T
    alpha = jax.nn.leaky_relu(alpha, negative_slope=0.01)
    alpha = jax.nn.softmax(alpha, axis=1)  # axis of size 1, faithful to torch softmax(dim=1)
    h = alpha * xcol
    return jax.ops.segment_sum(h, row, num_segments=num_nodes)


def _scatter_mean(x, seg, num_segments):
    s = jax.ops.segment_sum(x, seg, num_segments=num_segments)
    c = jax.ops.segment_sum(jnp.ones((x.shape[0],), x.dtype), seg, num_segments=num_segments)
    return s / jnp.clip(c, 1.0)[:, None]


def reference(x, edge_attr, c1_fc, c1_ed, c1_att, c2_fc, c2_ed, c2_att, e1_fc, e1_ed, e1_att, e2_fc, e2_ed, e2_att, fc1_w, fc1_b, fc2_w, fc2_b, edge_index, batch):
    h = jax.nn.relu(_conv(x, edge_index, edge_attr, c1_fc, c1_ed, c1_att, N))
    h = jax.nn.relu(_conv(h, edge_index, edge_attr, c2_fc, c2_ed, c2_att, N))
    he = jax.nn.relu(_conv(x, edge_index, edge_attr, e1_fc, e1_ed, e1_att, N))
    he = jax.nn.relu(_conv(he, edge_index, edge_attr, e2_fc, e2_ed, e2_att, N))
    g = _scatter_mean(h, batch, G)
    ge = _scatter_mean(he, batch, G)
    out = jnp.concatenate([g, ge], axis=1)
    out = jax.nn.relu(out @ fc1_w.T + fc1_b)
    # dropout is identity in eval mode (training=False)
    out = out @ fc2_w.T + fc2_b
    return out

if __name__ == "__main__":
    import jax
    _d = setup_inputs()
    print(jax.jit(kernel)(*tuple(_d.values())))

</pallas_src>

<mosaic_0001>
#map = affine_map<(d0, d1) -> (0, 0)>
#map1 = affine_map<(d0, d1) -> (0, 0, 0)>
module attributes {stable_mosaic.version = 14 : i64} {
  func.func @seg(%arg0: i32, %arg1: i32, %arg2: memref<10240x64xf32, #tpu.memory_space<hbm>>, %arg3: memref<16x144x128xi32, #tpu.memory_space<hbm>>, %arg4: memref<16x144x128xi32, #tpu.memory_space<hbm>>, %arg5: memref<16x16x128xi32, #tpu.memory_space<hbm>>, %arg6: memref<16x16x128xi32, #tpu.memory_space<hbm>>, %arg7: memref<2x10240x64xf32, #tpu.memory_space<hbm>>, %arg8: memref<144x128xi32, #tpu.memory_space<vmem>>, %arg9: memref<144x128xi32, #tpu.memory_space<vmem>>, %arg10: memref<4x128x64xf32, #tpu.memory_space<vmem>>, %arg11: memref<10240x64xf32, #tpu.memory_space<vmem_shared>>, %arg12: memref<!tpu.dma_semaphore, #tpu.memory_space<semaphore_mem>>, %arg13: memref<!tpu.dma_semaphore, #tpu.memory_space<semaphore_mem>>) attributes {dimension_semantics = [#tpu.dimension_semantics<core_parallel>, #tpu.dimension_semantics<subcore_parallel>], iteration_bounds = array<i64: 2, 16>, scalar_prefetch = 0 : i64, scratch_operands = 6 : i64, tpu.core_type = #tpu.core_type<sc_vector_subcore>, window_params = [{transform_indices = #map}, {transform_indices = #map1}, {transform_indices = #map1}, {transform_indices = #map1}, {transform_indices = #map1}, {transform_indices = #map1}]} {
    %scan3A = arith.constant 0 : i32
    %scan3A_0 = arith.constant 0 : i32
    %scan3A_1 = arith.constant 128 : i32
    %scan3A_2 = arith.addi %scan3A_0, %scan3A_1 : i32
    %scan3A_3 = arith.constant 1 : i32
    scf.for %scan3A_38 = %scan3A_0 to %scan3A_2 step %scan3A_3  : i32 {
      %broadcast_in_dim3A = arith.constant 0.000000e+00 : f32
      %broadcast_in_dim3A_39 = vector.broadcast %broadcast_in_dim3A : f32 to vector<16xf32>
      %swap3A = arith.constant 0 : i32
      %swap3A_40 = arith.index_cast %swap3A : i32 to index
      %swap3A_41 = arith.index_cast %scan3A_38 : i32 to index
      %swap3A_42 = arith.constant 0 : index
      %swap3A_43 = tpu.vector_load %arg10[%swap3A_40, %swap3A_41, %swap3A_42] {strides = array<i32>} : memref<4x128x64xf32, #tpu.memory_space<vmem>>, vector<1x1x16xf32>,
      %swap3A_44 = vector.shape_cast %swap3A_43 : vector<1x1x16xf32> to vector<16xf32>
      %swap3A_45 = vector.shape_cast %broadcast_in_dim3A_39 : vector<16xf32> to vector<1x1x16xf32>
      tpu.vector_store %arg10[%swap3A_40, %swap3A_41, %swap3A_42], %swap3A_45 {strides = array<i32>} : memref<4x128x64xf32, #tpu.memory_space<vmem>>, vector<1x1x16xf32>,
      %broadcast_in_dim3A_46 = arith.constant 0.000000e+00 : f32
      %broadcast_in_dim3A_47 = vector.broadcast %broadcast_in_dim3A_46 : f32 to vector<16xf32>
      %swap3A_48 = arith.constant 0 : i32
      %swap3A_49 = arith.index_cast %swap3A_48 : i32 to index
      %swap3A_50 = arith.index_cast %scan3A_38 : i32 to index
      %swap3A_51 = arith.constant 16 : index
      %swap3A_52 = tpu.vector_load %arg10[%swap3A_49, %swap3A_50, %swap3A_51] {strides = array<i32>} : memref<4x128x64xf32, #tpu.memory_space<vmem>>, vector<1x1x16xf32>,
      %swap3A_53 = vector.shape_cast %swap3A_52 : vector<1x1x16xf32> to vector<16xf32>
      %swap3A_54 = vector.shape_cast %broadcast_in_dim3A_47 : vector<16xf32> to vector<1x1x16xf32>
      tpu.vector_store %arg10[%swap3A_49, %swap3A_50, %swap3A_51], %swap3A_54 {strides = array<i32>} : memref<4x128x64xf32, #tpu.memory_space<vmem>>, vector<1x1x16xf32>,
      %broadcast_in_dim3A_55 = arith.constant 0.000000e+00 : f32
      %broadcast_in_dim3A_56 = vector.broadcast %broadcast_in_dim3A_55 : f32 to vector<16xf32>
      %swap3A_57 = arith.constant 0 : i32
      %swap3A_58 = arith.index_cast %swap3A_57 : i32 to index
      %swap3A_59 = arith.index_cast %scan3A_38 : i32 to index
      %swap3A_60 = arith.constant 32 : index
      %swap3A_61 = tpu.vector_load %arg10[%swap3A_58, %swap3A_59, %swap3A_60] {strides = array<i32>} : memref<4x128x64xf32, #tpu.memory_space<vmem>>, vector<1x1x16xf32>,
      %swap3A_62 = vector.shape_cast %swap3A_61 : vector<1x1x16xf32> to vector<16xf32>
      %swap3A_63 = vector.shape_cast %broadcast_in_dim3A_56 : vector<16xf32> to vector<1x1x16xf32>
      tpu.vector_store %arg10[%swap3A_58, %swap3A_59, %swap3A_60], %swap3A_63 {strides = array<i32>} : memref<4x128x64xf32, #tpu.memory_space<vmem>>, vector<1x1x16xf32>,
      %broadcast_in_dim3A_64 = arith.constant 0.000000e+00 : f32
      %broadcast_in_dim3A_65 = vector.broadcast %broadcast_in_dim3A_64 : f32 to vector<16xf32>
      %swap3A_66 = arith.constant 0 : i32
      %swap3A_67 = arith.index_cast %swap3A_66 : i32 to index
      %swap3A_68 = arith.index_cast %scan3A_38 : i32 to index
      %swap3A_69 = arith.constant 48 : index
      %swap3A_70 = tpu.vector_load %arg10[%swap3A_67, %swap3A_68, %swap3A_69] {strides = array<i32>} : memref<4x128x64xf32, #tpu.memory_space<vmem>>, vector<1x1x16xf32>,
      %swap3A_71 = vector.shape_cast %swap3A_70 : vector<1x1x16xf32> to vector<16xf32>
      %swap3A_72 = vector.shape_cast %broadcast_in_dim3A_65 : vector<16xf32> to vector<1x1x16xf32>
      tpu.vector_store %arg10[%swap3A_67, %swap3A_68, %swap3A_69], %swap3A_72 {strides = array<i32>} : memref<4x128x64xf32, #tpu.memory_space<vmem>>, vector<1x1x16xf32>,
    }
    %scan3A_4 = arith.constant 128 : i32
    %mul3A = arith.constant 640 : i32
    %mul3A_5 = arith.muli %arg1, %mul3A : i32
    %add3A = arith.constant 0 : i32
    %add3A_6 = arith.addi %mul3A_5, %add3A : i32
    %run_scoped3A = arith.constant 0 : i32
    "tpu.region"() ({
      %run_scoped3A_38 = tpu.sem_alloc : memref<!tpu.dma_semaphore, #tpu.memory_space<semaphore_mem>>
      %dma_start3A = arith.constant 0 : i32
      %dma_start3A_39 = arith.constant 0 : i32
      %dma_start3A_40 = tpu.memref_slice %arg10[%run_scoped3A, %dma_start3A, %dma_start3A_39] : memref<4x128x64xf32, #tpu.memory_space<vmem>> -> memref<1x128x64xf32, #tpu.memory_space<vmem>>
      %dma_start3A_41 = tpu.memref_squeeze %dma_start3A_40 : memref<1x128x64xf32, #tpu.memory_space<vmem>> -> memref<128x64xf32, #tpu.memory_space<vmem>>
      %dma_start3A_42 = arith.constant 0 : i32
      %dma_start3A_43 = tpu.memref_slice %arg11[%add3A_6, %dma_start3A_42] : memref<10240x64xf32, #tpu.memory_space<vmem_shared>> -> memref<128x64xf32, #tpu.memory_space<vmem_shared>>
      %dma_start3A_44 = arith.constant 0 : i32
      %dma_start3A_45 = tpu.memref_slice %arg11[%add3A_6, %dma_start3A_44] : memref<10240x64xf32, #tpu.memory_space<vmem_shared>> -> memref<128x64xf32, #tpu.memory_space<vmem_shared>>
      %dma_start3A_46 = arith.constant 0 : i32
      %dma_start3A_47 = arith.constant 0 : i32
      %dma_start3A_48 = tpu.memref_slice %arg10[%run_scoped3A, %dma_start3A_46, %dma_start3A_47] : memref<4x128x64xf32, #tpu.memory_space<vmem>> -> memref<1x128x64xf32, #tpu.memory_space<vmem>>
      %dma_start3A_49 = tpu.memref_squeeze %dma_start3A_48 : memref<1x128x64xf32, #tpu.memory_space<vmem>> -> memref<128x64xf32, #tpu.memory_space<vmem>>
      tpu.enqueue_dma source(%dma_start3A_49 : memref<128x64xf32, #tpu.memory_space<vmem>>) target(%dma_start3A_45 : memref<128x64xf32, #tpu.memory_space<vmem_shared>>) target_semaphore(%run_scoped3A_38 : memref<!tpu.dma_semaphore, #tpu.memory_space<semaphore_mem>>)
      %dma_wait3A = arith.constant 0 : i32
      %dma_wait3A_50 = arith.constant 0 : i32
      %dma_wait3A_51 = tpu.memref_slice %arg10[%run_scoped3A, %dma_wait3A, %dma_wait3A_50] : memref<4x128x64xf32, #tpu.memory_space<vmem>> -> memref<1x128x64xf32, #tpu.memory_space<vmem>>
      %dma_wait3A_52 = tpu.memref_squeeze %dma_wait3A_51 : memref<1x128x64xf32, #tpu.memory_space<vmem>> -> memref<128x64xf32, #tpu.memory_space<vmem>>
      %dma_wait3A_53 = arith.constant 0 : i32
      %dma_wait3A_54 = tpu.memref_slice %arg11[%add3A_6, %dma_wait3A_53] : memref<10240x64xf32, #tpu.memory_space<vmem_shared>> -> memref<128x64xf32, #tpu.memory_space<vmem_shared>>
      %dma_wait3A_55 = arith.constant 0 : i32
      %dma_wait3A_56 = tpu.memref_slice %arg11[%add3A_6, %dma_wait3A_55] : memref<10240x64xf32, #tpu.memory_space<vmem_shared>> -> memref<128x64xf32, #tpu.memory_space<vmem_shared>>
      %dma_wait3A_57 = arith.constant 0 : i32
      %dma_wait3A_58 = arith.constant 0 : i32
      %dma_wait3A_59 = tpu.memref_slice %arg10[%run_scoped3A, %dma_wait3A_57, %dma_wait3A_58] : memref<4x128x64xf32, #tpu.memory_space<vmem>> -> memref<1x128x64xf32, #tpu.memory_space<vmem>>
      %dma_wait3A_60 = tpu.memref_squeeze %dma_wait3A_59 : memref<1x128x64xf32, #tpu.memory_space<vmem>> -> memref<128x64xf32, #tpu.memory_space<vmem>>
      tpu.wait_dma2 semaphore(%run_scoped3A_38 : memref<!tpu.dma_semaphore, #tpu.memory_space<semaphore_mem>>) src(%dma_wait3A_60 : memref<128x64xf32, #tpu.memory_space<vmem>>) dst(%dma_wait3A_56 : memref<128x64xf32, #tpu.memory_space<vmem_shared>>)
      tpu.yield
    }) : () -> ()
    %mul3A_7 = arith.constant 640 : i32
    %mul3A_8 = arith.muli %arg1, %mul3A_7 : i32
    %add3A_9 = arith.constant 128 : i32
    %add3A_10 = arith.addi %mul3A_8, %add3A_9 : i32
    %run_scoped3A_11 = arith.constant 0 : i32
    "tpu.region"() ({
      %run_scoped3A_38 = tpu.sem_alloc : memref<!tpu.dma_semaphore, #tpu.memory_space<semaphore_mem>>
      %dma_start3A = arith.constant 0 : i32
      %dma_start3A_39 = arith.constant 0 : i32
      %dma_start3A_40 = tpu.memref_slice %arg10[%run_scoped3A_11, %dma_start3A, %dma_start3A_39] : memref<4x128x64xf32, #tpu.memory_space<vmem>> -> memref<1x128x64xf32, #tpu.memory_space<vmem>>
      %dma_start3A_41 = tpu.memref_squeeze %dma_start3A_40 : memref<1x128x64xf32, #tpu.memory_space<vmem>> -> memref<128x64xf32, #tpu.memory_space<vmem>>
      %dma_start3A_42 = arith.constant 0 : i32
      %dma_start3A_43 = tpu.memref_slice %arg11[%add3A_10, %dma_start3A_42] : memref<10240x64xf32, #tpu.memory_space<vmem_shared>> -> memref<128x64xf32, #tpu.memory_space<vmem_shared>>
      %dma_start3A_44 = arith.constant 0 : i32
      %dma_start3A_45 = tpu.memref_slice %arg11[%add3A_10, %dma_start3A_44] : memref<10240x64xf32, #tpu.memory_space<vmem_shared>> -> memref<128x64xf32, #tpu.memory_space<vmem_shared>>
      %dma_start3A_46 = arith.constant 0 : i32
      %dma_start3A_47 = arith.constant 0 : i32
      %dma_start3A_48 = tpu.memref_slice %arg10[%run_scoped3A_11, %dma_start3A_46, %dma_start3A_47] : memref<4x128x64xf32, #tpu.memory_space<vmem>> -> memref<1x128x64xf32, #tpu.memory_space<vmem>>
      %dma_start3A_49 = tpu.memref_squeeze %dma_start3A_48 : memref<1x128x64xf32, #tpu.memory_space<vmem>> -> memref<128x64xf32, #tpu.memory_space<vmem>>
      tpu.enqueue_dma source(%dma_start3A_49 : memref<128x64xf32, #tpu.memory_space<vmem>>) target(%dma_start3A_45 : memref<128x64xf32, #tpu.memory_space<vmem_shared>>) target_semaphore(%run_scoped3A_38 : memref<!tpu.dma_semaphore, #tpu.memory_space<semaphore_mem>>)
      %dma_wait3A = arith.constant 0 : i32
      %dma_wait3A_50 = arith.constant 0 : i32
      %dma_wait3A_51 = tpu.memref_slice %arg10[%run_scoped3A_11, %dma_wait3A, %dma_wait3A_50] : memref<4x128x64xf32, #tpu.memory_space<vmem>> -> memref<1x128x64xf32, #tpu.memory_space<vmem>>
      %dma_wait3A_52 = tpu.memref_squeeze %dma_wait3A_51 : memref<1x128x64xf32, #tpu.memory_space<vmem>> -> memref<128x64xf32, #tpu.memory_space<vmem>>
      %dma_wait3A_53 = arith.constant 0 : i32
      %dma_wait3A_54 = tpu.memref_slice %arg11[%add3A_10, %dma_wait3A_53] : memref<10240x64xf32, #tpu.memory_space<vmem_shared>> -> memref<128x64xf32, #tpu.memory_space<vmem_shared>>
      %dma_wait3A_55 = arith.constant 0 : i32
      %dma_wait3A_56 = tpu.memref_slice %arg11[%add3A_10, %dma_wait3A_55] : memref<10240x64xf32, #tpu.memory_space<vmem_shared>> -> memref<128x64xf32, #tpu.memory_space<vmem_shared>>
      %dma_wait3A_57 = arith.constant 0 : i32
      %dma_wait3A_58 = arith.constant 0 : i32
      %dma_wait3A_59 = tpu.memref_slice %arg10[%run_scoped3A_11, %dma_wait3A_57, %dma_wait3A_58] : memref<4x128x64xf32, #tpu.memory_space<vmem>> -> memref<1x128x64xf32, #tpu.memory_space<vmem>>
      %dma_wait3A_60 = tpu.memref_squeeze %dma_wait3A_59 : memref<1x128x64xf32, #tpu.memory_space<vmem>> -> memref<128x64xf32, #tpu.memory_space<vmem>>
      tpu.wait_dma2 semaphore(%run_scoped3A_38 : memref<!tpu.dma_semaphore, #tpu.memory_space<semaphore_mem>>) src(%dma_wait3A_60 : memref<128x64xf32, #tpu.memory_space<vmem>>) dst(%dma_wait3A_56 : memref<128x64xf32, #tpu.memory_space<vmem_shared>>)
      tpu.yield
    }) : () -> ()
    %mul3A_12 = arith.constant 640 : i32
    %mul3A_13 = arith.muli %arg1, %mul3A_12 : i32
    %add3A_14 = arith.constant 256 : i32
    %add3A_15 = arith.addi %mul3A_13, %add3A_14 : i32
    %run_scoped3A_16 = arith.constant 0 : i32
    "tpu.region"() ({
      %run_scoped3A_38 = tpu.sem_alloc : memref<!tpu.dma_semaphore, #tpu.memory_space<semaphore_mem>>
      %dma_start3A = arith.constant 0 : i32
      %dma_start3A_39 = arith.constant 0 : i32
      %dma_start3A_40 = tpu.memref_slice %arg10[%run_scoped3A_16, %dma_start3A, %dma_start3A_39] : memref<4x128x64xf32, #tpu.memory_space<vmem>> -> memref<1x128x64xf32, #tpu.memory_space<vmem>>
      %dma_start3A_41 = tpu.memref_squeeze %dma_start3A_40 : memref<1x128x64xf32, #tpu.memory_space<vmem>> -> memref<128x64xf32, #tpu.memory_space<vmem>>
      %dma_start3A_42 = arith.constant 0 : i32
      %dma_start3A_43 = tpu.memref_slice %arg11[%add3A_15, %dma_start3A_42] : memref<10240x64xf32, #tpu.memory_space<vmem_shared>> -> memref<128x64xf32, #tpu.memory_space<vmem_shared>>
      %dma_start3A_44 = arith.constant 0 : i32
      %dma_start3A_45 = tpu.memref_slice %arg11[%add3A_15, %dma_start3A_44] : memref<10240x64xf32, #tpu.memory_space<vmem_shared>> -> memref<128x64xf32, #tpu.memory_space<vmem_shared>>
      %dma_start3A_46 = arith.constant 0 : i32
      %dma_start3A_47 = arith.constant 0 : i32
      %dma_start3A_48 = tpu.memref_slice %arg10[%run_scoped3A_16, %dma_start3A_46, %dma_start3A_47] : memref<4x128x64xf32, #tpu.memory_space<vmem>> -> memref<1x128x64xf32, #tpu.memory_space<vmem>>
      %dma_start3A_49 = tpu.memref_squeeze %dma_start3A_48 : memref<1x128x64xf32, #tpu.memory_space<vmem>> -> memref<128x64xf32, #tpu.memory_space<vmem>>
      tpu.enqueue_dma source(%dma_start3A_49 : memref<128x64xf32, #tpu.memory_space<vmem>>) target(%dma_start3A_45 : memref<128x64xf32, #tpu.memory_space<vmem_shared>>) target_semaphore(%run_scoped3A_38 : memref<!tpu.dma_semaphore, #tpu.memory_space<semaphore_mem>>)
      %dma_wait3A = arith.constant 0 : i32
      %dma_wait3A_50 = arith.constant 0 : i32
      %dma_wait3A_51 = tpu.memref_slice %arg10[%run_scoped3A_16, %dma_wait3A, %dma_wait3A_50] : memref<4x128x64xf32, #tpu.memory_space<vmem>> -> memref<1x128x64xf32, #tpu.memory_space<vmem>>
      %dma_wait3A_52 = tpu.memref_squeeze %dma_wait3A_51 : memref<1x128x64xf32, #tpu.memory_space<vmem>> -> memref<128x64xf32, #tpu.memory_space<vmem>>
      %dma_wait3A_53 = arith.constant 0 : i32
      %dma_wait3A_54 = tpu.memref_slice %arg11[%add3A_15, %dma_wait3A_53] : memref<10240x64xf32, #tpu.memory_space<vmem_shared>> -> memref<128x64xf32, #tpu.memory_space<vmem_shared>>
      %dma_wait3A_55 = arith.constant 0 : i32
      %dma_wait3A_56 = tpu.memref_slice %arg11[%add3A_15, %dma_wait3A_55] : memref<10240x64xf32, #tpu.memory_space<vmem_shared>> -> memref<128x64xf32, #tpu.memory_space<vmem_shared>>
      %dma_wait3A_57 = arith.constant 0 : i32
      %dma_wait3A_58 = arith.constant 0 : i32
      %dma_wait3A_59 = tpu.memref_slice %arg10[%run_scoped3A_16, %dma_wait3A_57, %dma_wait3A_58] : memref<4x128x64xf32, #tpu.memory_space<vmem>> -> memref<1x128x64xf32, #tpu.memory_space<vmem>>
      %dma_wait3A_60 = tpu.memref_squeeze %dma_wait3A_59 : memref<1x128x64xf32, #tpu.memory_space<vmem>> -> memref<128x64xf32, #tpu.memory_space<vmem>>
      tpu.wait_dma2 semaphore(%run_scoped3A_38 : memref<!tpu.dma_semaphore, #tpu.memory_space<semaphore_mem>>) src(%dma_wait3A_60 : memref<128x64xf32, #tpu.memory_space<vmem>>) dst(%dma_wait3A_56 : memref<128x64xf32, #tpu.memory_space<vmem_shared>>)
      tpu.yield
    }) : () -> ()
    %mul3A_17 = arith.constant 640 : i32
    %mul3A_18 = arith.muli %arg1, %mul3A_17 : i32
    %add3A_19 = arith.constant 384 : i32
    %add3A_20 = arith.addi %mul3A_18, %add3A_19 : i32
    %run_scoped3A_21 = arith.constant 0 : i32
    "tpu.region"() ({
      %run_scoped3A_38 = tpu.sem_alloc : memref<!tpu.dma_semaphore, #tpu.memory_space<semaphore_mem>>
      %dma_start3A = arith.constant 0 : i32
      %dma_start3A_39 = arith.constant 0 : i32
      %dma_start3A_40 = tpu.memref_slice %arg10[%run_scoped3A_21, %dma_start3A, %dma_start3A_39] : memref<4x128x64xf32, #tpu.memory_space<vmem>> -> memref<1x128x64xf32, #tpu.memory_space<vmem>>
      %dma_start3A_41 = tpu.memref_squeeze %dma_start3A_40 : memref<1x128x64xf32, #tpu.memory_space<vmem>> -> memref<128x64xf32, #tpu.memory_space<vmem>>
      %dma_start3A_42 = arith.constant 0 : i32
      %dma_start3A_43 = tpu.memref_slice %arg11[%add3A_20, %dma_start3A_42] : memref<10240x64xf32, #tpu.memory_space<vmem_shared>> -> memref<128x64xf32, #tpu.memory_space<vmem_shared>>
      %dma_start3A_44 = arith.constant 0 : i32
      %dma_start3A_45 = tpu.memref_slice %arg11[%add3A_20, %dma_start3A_44] : memref<10240x64xf32, #tpu.memory_space<vmem_shared>> -> memref<128x64xf32, #tpu.memory_space<vmem_shared>>
      %dma_start3A_46 = arith.constant 0 : i32
      %dma_start3A_47 = arith.constant 0 : i32
      %dma_start3A_48 = tpu.memref_slice %arg10[%run_scoped3A_21, %dma_start3A_46, %dma_start3A_47] : memref<4x128x64xf32, #tpu.memory_space<vmem>> -> memref<1x128x64xf32, #tpu.memory_space<vmem>>
      %dma_start3A_49 = tpu.memref_squeeze %dma_start3A_48 : memref<1x128x64xf32, #tpu.memory_space<vmem>> -> memref<128x64xf32, #tpu.memory_space<vmem>>
      tpu.enqueue_dma source(%dma_start3A_49 : memref<128x64xf32, #tpu.memory_space<vmem>>) target(%dma_start3A_45 : memref<128x64xf32, #tpu.memory_space<vmem_shared>>) target_semaphore(%run_scoped3A_38 : memref<!tpu.dma_semaphore, #tpu.memory_space<semaphore_mem>>)
      %dma_wait3A = arith.constant 0 : i32
      %dma_wait3A_50 = arith.constant 0 : i32
      %dma_wait3A_51 = tpu.memref_slice %arg10[%run_scoped3A_21, %dma_wait3A, %dma_wait3A_50] : memref<4x128x64xf32, #tpu.memory_space<vmem>> -> memref<1x128x64xf32, #tpu.memory_space<vmem>>
      %dma_wait3A_52 = tpu.memref_squeeze %dma_wait3A_51 : memref<1x128x64xf32, #tpu.memory_space<vmem>> -> memref<128x64xf32, #tpu.memory_space<vmem>>
      %dma_wait3A_53 = arith.constant 0 : i32
      %dma_wait3A_54 = tpu.memref_slice %arg11[%add3A_20, %dma_wait3A_53] : memref<10240x64xf32, #tpu.memory_space<vmem_shared>> -> memref<128x64xf32, #tpu.memory_space<vmem_shared>>
      %dma_wait3A_55 = arith.constant 0 : i32
      %dma_wait3A_56 = tpu.memref_slice %arg11[%add3A_20, %dma_wait3A_55] : memref<10240x64xf32, #tpu.memory_space<vmem_shared>> -> memref<128x64xf32, #tpu.memory_space<vmem_shared>>
      %dma_wait3A_57 = arith.constant 0 : i32
      %dma_wait3A_58 = arith.constant 0 : i32
      %dma_wait3A_59 = tpu.memref_slice %arg10[%run_scoped3A_21, %dma_wait3A_57, %dma_wait3A_58] : memref<4x128x64xf32, #tpu.memory_space<vmem>> -> memref<1x128x64xf32, #tpu.memory_space<vmem>>
      %dma_wait3A_60 = tpu.memref_squeeze %dma_wait3A_59 : memref<1x128x64xf32, #tpu.memory_space<vmem>> -> memref<128x64xf32, #tpu.memory_space<vmem>>
      tpu.wait_dma2 semaphore(%run_scoped3A_38 : memref<!tpu.dma_semaphore, #tpu.memory_space<semaphore_mem>>) src(%dma_wait3A_60 : memref<128x64xf32, #tpu.memory_space<vmem>>) dst(%dma_wait3A_56 : memref<128x64xf32, #tpu.memory_space<vmem_shared>>)
      tpu.yield
    }) : () -> ()
    %mul3A_22 = arith.constant 640 : i32
    %mul3A_23 = arith.muli %arg1, %mul3A_22 : i32
    %add3A_24 = arith.constant 512 : i32
    %add3A_25 = arith.addi %mul3A_23, %add3A_24 : i32
    %run_scoped3A_26 = arith.constant 0 : i32
    "tpu.region"() ({
      %run_scoped3A_38 = tpu.sem_alloc : memref<!tpu.dma_semaphore, #tpu.memory_space<semaphore_mem>>
      %dma_start3A = arith.constant 0 : i32
      %dma_start3A_39 = arith.constant 0 : i32
      %dma_start3A_40 = tpu.memref_slice %arg10[%run_scoped3A_26, %dma_start3A, %dma_start3A_39] : memref<4x128x64xf32, #tpu.memory_space<vmem>> -> memref<1x128x64xf32, #tpu.memory_space<vmem>>
      %dma_start3A_41 = tpu.memref_squeeze %dma_start3A_40 : memref<1x128x64xf32, #tpu.memory_space<vmem>> -> memref<128x64xf32, #tpu.memory_space<vmem>>
      %dma_start3A_42 = arith.constant 0 : i32
      %dma_start3A_43 = tpu.memref_slice %arg11[%add3A_25, %dma_start3A_42] : memref<10240x64xf32, #tpu.memory_space<vmem_shared>> -> memref<128x64xf32, #tpu.memory_space<vmem_shared>>
      %dma_start3A_44 = arith.constant 0 : i32
      %dma_start3A_45 = tpu.memref_slice %arg11[%add3A_25, %dma_start3A_44] : memref<10240x64xf32, #tpu.memory_space<vmem_shared>> -> memref<128x64xf32, #tpu.memory_space<vmem_shared>>
      %dma_start3A_46 = arith.constant 0 : i32
      %dma_start3A_47 = arith.constant 0 : i32
      %dma_start3A_48 = tpu.memref_slice %arg10[%run_scoped3A_26, %dma_start3A_46, %dma_start3A_47] : memref<4x128x64xf32, #tpu.memory_space<vmem>> -> memref<1x128x64xf32, #tpu.memory_space<vmem>>
      %dma_start3A_49 = tpu.memref_squeeze %dma_start3A_48 : memref<1x128x64xf32, #tpu.memory_space<vmem>> -> memref<128x64xf32, #tpu.memory_space<vmem>>
      tpu.enqueue_dma source(%dma_start3A_49 : memref<128x64xf32, #tpu.memory_space<vmem>>) target(%dma_start3A_45 : memref<128x64xf32, #tpu.memory_space<vmem_shared>>) target_semaphore(%run_scoped3A_38 : memref<!tpu.dma_semaphore, #tpu.memory_space<semaphore_mem>>)
      %dma_wait3A = arith.constant 0 : i32
      %dma_wait3A_50 = arith.constant 0 : i32
      %dma_wait3A_51 = tpu.memref_slice %arg10[%run_scoped3A_26, %dma_wait3A, %dma_wait3A_50] : memref<4x128x64xf32, #tpu.memory_space<vmem>> -> memref<1x128x64xf32, #tpu.memory_space<vmem>>
      %dma_wait3A_52 = tpu.memref_squeeze %dma_wait3A_51 : memref<1x128x64xf32, #tpu.memory_space<vmem>> -> memref<128x64xf32, #tpu.memory_space<vmem>>
      %dma_wait3A_53 = arith.constant 0 : i32
      %dma_wait3A_54 = tpu.memref_slice %arg11[%add3A_25, %dma_wait3A_53] : memref<10240x64xf32, #tpu.memory_space<vmem_shared>> -> memref<128x64xf32, #tpu.memory_space<vmem_shared>>
      %dma_wait3A_55 = arith.constant 0 : i32
      %dma_wait3A_56 = tpu.memref_slice %arg11[%add3A_25, %dma_wait3A_55] : memref<10240x64xf32, #tpu.memory_space<vmem_shared>> -> memref<128x64xf32, #tpu.memory_space<vmem_shared>>
      %dma_wait3A_57 = arith.constant 0 : i32
      %dma_wait3A_58 = arith.constant 0 : i32
      %dma_wait3A_59 = tpu.memref_slice %arg10[%run_scoped3A_26, %dma_wait3A_57, %dma_wait3A_58] : memref<4x128x64xf32, #tpu.memory_space<vmem>> -> memref<1x128x64xf32, #tpu.memory_space<vmem>>
      %dma_wait3A_60 = tpu.memref_squeeze %dma_wait3A_59 : memref<1x128x64xf32, #tpu.memory_space<vmem>> -> memref<128x64xf32, #tpu.memory_space<vmem>>
      tpu.wait_dma2 semaphore(%run_scoped3A_38 : memref<!tpu.dma_semaphore, #tpu.memory_space<semaphore_mem>>) src(%dma_wait3A_60 : memref<128x64xf32, #tpu.memory_space<vmem>>) dst(%dma_wait3A_56 : memref<128x64xf32, #tpu.memory_space<vmem_shared>>)
      tpu.yield
    }) : () -> ()
    %eq3A = arith.constant 0 : i32
    %eq3A_27 = arith.cmpi eq, %arg0, %eq3A : i32
    %convert_element_type3A = arith.extui %eq3A_27 : i1 to i32
    %cond3A = arith.constant 0 : i32
    %cond3A_28 = arith.cmpi ne, %convert_element_type3A, %cond3A : i32
    scf.if %cond3A_28 {
      "tpu.region"() ({
        %run_scoped3A_45 = tpu.sem_alloc : memref<!tpu.dma_semaphore, #tpu.memory_space<semaphore_mem>>
        %dma_start3A = arith.constant 0 : i32
        %dma_start3A_46 = arith.constant 0 : i32
        %dma_start3A_47 = tpu.memref_slice %arg3[%arg1, %dma_start3A, %dma_start3A_46] : memref<16x144x128xi32, #tpu.memory_space<hbm>> -> memref<1x144x128xi32, #tpu.memory_space<hbm>>
        %dma_start3A_48 = tpu.memref_squeeze %dma_start3A_47 : memref<1x144x128xi32, #tpu.memory_space<hbm>> -> memref<144x128xi32, #tpu.memory_space<hbm>>
        %dma_start3A_49 = arith.constant 0 : i32
        %dma_start3A_50 = arith.constant 0 : i32
        %dma_start3A_51 = tpu.memref_slice %arg3[%arg1, %dma_start3A_49, %dma_start3A_50] : memref<16x144x128xi32, #tpu.memory_space<hbm>> -> memref<1x144x128xi32, #tpu.memory_space<hbm>>
        %dma_start3A_52 = tpu.memref_squeeze %dma_start3A_51 : memref<1x144x128xi32, #tpu.memory_space<hbm>> -> memref<144x128xi32, #tpu.memory_space<hbm>>
        tpu.enqueue_dma source(%dma_start3A_52 : memref<144x128xi32, #tpu.memory_space<hbm>>) target(%arg8 : memref<144x128xi32, #tpu.memory_space<vmem>>) target_semaphore(%run_scoped3A_45 : memref<!tpu.dma_semaphore, #tpu.memory_space<semaphore_mem>>)
        %dma_wait3A = arith.constant 0 : i32
        %dma_wait3A_53 = arith.constant 0 : i32
        %dma_wait3A_54 = tpu.memref_slice %arg3[%arg1, %dma_wait3A, %dma_wait3A_53] : memref<16x144x128xi32, #tpu.memory_space<hbm>> -> memref<1x144x128xi32, #tpu.memory_space<hbm>>
        %dma_wait3A_55 = tpu.memref_squeeze %dma_wait3A_54 : memref<1x144x128xi32, #tpu.memory_space<hbm>> -> memref<144x128xi32, #tpu.memory_space<hbm>>
        %dma_wait3A_56 = arith.constant 0 : i32
        %dma_wait3A_57 = arith.constant 0 : i32
        %dma_wait3A_58 = tpu.memref_slice %arg3[%arg1, %dma_wait3A_56, %dma_wait3A_57] : memref<16x144x128xi32, #tpu.memory_space<hbm>> -> memref<1x144x128xi32, #tpu.memory_space<hbm>>
        %dma_wait3A_59 = tpu.memref_squeeze %dma_wait3A_58 : memref<1x144x128xi32, #tpu.memory_space<hbm>> -> memref<144x128xi32, #tpu.memory_space<hbm>>
        tpu.wait_dma2 semaphore(%run_scoped3A_45 : memref<!tpu.dma_semaphore, #tpu.memory_space<semaphore_mem>>) src(%dma_wait3A_59 : memref<144x128xi32, #tpu.memory_space<hbm>>) dst(%arg8 : memref<144x128xi32, #tpu.memory_space<vmem>>)
        tpu.yield
      }) : () -> ()
      "tpu.region"() ({
        %run_scoped3A_45 = tpu.sem_alloc : memref<!tpu.dma_semaphore, #tpu.memory_space<semaphore_mem>>
        %dma_start3A = arith.constant 0 : i32
        %dma_start3A_46 = arith.constant 0 : i32
        %dma_start3A_47 = tpu.memref_slice %arg4[%arg1, %dma_start3A, %dma_start3A_46] : memref<16x144x128xi32, #tpu.memory_space<hbm>> -> memref<1x144x128xi32, #tpu.memory_space<hbm>>
        %dma_start3A_48 = tpu.memref_squeeze %dma_start3A_47 : memref<1x144x128xi32, #tpu.memory_space<hbm>> -> memref<144x128xi32, #tpu.memory_space<hbm>>
        %dma_start3A_49 = arith.constant 0 : i32
        %dma_start3A_50 = arith.constant 0 : i32
        %dma_start3A_51 = tpu.memref_slice %arg4[%arg1, %dma_start3A_49, %dma_start3A_50] : memref<16x144x128xi32, #tpu.memory_space<hbm>> -> memref<1x144x128xi32, #tpu.memory_space<hbm>>
        %dma_start3A_52 = tpu.memref_squeeze %dma_start3A_51 : memref<1x144x128xi32, #tpu.memory_space<hbm>> -> memref<144x128xi32, #tpu.memory_space<hbm>>
        tpu.enqueue_dma source(%dma_start3A_52 : memref<144x128xi32, #tpu.memory_space<hbm>>) target(%arg9 : memref<144x128xi32, #tpu.memory_space<vmem>>) target_semaphore(%run_scoped3A_45 : memref<!tpu.dma_semaphore, #tpu.memory_space<semaphore_mem>>)
        %dma_wait3A = arith.constant 0 : i32
        %dma_wait3A_53 = arith.constant 0 : i32
        %dma_wait3A_54 = tpu.memref_slice %arg4[%arg1, %dma_wait3A, %dma_wait3A_53] : memref<16x144x128xi32, #tpu.memory_space<hbm>> -> memref<1x144x128xi32, #tpu.memory_space<hbm>>
        %dma_wait3A_55 = tpu.memref_squeeze %dma_wait3A_54 : memref<1x144x128xi32, #tpu.memory_space<hbm>> -> memref<144x128xi32, #tpu.memory_space<hbm>>
        %dma_wait3A_56 = arith.constant 0 : i32
        %dma_wait3A_57 = arith.constant 0 : i32
        %dma_wait3A_58 = tpu.memref_slice %arg4[%arg1, %dma_wait3A_56, %dma_wait3A_57] : memref<16x144x128xi32, #tpu.memory_space<hbm>> -> memref<1x144x128xi32, #tpu.memory_space<hbm>>
        %dma_wait3A_59 = tpu.memref_squeeze %dma_wait3A_58 : memref<1x144x128xi32, #tpu.memory_space<hbm>> -> memref<144x128xi32, #tpu.memory_space<hbm>>
        tpu.wait_dma2 semaphore(%run_scoped3A_45 : memref<!tpu.dma_semaphore, #tpu.memory_space<semaphore_mem>>) src(%dma_wait3A_59 : memref<144x128xi32, #tpu.memory_space<hbm>>) dst(%arg9 : memref<144x128xi32, #tpu.memory_space<vmem>>)
        tpu.yield
      }) : () -> ()
      %barrier3A_38 = arith.constant 0 : index
      tpu.barrier barrier_id(%barrier3A_38)
      %scan3A_39 = arith.constant 0 : i32
      %scan3A_40 = arith.constant 0 : i32
      %scan3A_41 = arith.constant 36 : i32
      %scan3A_42 = arith.addi %scan3A_40, %scan3A_41 : i32
      %scan3A_43 = arith.constant 1 : i32
      scf.for %scan3A_45 = %scan3A_40 to %scan3A_42 step %scan3A_43  : i32 {
        %mul3A_46 = arith.constant 4 : i32
        %mul3A_47 = arith.muli %scan3A_45, %mul3A_46 : i32
        %add3A_48 = arith.constant 0 : i32
        %add3A_49 = arith.addi %mul3A_47, %add3A_48 : i32
        %dma_start3A = arith.constant 0 : i32
        %dma_start3A_50 = arith.constant 0 : i32
        %dma_start3A_51 = arith.constant 0 : i32
        %dma_start3A_52 = tpu.memref_slice %arg10[%dma_start3A, %dma_start3A_50, %dma_start3A_51] : memref<4x128x64xf32, #tpu.memory_space<vmem>> -> memref<1x128x64xf32, #tpu.memory_space<vmem>>
        %dma_start3A_53 = tpu.memref_squeeze %dma_start3A_52 : memref<1x128x64xf32, #tpu.memory_space<vmem>> -> memref<128x64xf32, #tpu.memory_space<vmem>>
        %dma_start3A_54 = arith.constant 0 : i32
        %dma_start3A_55 = tpu.memref_slice %arg8[%add3A_49, %dma_start3A_54] : memref<144x128xi32, #tpu.memory_space<vmem>> -> memref<1x128xi32, #tpu.memory_space<vmem>>
        %dma_start3A_56 = tpu.memref_squeeze %dma_start3A_55 : memref<1x128xi32, #tpu.memory_space<vmem>> -> memref<128xi32, #tpu.memory_space<vmem>>
        %dma_start3A_57 = arith.constant 0 : i32
        %dma_start3A_58 = arith.constant 0 : i32
        %dma_start3A_59 = tpu.memref_slice %arg2[%dma_start3A_57, %dma_start3A_58] : memref<10240x64xf32, #tpu.memory_space<hbm>> -> memref<10240x64xf32, #tpu.memory_space<hbm>>
        tpu.enqueue_indirect_dma source(%dma_start3A_59 : memref<10240x64xf32, #tpu.memory_space<hbm>>) target(%dma_start3A_53 : memref<128x64xf32, #tpu.memory_space<vmem>>) offsets(%dma_start3A_56 : memref<128xi32, #tpu.memory_space<vmem>>) semaphore(%arg12 : memref<!tpu.dma_semaphore, #tpu.memory_space<semaphore_mem>>)
        %add3A_60 = arith.constant 1 : i32
        %add3A_61 = arith.addi %mul3A_47, %add3A_60 : i32
        %dma_start3A_62 = arith.constant 1 : i32
        %dma_start3A_63 = arith.constant 0 : i32
        %dma_start3A_64 = arith.constant 0 : i32
        %dma_start3A_65 = tpu.memref_slice %arg10[%dma_start3A_62, %dma_start3A_63, %dma_start3A_64] : memref<4x128x64xf32, #tpu.memory_space<vmem>> -> memref<1x128x64xf32, #tpu.memory_space<vmem>>
        %dma_start3A_66 = tpu.memref_squeeze %dma_start3A_65 : memref<1x128x64xf32, #tpu.memory_space<vmem>> -> memref<128x64xf32, #tpu.memory_space<vmem>>
        %dma_start3A_67 = arith.constant 0 : i32
        %dma_start3A_68 = tpu.memref_slice %arg8[%add3A_61, %dma_start3A_67] : memref<144x128xi32, #tpu.memory_space<vmem>> -> memref<1x128xi32, #tpu.memory_space<vmem>>
        %dma_start3A_69 = tpu.memref_squeeze %dma_start3A_68 : memref<1x128xi32, #tpu.memory_space<vmem>> -> memref<128xi32, #tpu.memory_space<vmem>>
        %dma_start3A_70 = arith.constant 0 : i32
        %dma_start3A_71 = arith.constant 0 : i32
        %dma_start3A_72 = tpu.memref_slice %arg2[%dma_start3A_70, %dma_start3A_71] : memref<10240x64xf32, #tpu.memory_space<hbm>> -> memref<10240x64xf32, #tpu.memory_space<hbm>>
        tpu.enqueue_indirect_dma source(%dma_start3A_72 : memref<10240x64xf32, #tpu.memory_space<hbm>>) target(%dma_start3A_66 : memref<128x64xf32, #tpu.memory_space<vmem>>) offsets(%dma_start3A_69 : memref<128xi32, #tpu.memory_space<vmem>>) semaphore(%arg12 : memref<!tpu.dma_semaphore, #tpu.memory_space<semaphore_mem>>)
        %add3A_73 = arith.constant 2 : i32
        %add3A_74 = arith.addi %mul3A_47, %add3A_73 : i32
        %dma_start3A_75 = arith.constant 2 : i32
        %dma_start3A_76 = arith.constant 0 : i32
        %dma_start3A_77 = arith.constant 0 : i32
        %dma_start3A_78 = tpu.memref_slice %arg10[%dma_start3A_75, %dma_start3A_76, %dma_start3A_77] : memref<4x128x64xf32, #tpu.memory_space<vmem>> -> memref<1x128x64xf32, #tpu.memory_space<vmem>>
        %dma_start3A_79 = tpu.memref_squeeze %dma_start3A_78 : memref<1x128x64xf32, #tpu.memory_space<vmem>> -> memref<128x64xf32, #tpu.memory_space<vmem>>
        %dma_start3A_80 = arith.constant 0 : i32
        %dma_start3A_81 = tpu.memref_slice %arg8[%add3A_74, %dma_start3A_80] : memref<144x128xi32, #tpu.memory_space<vmem>> -> memref<1x128xi32, #tpu.memory_space<vmem>>
        %dma_start3A_82 = tpu.memref_squeeze %dma_start3A_81 : memref<1x128xi32, #tpu.memory_space<vmem>> -> memref<128xi32, #tpu.memory_space<vmem>>
        %dma_start3A_83 = arith.constant 0 : i32
        %dma_start3A_84 = arith.constant 0 : i32
        %dma_start3A_85 = tpu.memref_slice %arg2[%dma_start3A_83, %dma_start3A_84] : memref<10240x64xf32, #tpu.memory_space<hbm>> -> memref<10240x64xf32, #tpu.memory_space<hbm>>
        tpu.enqueue_indirect_dma source(%dma_start3A_85 : memref<10240x64xf32, #tpu.memory_space<hbm>>) target(%dma_start3A_79 : memref<128x64xf32, #tpu.memory_space<vmem>>) offsets(%dma_start3A_82 : memref<128xi32, #tpu.memory_space<vmem>>) semaphore(%arg12 : memref<!tpu.dma_semaphore, #tpu.memory_space<semaphore_mem>>)
        %add3A_86 = arith.constant 3 : i32
        %add3A_87 = arith.addi %mul3A_47, %add3A_86 : i32
        %dma_start3A_88 = arith.constant 3 : i32
        %dma_start3A_89 = arith.constant 0 : i32
        %dma_start3A_90 = arith.constant 0 : i32
        %dma_start3A_91 = tpu.memref_slice %arg10[%dma_start3A_88, %dma_start3A_89, %dma_start3A_90] : memref<4x128x64xf32, #tpu.memory_space<vmem>> -> memref<1x128x64xf32, #tpu.memory_space<vmem>>
        %dma_start3A_92 = tpu.memref_squeeze %dma_start3A_91 : memref<1x128x64xf32, #tpu.memory_space<vmem>> -> memref<128x64xf32, #tpu.memory_space<vmem>>
        %dma_start3A_93 = arith.constant 0 : i32
        %dma_start3A_94 = tpu.memref_slice %arg8[%add3A_87, %dma_start3A_93] : memref<144x128xi32, #tpu.memory_space<vmem>> -> memref<1x128xi32, #tpu.memory_space<vmem>>
        %dma_start3A_95 = tpu.memref_squeeze %dma_start3A_94 : memref<1x128xi32, #tpu.memory_space<vmem>> -> memref<128xi32, #tpu.memory_space<vmem>>
        %dma_start3A_96 = arith.constant 0 : i32
        %dma_start3A_97 = arith.constant 0 : i32
        %dma_start3A_98 = tpu.memref_slice %arg2[%dma_start3A_96, %dma_start3A_97] : memref<10240x64xf32, #tpu.memory_space<hbm>> -> memref<10240x64xf32, #tpu.memory_space<hbm>>
        tpu.enqueue_indirect_dma source(%dma_start3A_98 : memref<10240x64xf32, #tpu.memory_space<hbm>>) target(%dma_start3A_92 : memref<128x64xf32, #tpu.memory_space<vmem>>) offsets(%dma_start3A_95 : memref<128xi32, #tpu.memory_space<vmem>>) semaphore(%arg12 : memref<!tpu.dma_semaphore, #tpu.memory_space<semaphore_mem>>)
        %dma_wait3A = arith.constant 0 : i32
        %dma_wait3A_99 = arith.constant 0 : i32
        %dma_wait3A_100 = arith.constant 0 : i32
        %dma_wait3A_101 = tpu.memref_slice %arg10[%dma_wait3A, %dma_wait3A_99, %dma_wait3A_100] : memref<4x128x64xf32, #tpu.memory_space<vmem>> -> memref<1x128x64xf32, #tpu.memory_space<vmem>>
        %dma_wait3A_102 = tpu.memref_squeeze %dma_wait3A_101 : memref<1x128x64xf32, #tpu.memory_space<vmem>> -> memref<128x64xf32, #tpu.memory_space<vmem>>
        %dma_wait3A_103 = arith.constant 0 : i32
        %dma_wait3A_104 = tpu.memref_slice %arg8[%add3A_49, %dma_wait3A_103] : memref<144x128xi32, #tpu.memory_space<vmem>> -> memref<1x128xi32, #tpu.memory_space<vmem>>
        %dma_wait3A_105 = tpu.memref_squeeze %dma_wait3A_104 : memref<1x128xi32, #tpu.memory_space<vmem>> -> memref<128xi32, #tpu.memory_space<vmem>>
        %dma_wait3A_106 = arith.constant 0 : i32
        %dma_wait3A_107 = arith.constant 0 : i32
        %dma_wait3A_108 = tpu.memref_slice %arg2[%dma_wait3A_106, %dma_wait3A_107] : memref<10240x64xf32, #tpu.memory_space<hbm>> -> memref<10240x64xf32, #tpu.memory_space<hbm>>
        tpu.wait_indirect_dma semaphore(%arg12 : memref<!tpu.dma_semaphore, #tpu.memory_space<semaphore_mem>>) src(%dma_wait3A_108 : memref<10240x64xf32, #tpu.memory_space<hbm>>) dst(%dma_wait3A_102 : memref<128x64xf32, #tpu.memory_space<vmem>>)
        %dma_wait3A_109 = arith.constant 1 : i32
        %dma_wait3A_110 = arith.constant 0 : i32
        %dma_wait3A_111 = arith.constant 0 : i32
        %dma_wait3A_112 = tpu.memref_slice %arg10[%dma_wait3A_109, %dma_wait3A_110, %dma_wait3A_111] : memref<4x128x64xf32, #tpu.memory_space<vmem>> -> memref<1x128x64xf32, #tpu.memory_space<vmem>>
        %dma_wait3A_113 = tpu.memref_squeeze %dma_wait3A_112 : memref<1x128x64xf32, #tpu.memory_space<vmem>> -> memref<128x64xf32, #tpu.memory_space<vmem>>
        %dma_wait3A_114 = arith.constant 0 : i32
        %dma_wait3A_115 = tpu.memref_slice %arg8[%add3A_61, %dma_wait3A_114] : memref<144x128xi32, #tpu.memory_space<vmem>> -> memref<1x128xi32, #tpu.memory_space<vmem>>
        %dma_wait3A_116 = tpu.memref_squeeze %dma_wait3A_115 : memref<1x128xi32, #tpu.memory_space<vmem>> -> memref<128xi32, #tpu.memory_space<vmem>>
        %dma_wait3A_117 = arith.constant 0 : i32
        %dma_wait3A_118 = arith.constant 0 : i32
        %dma_wait3A_119 = tpu.memref_slice %arg2[%dma_wait3A_117, %dma_wait3A_118] : memref<10240x64xf32, #tpu.memory_space<hbm>> -> memref<10240x64xf32, #tpu.memory_space<hbm>>
        tpu.wait_indirect_dma semaphore(%arg12 : memref<!tpu.dma_semaphore, #tpu.memory_space<semaphore_mem>>) src(%dma_wait3A_119 : memref<10240x64xf32, #tpu.memory_space<hbm>>) dst(%dma_wait3A_113 : memref<128x64xf32, #tpu.memory_space<vmem>>)
        %dma_wait3A_120 = arith.constant 2 : i32
        %dma_wait3A_121 = arith.constant 0 : i32
        %dma_wait3A_122 = arith.constant 0 : i32
        %dma_wait3A_123 = tpu.memref_slice %arg10[%dma_wait3A_120, %dma_wait3A_121, %dma_wait3A_122] : memref<4x128x64xf32, #tpu.memory_space<vmem>> -> memref<1x128x64xf32, #tpu.memory_space<vmem>>
        %dma_wait3A_124 = tpu.memref_squeeze %dma_wait3A_123 : memref<1x128x64xf32, #tpu.memory_space<vmem>> -> memref<128x64xf32, #tpu.memory_space<vmem>>
        %dma_wait3A_125 = arith.constant 0 : i32
        %dma_wait3A_126 = tpu.memref_slice %arg8[%add3A_74, %dma_wait3A_125] : memref<144x128xi32, #tpu.memory_space<vmem>> -> memref<1x128xi32, #tpu.memory_space<vmem>>
        %dma_wait3A_127 = tpu.memref_squeeze %dma_wait3A_126 : memref<1x128xi32, #tpu.memory_space<vmem>> -> memref<128xi32, #tpu.memory_space<vmem>>
        %dma_wait3A_128 = arith.constant 0 : i32
        %dma_wait3A_129 = arith.constant 0 : i32
        %dma_wait3A_130 = tpu.memref_slice %arg2[%dma_wait3A_128, %dma_wait3A_129] : memref<10240x64xf32, #tpu.memory_space<hbm>> -> memref<10240x64xf32, #tpu.memory_space<hbm>>
        tpu.wait_indirect_dma semaphore(%arg12 : memref<!tpu.dma_semaphore, #tpu.memory_space<semaphore_mem>>) src(%dma_wait3A_130 : memref<10240x64xf32, #tpu.memory_space<hbm>>) dst(%dma_wait3A_124 : memref<128x64xf32, #tpu.memory_space<vmem>>)
        %dma_wait3A_131 = arith.constant 3 : i32
        %dma_wait3A_132 = arith.constant 0 : i32
        %dma_wait3A_133 = arith.constant 0 : i32
        %dma_wait3A_134 = tpu.memref_slice %arg10[%dma_wait3A_131, %dma_wait3A_132, %dma_wait3A_133] : memref<4x128x64xf32, #tpu.memory_space<vmem>> -> memref<1x128x64xf32, #tpu.memory_space<vmem>>
        %dma_wait3A_135 = tpu.memref_squeeze %dma_wait3A_134 : memref<1x128x64xf32, #tpu.memory_space<vmem>> -> memref<128x64xf32, #tpu.memory_space<vmem>>
        %dma_wait3A_136 = arith.constant 0 : i32
        %dma_wait3A_137 = tpu.memref_slice %arg8[%add3A_87, %dma_wait3A_136] : memref<144x128xi32, #tpu.memory_space<vmem>> -> memref<1x128xi32, #tpu.memory_space<vmem>>
        %dma_wait3A_138 = tpu.memref_squeeze %dma_wait3A_137 : memref<1x128xi32, #tpu.memory_space<vmem>> -> memref<128xi32, #tpu.memory_space<vmem>>
        %dma_wait3A_139 = arith.constant 0 : i32
        %dma_wait3A_140 = arith.constant 0 : i32
        %dma_wait3A_141 = tpu.memref_slice %arg2[%dma_wait3A_139, %dma_wait3A_140] : memref<10240x64xf32, #tpu.memory_space<hbm>> -> memref<10240x64xf32, #tpu.memory_space<hbm>>
        tpu.wait_indirect_dma semaphore(%arg12 : memref<!tpu.dma_semaphore, #tpu.memory_space<semaphore_mem>>) src(%dma_wait3A_141 : memref<10240x64xf32, #tpu.memory_space<hbm>>) dst(%dma_wait3A_135 : memref<128x64xf32, #tpu.memory_space<vmem>>)
        %add3A_142 = arith.constant 0 : i32
        %add3A_143 = arith.addi %mul3A_47, %add3A_142 : i32
        %dma_start3A_144 = arith.constant 0 : i32
        %dma_start3A_145 = arith.constant 0 : i32
        %dma_start3A_146 = arith.constant 0 : i32
        %dma_start3A_147 = tpu.memref_slice %arg10[%dma_start3A_144, %dma_start3A_145, %dma_start3A_146] : memref<4x128x64xf32, #tpu.memory_space<vmem>> -> memref<1x128x64xf32, #tpu.memory_space<vmem>>
        %dma_start3A_148 = tpu.memref_squeeze %dma_start3A_147 : memref<1x128x64xf32, #tpu.memory_space<vmem>> -> memref<128x64xf32, #tpu.memory_space<vmem>>
        %dma_start3A_149 = arith.constant 0 : i32
        %dma_start3A_150 = tpu.memref_slice %arg9[%add3A_143, %dma_start3A_149] : memref<144x128xi32, #tpu.memory_space<vmem>> -> memref<1x128xi32, #tpu.memory_space<vmem>>
        %dma_start3A_151 = tpu.memref_squeeze %dma_start3A_150 : memref<1x128xi32, #tpu.memory_space<vmem>> -> memref<128xi32, #tpu.memory_space<vmem>>
        %dma_start3A_152 = arith.constant 0 : i32
        %dma_start3A_153 = arith.constant 0 : i32
        %dma_start3A_154 = tpu.memref_slice %arg11[%dma_start3A_152, %dma_start3A_153] : memref<10240x64xf32, #tpu.memory_space<vmem_shared>> -> memref<10240x64xf32, #tpu.memory_space<vmem_shared>>
        tpu.enqueue_indirect_dma source(%dma_start3A_148 : memref<128x64xf32, #tpu.memory_space<vmem>>) target(%dma_start3A_154 : memref<10240x64xf32, #tpu.memory_space<vmem_shared>>) offsets(%dma_start3A_151 : memref<128xi32, #tpu.memory_space<vmem>>) semaphore(%arg13 : memref<!tpu.dma_semaphore, #tpu.memory_space<semaphore_mem>>) {add = true}
        %dma_wait3A_155 = arith.constant 0 : i32
        %dma_wait3A_156 = arith.constant 0 : i32
        %dma_wait3A_157 = arith.constant 0 : i32
        %dma_wait3A_158 = tpu.memref_slice %arg10[%dma_wait3A_155, %dma_wait3A_156, %dma_wait3A_157] : memref<4x128x64xf32, #tpu.memory_space<vmem>> -> memref<1x128x64xf32, #tpu.memory_space<vmem>>
        %dma_wait3A_159 = tpu.memref_squeeze %dma_wait3A_158 : memref<1x128x64xf32, #tpu.memory_space<vmem>> -> memref<128x64xf32, #tpu.memory_space<vmem>>
        %dma_wait3A_160 = arith.constant 0 : i32
        %dma_wait3A_161 = tpu.memref_slice %arg9[%add3A_143, %dma_wait3A_160] : memref<144x128xi32, #tpu.memory_space<vmem>> -> memref<1x128xi32, #tpu.memory_space<vmem>>
        %dma_wait3A_162 = tpu.memref_squeeze %dma_wait3A_161 : memref<1x128xi32, #tpu.memory_space<vmem>> -> memref<128xi32, #tpu.memory_space<vmem>>
        %dma_wait3A_163 = arith.constant 0 : i32
        %dma_wait3A_164 = arith.constant 0 : i32
        %dma_wait3A_165 = tpu.memref_slice %arg11[%dma_wait3A_163, %dma_wait3A_164] : memref<10240x64xf32, #tpu.memory_space<vmem_shared>> -> memref<10240x64xf32, #tpu.memory_space<vmem_shared>>
        tpu.wait_indirect_dma semaphore(%arg13 : memref<!tpu.dma_semaphore, #tpu.memory_space<semaphore_mem>>) src(%dma_wait3A_159 : memref<128x64xf32, #tpu.memory_space<vmem>>) dst(%dma_wait3A_165 : memref<10240x64xf32, #tpu.memory_space<vmem_shared>>)
        %add3A_166 = arith.constant 1 : i32
        %add3A_167 = arith.addi %mul3A_47, %add3A_166 : i32
        %dma_start3A_168 = arith.constant 1 : i32
        %dma_start3A_169 = arith.constant 0 : i32
        %dma_start3A_170 = arith.constant 0 : i32
        %dma_start3A_171 = tpu.memref_slice %arg10[%dma_start3A_168, %dma_start3A_169, %dma_start3A_170] : memref<4x128x64xf32, #tpu.memory_space<vmem>> -> memref<1x128x64xf32, #tpu.memory_space<vmem>>
        %dma_start3A_172 = tpu.memref_squeeze %dma_start3A_171 : memref<1x128x64xf32, #tpu.memory_space<vmem>> -> memref<128x64xf32, #tpu.memory_space<vmem>>
        %dma_start3A_173 = arith.constant 0 : i32
        %dma_start3A_174 = tpu.memref_slice %arg9[%add3A_167, %dma_start3A_173] : memref<144x128xi32, #tpu.memory_space<vmem>> -> memref<1x128xi32, #tpu.memory_space<vmem>>
        %dma_start3A_175 = tpu.memref_squeeze %dma_start3A_174 : memref<1x128xi32, #tpu.memory_space<vmem>> -> memref<128xi32, #tpu.memory_space<vmem>>
        %dma_start3A_176 = arith.constant 0 : i32
        %dma_start3A_177 = arith.constant 0 : i32
        %dma_start3A_178 = tpu.memref_slice %arg11[%dma_start3A_176, %dma_start3A_177] : memref<10240x64xf32, #tpu.memory_space<vmem_shared>> -> memref<10240x64xf32, #tpu.memory_space<vmem_shared>>
        tpu.enqueue_indirect_dma source(%dma_start3A_172 : memref<128x64xf32, #tpu.memory_space<vmem>>) target(%dma_start3A_178 : memref<10240x64xf32, #tpu.memory_space<vmem_shared>>) offsets(%dma_start3A_175 : memref<128xi32, #tpu.memory_space<vmem>>) semaphore(%arg13 : memref<!tpu.dma_semaphore, #tpu.memory_space<semaphore_mem>>) {add = true}
        %dma_wait3A_179 = arith.constant 1 : i32
        %dma_wait3A_180 = arith.constant 0 : i32
        %dma_wait3A_181 = arith.constant 0 : i32
        %dma_wait3A_182 = tpu.memref_slice %arg10[%dma_wait3A_179, %dma_wait3A_180, %dma_wait3A_181] : memref<4x128x64xf32, #tpu.memory_space<vmem>> -> memref<1x128x64xf32, #tpu.memory_space<vmem>>
        %dma_wait3A_183 = tpu.memref_squeeze %dma_wait3A_182 : memref<1x128x64xf32, #tpu.memory_space<vmem>> -> memref<128x64xf32, #tpu.memory_space<vmem>>
        %dma_wait3A_184 = arith.constant 0 : i32
        %dma_wait3A_185 = tpu.memref_slice %arg9[%add3A_167, %dma_wait3A_184] : memref<144x128xi32, #tpu.memory_space<vmem>> -> memref<1x128xi32, #tpu.memory_space<vmem>>
        %dma_wait3A_186 = tpu.memref_squeeze %dma_wait3A_185 : memref<1x128xi32, #tpu.memory_space<vmem>> -> memref<128xi32, #tpu.memory_space<vmem>>
        %dma_wait3A_187 = arith.constant 0 : i32
        %dma_wait3A_188 = arith.constant 0 : i32
        %dma_wait3A_189 = tpu.memref_slice %arg11[%dma_wait3A_187, %dma_wait3A_188] : memref<10240x64xf32, #tpu.memory_space<vmem_shared>> -> memref<10240x64xf32, #tpu.memory_space<vmem_shared>>
        tpu.wait_indirect_dma semaphore(%arg13 : memref<!tpu.dma_semaphore, #tpu.memory_space<semaphore_mem>>) src(%dma_wait3A_183 : memref<128x64xf32, #tpu.memory_space<vmem>>) dst(%dma_wait3A_189 : memref<10240x64xf32, #tpu.memory_space<vmem_shared>>)
        %add3A_190 = arith.constant 2 : i32
        %add3A_191 = arith.addi %mul3A_47, %add3A_190 : i32
        %dma_start3A_192 = arith.constant 2 : i32
        %dma_start3A_193 = arith.constant 0 : i32
        %dma_start3A_194 = arith.constant 0 : i32
        %dma_start3A_195 = tpu.memref_slice %arg10[%dma_start3A_192, %dma_start3A_193, %dma_start3A_194] : memref<4x128x64xf32, #tpu.memory_space<vmem>> -> memref<1x128x64xf32, #tpu.memory_space<vmem>>
        %dma_start3A_196 = tpu.memref_squeeze %dma_start3A_195 : memref<1x128x64xf32, #tpu.memory_space<vmem>> -> memref<128x64xf32, #tpu.memory_space<vmem>>
        %dma_start3A_197 = arith.constant 0 : i32
        %dma_start3A_198 = tpu.memref_slice %arg9[%add3A_191, %dma_start3A_197] : memref<144x128xi32, #tpu.memory_space<vmem>> -> memref<1x128xi32, #tpu.memory_space<vmem>>
        %dma_start3A_199 = tpu.memref_squeeze %dma_start3A_198 : memref<1x128xi32, #tpu.memory_space<vmem>> -> memref<128xi32, #tpu.memory_space<vmem>>
        %dma_start3A_200 = arith.constant 0 : i32
        %dma_start3A_201 = arith.constant 0 : i32
        %dma_start3A_202 = tpu.memref_slice %arg11[%dma_start3A_200, %dma_start3A_201] : memref<10240x64xf32, #tpu.memory_space<vmem_shared>> -> memref<10240x64xf32, #tpu.memory_space<vmem_shared>>
        tpu.enqueue_indirect_dma source(%dma_start3A_196 : memref<128x64xf32, #tpu.memory_space<vmem>>) target(%dma_start3A_202 : memref<10240x64xf32, #tpu.memory_space<vmem_shared>>) offsets(%dma_start3A_199 : memref<128xi32, #tpu.memory_space<vmem>>) semaphore(%arg13 : memref<!tpu.dma_semaphore, #tpu.memory_space<semaphore_mem>>) {add = true}
        %dma_wait3A_203 = arith.constant 2 : i32
        %dma_wait3A_204 = arith.constant 0 : i32
        %dma_wait3A_205 = arith.constant 0 : i32
        %dma_wait3A_206 = tpu.memref_slice %arg10[%dma_wait3A_203, %dma_wait3A_204, %dma_wait3A_205] : memref<4x128x64xf32, #tpu.memory_space<vmem>> -> memref<1x128x64xf32, #tpu.memory_space<vmem>>
        %dma_wait3A_207 = tpu.memref_squeeze %dma_wait3A_206 : memref<1x128x64xf32, #tpu.memory_space<vmem>> -> memref<128x64xf32, #tpu.memory_space<vmem>>
        %dma_wait3A_208 = arith.constant 0 : i32
        %dma_wait3A_209 = tpu.memref_slice %arg9[%add3A_191, %dma_wait3A_208] : memref<144x128xi32, #tpu.memory_space<vmem>> -> memref<1x128xi32, #tpu.memory_space<vmem>>
        %dma_wait3A_210 = tpu.memref_squeeze %dma_wait3A_209 : memref<1x128xi32, #tpu.memory_space<vmem>> -> memref<128xi32, #tpu.memory_space<vmem>>
        %dma_wait3A_211 = arith.constant 0 : i32
        %dma_wait3A_212 = arith.constant 0 : i32
        %dma_wait3A_213 = tpu.memref_slice %arg11[%dma_wait3A_211, %dma_wait3A_212] : memref<10240x64xf32, #tpu.memory_space<vmem_shared>> -> memref<10240x64xf32, #tpu.memory_space<vmem_shared>>
        tpu.wait_indirect_dma semaphore(%arg13 : memref<!tpu.dma_semaphore, #tpu.memory_space<semaphore_mem>>) src(%dma_wait3A_207 : memref<128x64xf32, #tpu.memory_space<vmem>>) dst(%dma_wait3A_213 : memref<10240x64xf32, #tpu.memory_space<vmem_shared>>)
        %add3A_214 = arith.constant 3 : i32
        %add3A_215 = arith.addi %mul3A_47, %add3A_214 : i32
        %dma_start3A_216 = arith.constant 3 : i32
        %dma_start3A_217 = arith.constant 0 : i32
        %dma_start3A_218 = arith.constant 0 : i32
        %dma_start3A_219 = tpu.memref_slice %arg10[%dma_start3A_216, %dma_start3A_217, %dma_start3A_218] : memref<4x128x64xf32, #tpu.memory_space<vmem>> -> memref<1x128x64xf32, #tpu.memory_space<vmem>>
        %dma_start3A_220 = tpu.memref_squeeze %dma_start3A_219 : memref<1x128x64xf32, #tpu.memory_space<vmem>> -> memref<128x64xf32, #tpu.memory_space<vmem>>
        %dma_start3A_221 = arith.constant 0 : i32
        %dma_start3A_222 = tpu.memref_slice %arg9[%add3A_215, %dma_start3A_221] : memref<144x128xi32, #tpu.memory_space<vmem>> -> memref<1x128xi32, #tpu.memory_space<vmem>>
        %dma_start3A_223 = tpu.memref_squeeze %dma_start3A_222 : memref<1x128xi32, #tpu.memory_space<vmem>> -> memref<128xi32, #tpu.memory_space<vmem>>
        %dma_start3A_224 = arith.constant 0 : i32
        %dma_start3A_225 = arith.constant 0 : i32
        %dma_start3A_226 = tpu.memref_slice %arg11[%dma_start3A_224, %dma_start3A_225] : memref<10240x64xf32, #tpu.memory_space<vmem_shared>> -> memref<10240x64xf32, #tpu.memory_space<vmem_shared>>
        tpu.enqueue_indirect_dma source(%dma_start3A_220 : memref<128x64xf32, #tpu.memory_space<vmem>>) target(%dma_start3A_226 : memref<10240x64xf32, #tpu.memory_space<vmem_shared>>) offsets(%dma_start3A_223 : memref<128xi32, #tpu.memory_space<vmem>>) semaphore(%arg13 : memref<!tpu.dma_semaphore, #tpu.memory_space<semaphore_mem>>) {add = true}
        %dma_wait3A_227 = arith.constant 3 : i32
        %dma_wait3A_228 = arith.constant 0 : i32
        %dma_wait3A_229 = arith.constant 0 : i32
        %dma_wait3A_230 = tpu.memref_slice %arg10[%dma_wait3A_227, %dma_wait3A_228, %dma_wait3A_229] : memref<4x128x64xf32, #tpu.memory_space<vmem>> -> memref<1x128x64xf32, #tpu.memory_space<vmem>>
        %dma_wait3A_231 = tpu.memref_squeeze %dma_wait3A_230 : memref<1x128x64xf32, #tpu.memory_space<vmem>> -> memref<128x64xf32, #tpu.memory_space<vmem>>
        %dma_wait3A_232 = arith.constant 0 : i32
        %dma_wait3A_233 = tpu.memref_slice %arg9[%add3A_215, %dma_wait3A_232] : memref<144x128xi32, #tpu.memory_space<vmem>> -> memref<1x128xi32, #tpu.memory_space<vmem>>
        %dma_wait3A_234 = tpu.memref_squeeze %dma_wait3A_233 : memref<1x128xi32, #tpu.memory_space<vmem>> -> memref<128xi32, #tpu.memory_space<vmem>>
        %dma_wait3A_235 = arith.constant 0 : i32
        %dma_wait3A_236 = arith.constant 0 : i32
        %dma_wait3A_237 = tpu.memref_slice %arg11[%dma_wait3A_235, %dma_wait3A_236] : memref<10240x64xf32, #tpu.memory_space<vmem_shared>> -> memref<10240x64xf32, #tpu.memory_space<vmem_shared>>
        tpu.wait_indirect_dma semaphore(%arg13 : memref<!tpu.dma_semaphore, #tpu.memory_space<semaphore_mem>>) src(%dma_wait3A_231 : memref<128x64xf32, #tpu.memory_space<vmem>>) dst(%dma_wait3A_237 : memref<10240x64xf32, #tpu.memory_space<vmem_shared>>)
      }
      %scan3A_44 = arith.constant 36 : i32
    } else {
    }
    %eq3A_29 = arith.constant 1 : i32
    %eq3A_30 = arith.cmpi eq, %arg0, %eq3A_29 : i32
    %convert_element_type3A_31 = arith.extui %eq3A_30 : i1 to i32
    %cond3A_32 = arith.constant 0 : i32
    %cond3A_33 = arith.cmpi ne, %convert_element_type3A_31, %cond3A_32 : i32
    scf.if %cond3A_33 {
      "tpu.region"() ({
        %run_scoped3A_45 = tpu.sem_alloc : memref<!tpu.dma_semaphore, #tpu.memory_space<semaphore_mem>>
        %dma_start3A = arith.constant 0 : i32
        %dma_start3A_46 = arith.constant 0 : i32
        %dma_start3A_47 = tpu.memref_slice %arg8[%dma_start3A, %dma_start3A_46] : memref<144x128xi32, #tpu.memory_space<vmem>> -> memref<16x128xi32, #tpu.memory_space<vmem>>
        %dma_start3A_48 = arith.constant 0 : i32
        %dma_start3A_49 = arith.constant 0 : i32
        %dma_start3A_50 = tpu.memref_slice %arg5[%arg1, %dma_start3A_48, %dma_start3A_49] : memref<16x16x128xi32, #tpu.memory_space<hbm>> -> memref<1x16x128xi32, #tpu.memory_space<hbm>>
        %dma_start3A_51 = tpu.memref_squeeze %dma_start3A_50 : memref<1x16x128xi32, #tpu.memory_space<hbm>> -> memref<16x128xi32, #tpu.memory_space<hbm>>
        %dma_start3A_52 = arith.constant 0 : i32
        %dma_start3A_53 = arith.constant 0 : i32
        %dma_start3A_54 = tpu.memref_slice %arg8[%dma_start3A_52, %dma_start3A_53] : memref<144x128xi32, #tpu.memory_space<vmem>> -> memref<16x128xi32, #tpu.memory_space<vmem>>
        %dma_start3A_55 = arith.constant 0 : i32
        %dma_start3A_56 = arith.constant 0 : i32
        %dma_start3A_57 = tpu.memref_slice %arg5[%arg1, %dma_start3A_55, %dma_start3A_56] : memref<16x16x128xi32, #tpu.memory_space<hbm>> -> memref<1x16x128xi32, #tpu.memory_space<hbm>>
        %dma_start3A_58 = tpu.memref_squeeze %dma_start3A_57 : memref<1x16x128xi32, #tpu.memory_space<hbm>> -> memref<16x128xi32, #tpu.memory_space<hbm>>
        tpu.enqueue_dma source(%dma_start3A_58 : memref<16x128xi32, #tpu.memory_space<hbm>>) target(%dma_start3A_54 : memref<16x128xi32, #tpu.memory_space<vmem>>) target_semaphore(%run_scoped3A_45 : memref<!tpu.dma_semaphore, #tpu.memory_space<semaphore_mem>>)
        %dma_wait3A = arith.constant 0 : i32
        %dma_wait3A_59 = arith.constant 0 : i32
        %dma_wait3A_60 = tpu.memref_slice %arg8[%dma_wait3A, %dma_wait3A_59] : memref<144x128xi32, #tpu.memory_space<vmem>> -> memref<16x128xi32, #tpu.memory_space<vmem>>
        %dma_wait3A_61 = arith.constant 0 : i32
        %dma_wait3A_62 = arith.constant 0 : i32
        %dma_wait3A_63 = tpu.memref_slice %arg5[%arg1, %dma_wait3A_61, %dma_wait3A_62] : memref<16x16x128xi32, #tpu.memory_space<hbm>> -> memref<1x16x128xi32, #tpu.memory_space<hbm>>
        %dma_wait3A_64 = tpu.memref_squeeze %dma_wait3A_63 : memref<1x16x128xi32, #tpu.memory_space<hbm>> -> memref<16x128xi32, #tpu.memory_space<hbm>>
        %dma_wait3A_65 = arith.constant 0 : i32
        %dma_wait3A_66 = arith.constant 0 : i32
        %dma_wait3A_67 = tpu.memref_slice %arg8[%dma_wait3A_65, %dma_wait3A_66] : memref<144x128xi32, #tpu.memory_space<vmem>> -> memref<16x128xi32, #tpu.memory_space<vmem>>
        %dma_wait3A_68 = arith.constant 0 : i32
        %dma_wait3A_69 = arith.constant 0 : i32
        %dma_wait3A_70 = tpu.memref_slice %arg5[%arg1, %dma_wait3A_68, %dma_wait3A_69] : memref<16x16x128xi32, #tpu.memory_space<hbm>> -> memref<1x16x128xi32, #tpu.memory_space<hbm>>
        %dma_wait3A_71 = tpu.memref_squeeze %dma_wait3A_70 : memref<1x16x128xi32, #tpu.memory_space<hbm>> -> memref<16x128xi32, #tpu.memory_space<hbm>>
        tpu.wait_dma2 semaphore(%run_scoped3A_45 : memref<!tpu.dma_semaphore, #tpu.memory_space<semaphore_mem>>) src(%dma_wait3A_71 : memref<16x128xi32, #tpu.memory_space<hbm>>) dst(%dma_wait3A_67 : memref<16x128xi32, #tpu.memory_space<vmem>>)
        tpu.yield
      }) : () -> ()
      "tpu.region"() ({
        %run_scoped3A_45 = tpu.sem_alloc : memref<!tpu.dma_semaphore, #tpu.memory_space<semaphore_mem>>
        %dma_start3A = arith.constant 0 : i32
        %dma_start3A_46 = arith.constant 0 : i32
        %dma_start3A_47 = tpu.memref_slice %arg9[%dma_start3A, %dma_start3A_46] : memref<144x128xi32, #tpu.memory_space<vmem>> -> memref<16x128xi32, #tpu.memory_space<vmem>>
        %dma_start3A_48 = arith.constant 0 : i32
        %dma_start3A_49 = arith.constant 0 : i32
        %dma_start3A_50 = tpu.memref_slice %arg6[%arg1, %dma_start3A_48, %dma_start3A_49] : memref<16x16x128xi32, #tpu.memory_space<hbm>> -> memref<1x16x128xi32, #tpu.memory_space<hbm>>
        %dma_start3A_51 = tpu.memref_squeeze %dma_start3A_50 : memref<1x16x128xi32, #tpu.memory_space<hbm>> -> memref<16x128xi32, #tpu.memory_space<hbm>>
        %dma_start3A_52 = arith.constant 0 : i32
        %dma_start3A_53 = arith.constant 0 : i32
        %dma_start3A_54 = tpu.memref_slice %arg9[%dma_start3A_52, %dma_start3A_53] : memref<144x128xi32, #tpu.memory_space<vmem>> -> memref<16x128xi32, #tpu.memory_space<vmem>>
        %dma_start3A_55 = arith.constant 0 : i32
        %dma_start3A_56 = arith.constant 0 : i32
        %dma_start3A_57 = tpu.memref_slice %arg6[%arg1, %dma_start3A_55, %dma_start3A_56] : memref<16x16x128xi32, #tpu.memory_space<hbm>> -> memref<1x16x128xi32, #tpu.memory_space<hbm>>
        %dma_start3A_58 = tpu.memref_squeeze %dma_start3A_57 : memref<1x16x128xi32, #tpu.memory_space<hbm>> -> memref<16x128xi32, #tpu.memory_space<hbm>>
        tpu.enqueue_dma source(%dma_start3A_58 : memref<16x128xi32, #tpu.memory_space<hbm>>) target(%dma_start3A_54 : memref<16x128xi32, #tpu.memory_space<vmem>>) target_semaphore(%run_scoped3A_45 : memref<!tpu.dma_semaphore, #tpu.memory_space<semaphore_mem>>)
        %dma_wait3A = arith.constant 0 : i32
        %dma_wait3A_59 = arith.constant 0 : i32
        %dma_wait3A_60 = tpu.memref_slice %arg9[%dma_wait3A, %dma_wait3A_59] : memref<144x128xi32, #tpu.memory_space<vmem>> -> memref<16x128xi32, #tpu.memory_space<vmem>>
        %dma_wait3A_61 = arith.constant 0 : i32
        %dma_wait3A_62 = arith.constant 0 : i32
        %dma_wait3A_63 = tpu.memref_slice %arg6[%arg1, %dma_wait3A_61, %dma_wait3A_62] : memref<16x16x128xi32, #tpu.memory_space<hbm>> -> memref<1x16x128xi32, #tpu.memory_space<hbm>>
        %dma_wait3A_64 = tpu.memref_squeeze %dma_wait3A_63 : memref<1x16x128xi32, #tpu.memory_space<hbm>> -> memref<16x128xi32, #tpu.memory_space<hbm>>
        %dma_wait3A_65 = arith.constant 0 : i32
        %dma_wait3A_66 = arith.constant 0 : i32
        %dma_wait3A_67 = tpu.memref_slice %arg9[%dma_wait3A_65, %dma_wait3A_66] : memref<144x128xi32, #tpu.memory_space<vmem>> -> memref<16x128xi32, #tpu.memory_space<vmem>>
        %dma_wait3A_68 = arith.constant 0 : i32
        %dma_wait3A_69 = arith.constant 0 : i32
        %dma_wait3A_70 = tpu.memref_slice %arg6[%arg1, %dma_wait3A_68, %dma_wait3A_69] : memref<16x16x128xi32, #tpu.memory_space<hbm>> -> memref<1x16x128xi32, #tpu.memory_space<hbm>>
        %dma_wait3A_71 = tpu.memref_squeeze %dma_wait3A_70 : memref<1x16x128xi32, #tpu.memory_space<hbm>> -> memref<16x128xi32, #tpu.memory_space<hbm>>
        tpu.wait_dma2 semaphore(%run_scoped3A_45 : memref<!tpu.dma_semaphore, #tpu.memory_space<semaphore_mem>>) src(%dma_wait3A_71 : memref<16x128xi32, #tpu.memory_space<hbm>>) dst(%dma_wait3A_67 : memref<16x128xi32, #tpu.memory_space<vmem>>)
        tpu.yield
      }) : () -> ()
      %barrier3A_38 = arith.constant 0 : index
      tpu.barrier barrier_id(%barrier3A_38)
      %scan3A_39 = arith.constant 0 : i32
      %scan3A_40 = arith.constant 0 : i32
      %scan3A_41 = arith.constant 4 : i32
      %scan3A_42 = arith.addi %scan3A_40, %scan3A_41 : i32
      %scan3A_43 = arith.constant 1 : i32
      scf.for %scan3A_45 = %scan3A_40 to %scan3A_42 step %scan3A_43  : i32 {
        %mul3A_46 = arith.constant 4 : i32
        %mul3A_47 = arith.muli %scan3A_45, %mul3A_46 : i32
        %add3A_48 = arith.constant 0 : i32
        %add3A_49 = arith.addi %mul3A_47, %add3A_48 : i32
        %dma_start3A = arith.constant 0 : i32
        %dma_start3A_50 = arith.constant 0 : i32
        %dma_start3A_51 = arith.constant 0 : i32
        %dma_start3A_52 = tpu.memref_slice %arg10[%dma_start3A, %dma_start3A_50, %dma_start3A_51] : memref<4x128x64xf32, #tpu.memory_space<vmem>> -> memref<1x128x64xf32, #tpu.memory_space<vmem>>
        %dma_start3A_53 = tpu.memref_squeeze %dma_start3A_52 : memref<1x128x64xf32, #tpu.memory_space<vmem>> -> memref<128x64xf32, #tpu.memory_space<vmem>>
        %dma_start3A_54 = arith.constant 0 : i32
        %dma_start3A_55 = tpu.memref_slice %arg8[%add3A_49, %dma_start3A_54] : memref<144x128xi32, #tpu.memory_space<vmem>> -> memref<1x128xi32, #tpu.memory_space<vmem>>
        %dma_start3A_56 = tpu.memref_squeeze %dma_start3A_55 : memref<1x128xi32, #tpu.memory_space<vmem>> -> memref<128xi32, #tpu.memory_space<vmem>>
        %dma_start3A_57 = arith.constant 0 : i32
        %dma_start3A_58 = arith.constant 0 : i32
        %dma_start3A_59 = tpu.memref_slice %arg2[%dma_start3A_57, %dma_start3A_58] : memref<10240x64xf32, #tpu.memory_space<hbm>> -> memref<10240x64xf32, #tpu.memory_space<hbm>>
        tpu.enqueue_indirect_dma source(%dma_start3A_59 : memref<10240x64xf32, #tpu.memory_space<hbm>>) target(%dma_start3A_53 : memref<128x64xf32, #tpu.memory_space<vmem>>) offsets(%dma_start3A_56 : memref<128xi32, #tpu.memory_space<vmem>>) semaphore(%arg12 : memref<!tpu.dma_semaphore, #tpu.memory_space<semaphore_mem>>)
        %add3A_60 = arith.constant 1 : i32
        %add3A_61 = arith.addi %mul3A_47, %add3A_60 : i32
        %dma_start3A_62 = arith.constant 1 : i32
        %dma_start3A_63 = arith.constant 0 : i32
        %dma_start3A_64 = arith.constant 0 : i32
        %dma_start3A_65 = tpu.memref_slice %arg10[%dma_start3A_62, %dma_start3A_63, %dma_start3A_64] : memref<4x128x64xf32, #tpu.memory_space<vmem>> -> memref<1x128x64xf32, #tpu.memory_space<vmem>>
        %dma_start3A_66 = tpu.memref_squeeze %dma_start3A_65 : memref<1x128x64xf32, #tpu.memory_space<vmem>> -> memref<128x64xf32, #tpu.memory_space<vmem>>
        %dma_start3A_67 = arith.constant 0 : i32
        %dma_start3A_68 = tpu.memref_slice %arg8[%add3A_61, %dma_start3A_67] : memref<144x128xi32, #tpu.memory_space<vmem>> -> memref<1x128xi32, #tpu.memory_space<vmem>>
        %dma_start3A_69 = tpu.memref_squeeze %dma_start3A_68 : memref<1x128xi32, #tpu.memory_space<vmem>> -> memref<128xi32, #tpu.memory_space<vmem>>
        %dma_start3A_70 = arith.constant 0 : i32
        %dma_start3A_71 = arith.constant 0 : i32
        %dma_start3A_72 = tpu.memref_slice %arg2[%dma_start3A_70, %dma_start3A_71] : memref<10240x64xf32, #tpu.memory_space<hbm>> -> memref<10240x64xf32, #tpu.memory_space<hbm>>
        tpu.enqueue_indirect_dma source(%dma_start3A_72 : memref<10240x64xf32, #tpu.memory_space<hbm>>) target(%dma_start3A_66 : memref<128x64xf32, #tpu.memory_space<vmem>>) offsets(%dma_start3A_69 : memref<128xi32, #tpu.memory_space<vmem>>) semaphore(%arg12 : memref<!tpu.dma_semaphore, #tpu.memory_space<semaphore_mem>>)
        %add3A_73 = arith.constant 2 : i32
        %add3A_74 = arith.addi %mul3A_47, %add3A_73 : i32
        %dma_start3A_75 = arith.constant 2 : i32
        %dma_start3A_76 = arith.constant 0 : i32
        %dma_start3A_77 = arith.constant 0 : i32
        %dma_start3A_78 = tpu.memref_slice %arg10[%dma_start3A_75, %dma_start3A_76, %dma_start3A_77] : memref<4x128x64xf32, #tpu.memory_space<vmem>> -> memref<1x128x64xf32, #tpu.memory_space<vmem>>
        %dma_start3A_79 = tpu.memref_squeeze %dma_start3A_78 : memref<1x128x64xf32, #tpu.memory_space<vmem>> -> memref<128x64xf32, #tpu.memory_space<vmem>>
        %dma_start3A_80 = arith.constant 0 : i32
        %dma_start3A_81 = tpu.memref_slice %arg8[%add3A_74, %dma_start3A_80] : memref<144x128xi32, #tpu.memory_space<vmem>> -> memref<1x128xi32, #tpu.memory_space<vmem>>
        %dma_start3A_82 = tpu.memref_squeeze %dma_start3A_81 : memref<1x128xi32, #tpu.memory_space<vmem>> -> memref<128xi32, #tpu.memory_space<vmem>>
        %dma_start3A_83 = arith.constant 0 : i32
        %dma_start3A_84 = arith.constant 0 : i32
        %dma_start3A_85 = tpu.memref_slice %arg2[%dma_start3A_83, %dma_start3A_84] : memref<10240x64xf32, #tpu.memory_space<hbm>> -> memref<10240x64xf32, #tpu.memory_space<hbm>>
        tpu.enqueue_indirect_dma source(%dma_start3A_85 : memref<10240x64xf32, #tpu.memory_space<hbm>>) target(%dma_start3A_79 : memref<128x64xf32, #tpu.memory_space<vmem>>) offsets(%dma_start3A_82 : memref<128xi32, #tpu.memory_space<vmem>>) semaphore(%arg12 : memref<!tpu.dma_semaphore, #tpu.memory_space<semaphore_mem>>)
        %add3A_86 = arith.constant 3 : i32
        %add3A_87 = arith.addi %mul3A_47, %add3A_86 : i32
        %dma_start3A_88 = arith.constant 3 : i32
        %dma_start3A_89 = arith.constant 0 : i32
        %dma_start3A_90 = arith.constant 0 : i32
        %dma_start3A_91 = tpu.memref_slice %arg10[%dma_start3A_88, %dma_start3A_89, %dma_start3A_90] : memref<4x128x64xf32, #tpu.memory_space<vmem>> -> memref<1x128x64xf32, #tpu.memory_space<vmem>>
        %dma_start3A_92 = tpu.memref_squeeze %dma_start3A_91 : memref<1x128x64xf32, #tpu.memory_space<vmem>> -> memref<128x64xf32, #tpu.memory_space<vmem>>
        %dma_start3A_93 = arith.constant 0 : i32
        %dma_start3A_94 = tpu.memref_slice %arg8[%add3A_87, %dma_start3A_93] : memref<144x128xi32, #tpu.memory_space<vmem>> -> memref<1x128xi32, #tpu.memory_space<vmem>>
        %dma_start3A_95 = tpu.memref_squeeze %dma_start3A_94 : memref<1x128xi32, #tpu.memory_space<vmem>> -> memref<128xi32, #tpu.memory_space<vmem>>
        %dma_start3A_96 = arith.constant 0 : i32
        %dma_start3A_97 = arith.constant 0 : i32
        %dma_start3A_98 = tpu.memref_slice %arg2[%dma_start3A_96, %dma_start3A_97] : memref<10240x64xf32, #tpu.memory_space<hbm>> -> memref<10240x64xf32, #tpu.memory_space<hbm>>
        tpu.enqueue_indirect_dma source(%dma_start3A_98 : memref<10240x64xf32, #tpu.memory_space<hbm>>) target(%dma_start3A_92 : memref<128x64xf32, #tpu.memory_space<vmem>>) offsets(%dma_start3A_95 : memref<128xi32, #tpu.memory_space<vmem>>) semaphore(%arg12 : memref<!tpu.dma_semaphore, #tpu.memory_space<semaphore_mem>>)
        %dma_wait3A = arith.constant 0 : i32
        %dma_wait3A_99 = arith.constant 0 : i32
        %dma_wait3A_100 = arith.constant 0 : i32
        %dma_wait3A_101 = tpu.memref_slice %arg10[%dma_wait3A, %dma_wait3A_99, %dma_wait3A_100] : memref<4x128x64xf32, #tpu.memory_space<vmem>> -> memref<1x128x64xf32, #tpu.memory_space<vmem>>
        %dma_wait3A_102 = tpu.memref_squeeze %dma_wait3A_101 : memref<1x128x64xf32, #tpu.memory_space<vmem>> -> memref<128x64xf32, #tpu.memory_space<vmem>>
        %dma_wait3A_103 = arith.constant 0 : i32
        %dma_wait3A_104 = tpu.memref_slice %arg8[%add3A_49, %dma_wait3A_103] : memref<144x128xi32, #tpu.memory_space<vmem>> -> memref<1x128xi32, #tpu.memory_space<vmem>>
        %dma_wait3A_105 = tpu.memref_squeeze %dma_wait3A_104 : memref<1x128xi32, #tpu.memory_space<vmem>> -> memref<128xi32, #tpu.memory_space<vmem>>
        %dma_wait3A_106 = arith.constant 0 : i32
        %dma_wait3A_107 = arith.constant 0 : i32
        %dma_wait3A_108 = tpu.memref_slice %arg2[%dma_wait3A_106, %dma_wait3A_107] : memref<10240x64xf32, #tpu.memory_space<hbm>> -> memref<10240x64xf32, #tpu.memory_space<hbm>>
        tpu.wait_indirect_dma semaphore(%arg12 : memref<!tpu.dma_semaphore, #tpu.memory_space<semaphore_mem>>) src(%dma_wait3A_108 : memref<10240x64xf32, #tpu.memory_space<hbm>>) dst(%dma_wait3A_102 : memref<128x64xf32, #tpu.memory_space<vmem>>)
        %dma_wait3A_109 = arith.constant 1 : i32
        %dma_wait3A_110 = arith.constant 0 : i32
        %dma_wait3A_111 = arith.constant 0 : i32
        %dma_wait3A_112 = tpu.memref_slice %arg10[%dma_wait3A_109, %dma_wait3A_110, %dma_wait3A_111] : memref<4x128x64xf32, #tpu.memory_space<vmem>> -> memref<1x128x64xf32, #tpu.memory_space<vmem>>
        %dma_wait3A_113 = tpu.memref_squeeze %dma_wait3A_112 : memref<1x128x64xf32, #tpu.memory_space<vmem>> -> memref<128x64xf32, #tpu.memory_space<vmem>>
        %dma_wait3A_114 = arith.constant 0 : i32
        %dma_wait3A_115 = tpu.memref_slice %arg8[%add3A_61, %dma_wait3A_114] : memref<144x128xi32, #tpu.memory_space<vmem>> -> memref<1x128xi32, #tpu.memory_space<vmem>>
        %dma_wait3A_116 = tpu.memref_squeeze %dma_wait3A_115 : memref<1x128xi32, #tpu.memory_space<vmem>> -> memref<128xi32, #tpu.memory_space<vmem>>
        %dma_wait3A_117 = arith.constant 0 : i32
        %dma_wait3A_118 = arith.constant 0 : i32
        %dma_wait3A_119 = tpu.memref_slice %arg2[%dma_wait3A_117, %dma_wait3A_118] : memref<10240x64xf32, #tpu.memory_space<hbm>> -> memref<10240x64xf32, #tpu.memory_space<hbm>>
        tpu.wait_indirect_dma semaphore(%arg12 : memref<!tpu.dma_semaphore, #tpu.memory_space<semaphore_mem>>) src(%dma_wait3A_119 : memref<10240x64xf32, #tpu.memory_space<hbm>>) dst(%dma_wait3A_113 : memref<128x64xf32, #tpu.memory_space<vmem>>)
        %dma_wait3A_120 = arith.constant 2 : i32
        %dma_wait3A_121 = arith.constant 0 : i32
        %dma_wait3A_122 = arith.constant 0 : i32
        %dma_wait3A_123 = tpu.memref_slice %arg10[%dma_wait3A_120, %dma_wait3A_121, %dma_wait3A_122] : memref<4x128x64xf32, #tpu.memory_space<vmem>> -> memref<1x128x64xf32, #tpu.memory_space<vmem>>
        %dma_wait3A_124 = tpu.memref_squeeze %dma_wait3A_123 : memref<1x128x64xf32, #tpu.memory_space<vmem>> -> memref<128x64xf32, #tpu.memory_space<vmem>>
        %dma_wait3A_125 = arith.constant 0 : i32
        %dma_wait3A_126 = tpu.memref_slice %arg8[%add3A_74, %dma_wait3A_125] : memref<144x128xi32, #tpu.memory_space<vmem>> -> memref<1x128xi32, #tpu.memory_space<vmem>>
        %dma_wait3A_127 = tpu.memref_squeeze %dma_wait3A_126 : memref<1x128xi32, #tpu.memory_space<vmem>> -> memref<128xi32, #tpu.memory_space<vmem>>
        %dma_wait3A_128 = arith.constant 0 : i32
        %dma_wait3A_129 = arith.constant 0 : i32
        %dma_wait3A_130 = tpu.memref_slice %arg2[%dma_wait3A_128, %dma_wait3A_129] : memref<10240x64xf32, #tpu.memory_space<hbm>> -> memref<10240x64xf32, #tpu.memory_space<hbm>>
        tpu.wait_indirect_dma semaphore(%arg12 : memref<!tpu.dma_semaphore, #tpu.memory_space<semaphore_mem>>) src(%dma_wait3A_130 : memref<10240x64xf32, #tpu.memory_space<hbm>>) dst(%dma_wait3A_124 : memref<128x64xf32, #tpu.memory_space<vmem>>)
        %dma_wait3A_131 = arith.constant 3 : i32
        %dma_wait3A_132 = arith.constant 0 : i32
        %dma_wait3A_133 = arith.constant 0 : i32
        %dma_wait3A_134 = tpu.memref_slice %arg10[%dma_wait3A_131, %dma_wait3A_132, %dma_wait3A_133] : memref<4x128x64xf32, #tpu.memory_space<vmem>> -> memref<1x128x64xf32, #tpu.memory_space<vmem>>
        %dma_wait3A_135 = tpu.memref_squeeze %dma_wait3A_134 : memref<1x128x64xf32, #tpu.memory_space<vmem>> -> memref<128x64xf32, #tpu.memory_space<vmem>>
        %dma_wait3A_136 = arith.constant 0 : i32
        %dma_wait3A_137 = tpu.memref_slice %arg8[%add3A_87, %dma_wait3A_136] : memref<144x128xi32, #tpu.memory_space<vmem>> -> memref<1x128xi32, #tpu.memory_space<vmem>>
        %dma_wait3A_138 = tpu.memref_squeeze %dma_wait3A_137 : memref<1x128xi32, #tpu.memory_space<vmem>> -> memref<128xi32, #tpu.memory_space<vmem>>
        %dma_wait3A_139 = arith.constant 0 : i32
        %dma_wait3A_140 = arith.constant 0 : i32
        %dma_wait3A_141 = tpu.memref_slice %arg2[%dma_wait3A_139, %dma_wait3A_140] : memref<10240x64xf32, #tpu.memory_space<hbm>> -> memref<10240x64xf32, #tpu.memory_space<hbm>>
        tpu.wait_indirect_dma semaphore(%arg12 : memref<!tpu.dma_semaphore, #tpu.memory_space<semaphore_mem>>) src(%dma_wait3A_141 : memref<10240x64xf32, #tpu.memory_space<hbm>>) dst(%dma_wait3A_135 : memref<128x64xf32, #tpu.memory_space<vmem>>)
        %add3A_142 = arith.constant 0 : i32
        %add3A_143 = arith.addi %mul3A_47, %add3A_142 : i32
        %dma_start3A_144 = arith.constant 0 : i32
        %dma_start3A_145 = arith.constant 0 : i32
        %dma_start3A_146 = arith.constant 0 : i32
        %dma_start3A_147 = tpu.memref_slice %arg10[%dma_start3A_144, %dma_start3A_145, %dma_start3A_146] : memref<4x128x64xf32, #tpu.memory_space<vmem>> -> memref<1x128x64xf32, #tpu.memory_space<vmem>>
        %dma_start3A_148 = tpu.memref_squeeze %dma_start3A_147 : memref<1x128x64xf32, #tpu.memory_space<vmem>> -> memref<128x64xf32, #tpu.memory_space<vmem>>
        %dma_start3A_149 = arith.constant 0 : i32
        %dma_start3A_150 = tpu.memref_slice %arg9[%add3A_143, %dma_start3A_149] : memref<144x128xi32, #tpu.memory_space<vmem>> -> memref<1x128xi32, #tpu.memory_space<vmem>>
        %dma_start3A_151 = tpu.memref_squeeze %dma_start3A_150 : memref<1x128xi32, #tpu.memory_space<vmem>> -> memref<128xi32, #tpu.memory_space<vmem>>
        %dma_start3A_152 = arith.constant 0 : i32
        %dma_start3A_153 = arith.constant 0 : i32
        %dma_start3A_154 = tpu.memref_slice %arg11[%dma_start3A_152, %dma_start3A_153] : memref<10240x64xf32, #tpu.memory_space<vmem_shared>> -> memref<10240x64xf32, #tpu.memory_space<vmem_shared>>
        tpu.enqueue_indirect_dma source(%dma_start3A_148 : memref<128x64xf32, #tpu.memory_space<vmem>>) target(%dma_start3A_154 : memref<10240x64xf32, #tpu.memory_space<vmem_shared>>) offsets(%dma_start3A_151 : memref<128xi32, #tpu.memory_space<vmem>>) semaphore(%arg13 : memref<!tpu.dma_semaphore, #tpu.memory_space<semaphore_mem>>) {add = true}
        %dma_wait3A_155 = arith.constant 0 : i32
        %dma_wait3A_156 = arith.constant 0 : i32
        %dma_wait3A_157 = arith.constant 0 : i32
        %dma_wait3A_158 = tpu.memref_slice %arg10[%dma_wait3A_155, %dma_wait3A_156, %dma_wait3A_157] : memref<4x128x64xf32, #tpu.memory_space<vmem>> -> memref<1x128x64xf32, #tpu.memory_space<vmem>>
        %dma_wait3A_159 = tpu.memref_squeeze %dma_wait3A_158 : memref<1x128x64xf32, #tpu.memory_space<vmem>> -> memref<128x64xf32, #tpu.memory_space<vmem>>
        %dma_wait3A_160 = arith.constant 0 : i32
        %dma_wait3A_161 = tpu.memref_slice %arg9[%add3A_143, %dma_wait3A_160] : memref<144x128xi32, #tpu.memory_space<vmem>> -> memref<1x128xi32, #tpu.memory_space<vmem>>
        %dma_wait3A_162 = tpu.memref_squeeze %dma_wait3A_161 : memref<1x128xi32, #tpu.memory_space<vmem>> -> memref<128xi32, #tpu.memory_space<vmem>>
        %dma_wait3A_163 = arith.constant 0 : i32
        %dma_wait3A_164 = arith.constant 0 : i32
        %dma_wait3A_165 = tpu.memref_slice %arg11[%dma_wait3A_163, %dma_wait3A_164] : memref<10240x64xf32, #tpu.memory_space<vmem_shared>> -> memref<10240x64xf32, #tpu.memory_space<vmem_shared>>
        tpu.wait_indirect_dma semaphore(%arg13 : memref<!tpu.dma_semaphore, #tpu.memory_space<semaphore_mem>>) src(%dma_wait3A_159 : memref<128x64xf32, #tpu.memory_space<vmem>>) dst(%dma_wait3A_165 : memref<10240x64xf32, #tpu.memory_space<vmem_shared>>)
        %add3A_166 = arith.constant 1 : i32
        %add3A_167 = arith.addi %mul3A_47, %add3A_166 : i32
        %dma_start3A_168 = arith.constant 1 : i32
        %dma_start3A_169 = arith.constant 0 : i32
        %dma_start3A_170 = arith.constant 0 : i32
        %dma_start3A_171 = tpu.memref_slice %arg10[%dma_start3A_168, %dma_start3A_169, %dma_start3A_170] : memref<4x128x64xf32, #tpu.memory_space<vmem>> -> memref<1x128x64xf32, #tpu.memory_space<vmem>>
        %dma_start3A_172 = tpu.memref_squeeze %dma_start3A_171 : memref<1x128x64xf32, #tpu.memory_space<vmem>> -> memref<128x64xf32, #tpu.memory_space<vmem>>
        %dma_start3A_173 = arith.constant 0 : i32
        %dma_start3A_174 = tpu.memref_slice %arg9[%add3A_167, %dma_start3A_173] : memref<144x128xi32, #tpu.memory_space<vmem>> -> memref<1x128xi32, #tpu.memory_space<vmem>>
        %dma_start3A_175 = tpu.memref_squeeze %dma_start3A_174 : memref<1x128xi32, #tpu.memory_space<vmem>> -> memref<128xi32, #tpu.memory_space<vmem>>
        %dma_start3A_176 = arith.constant 0 : i32
        %dma_start3A_177 = arith.constant 0 : i32
        %dma_start3A_178 = tpu.memref_slice %arg11[%dma_start3A_176, %dma_start3A_177] : memref<10240x64xf32, #tpu.memory_space<vmem_shared>> -> memref<10240x64xf32, #tpu.memory_space<vmem_shared>>
        tpu.enqueue_indirect_dma source(%dma_start3A_172 : memref<128x64xf32, #tpu.memory_space<vmem>>) target(%dma_start3A_178 : memref<10240x64xf32, #tpu.memory_space<vmem_shared>>) offsets(%dma_start3A_175 : memref<128xi32, #tpu.memory_space<vmem>>) semaphore(%arg13 : memref<!tpu.dma_semaphore, #tpu.memory_space<semaphore_mem>>) {add = true}
        %dma_wait3A_179 = arith.constant 1 : i32
        %dma_wait3A_180 = arith.constant 0 : i32
        %dma_wait3A_181 = arith.constant 0 : i32
        %dma_wait3A_182 = tpu.memref_slice %arg10[%dma_wait3A_179, %dma_wait3A_180, %dma_wait3A_181] : memref<4x128x64xf32, #tpu.memory_space<vmem>> -> memref<1x128x64xf32, #tpu.memory_space<vmem>>
        %dma_wait3A_183 = tpu.memref_squeeze %dma_wait3A_182 : memref<1x128x64xf32, #tpu.memory_space<vmem>> -> memref<128x64xf32, #tpu.memory_space<vmem>>
        %dma_wait3A_184 = arith.constant 0 : i32
        %dma_wait3A_185 = tpu.memref_slice %arg9[%add3A_167, %dma_wait3A_184] : memref<144x128xi32, #tpu.memory_space<vmem>> -> memref<1x128xi32, #tpu.memory_space<vmem>>
        %dma_wait3A_186 = tpu.memref_squeeze %dma_wait3A_185 : memref<1x128xi32, #tpu.memory_space<vmem>> -> memref<128xi32, #tpu.memory_space<vmem>>
        %dma_wait3A_187 = arith.constant 0 : i32
        %dma_wait3A_188 = arith.constant 0 : i32
        %dma_wait3A_189 = tpu.memref_slice %arg11[%dma_wait3A_187, %dma_wait3A_188] : memref<10240x64xf32, #tpu.memory_space<vmem_shared>> -> memref<10240x64xf32, #tpu.memory_space<vmem_shared>>
        tpu.wait_indirect_dma semaphore(%arg13 : memref<!tpu.dma_semaphore, #tpu.memory_space<semaphore_mem>>) src(%dma_wait3A_183 : memref<128x64xf32, #tpu.memory_space<vmem>>) dst(%dma_wait3A_189 : memref<10240x64xf32, #tpu.memory_space<vmem_shared>>)
        %add3A_190 = arith.constant 2 : i32
        %add3A_191 = arith.addi %mul3A_47, %add3A_190 : i32
        %dma_start3A_192 = arith.constant 2 : i32
        %dma_start3A_193 = arith.constant 0 : i32
        %dma_start3A_194 = arith.constant 0 : i32
        %dma_start3A_195 = tpu.memref_slice %arg10[%dma_start3A_192, %dma_start3A_193, %dma_start3A_194] : memref<4x128x64xf32, #tpu.memory_space<vmem>> -> memref<1x128x64xf32, #tpu.memory_space<vmem>>
        %dma_start3A_196 = tpu.memref_squeeze %dma_start3A_195 : memref<1x128x64xf32, #tpu.memory_space<vmem>> -> memref<128x64xf32, #tpu.memory_space<vmem>>
        %dma_start3A_197 = arith.constant 0 : i32
        %dma_start3A_198 = tpu.memref_slice %arg9[%add3A_191, %dma_start3A_197] : memref<144x128xi32, #tpu.memory_space<vmem>> -> memref<1x128xi32, #tpu.memory_space<vmem>>
        %dma_start3A_199 = tpu.memref_squeeze %dma_start3A_198 : memref<1x128xi32, #tpu.memory_space<vmem>> -> memref<128xi32, #tpu.memory_space<vmem>>
        %dma_start3A_200 = arith.constant 0 : i32
        %dma_start3A_201 = arith.constant 0 : i32
        %dma_start3A_202 = tpu.memref_slice %arg11[%dma_start3A_200, %dma_start3A_201] : memref<10240x64xf32, #tpu.memory_space<vmem_shared>> -> memref<10240x64xf32, #tpu.memory_space<vmem_shared>>
        tpu.enqueue_indirect_dma source(%dma_start3A_196 : memref<128x64xf32, #tpu.memory_space<vmem>>) target(%dma_start3A_202 : memref<10240x64xf32, #tpu.memory_space<vmem_shared>>) offsets(%dma_start3A_199 : memref<128xi32, #tpu.memory_space<vmem>>) semaphore(%arg13 : memref<!tpu.dma_semaphore, #tpu.memory_space<semaphore_mem>>) {add = true}
        %dma_wait3A_203 = arith.constant 2 : i32
        %dma_wait3A_204 = arith.constant 0 : i32
        %dma_wait3A_205 = arith.constant 0 : i32
        %dma_wait3A_206 = tpu.memref_slice %arg10[%dma_wait3A_203, %dma_wait3A_204, %dma_wait3A_205] : memref<4x128x64xf32, #tpu.memory_space<vmem>> -> memref<1x128x64xf32, #tpu.memory_space<vmem>>
        %dma_wait3A_207 = tpu.memref_squeeze %dma_wait3A_206 : memref<1x128x64xf32, #tpu.memory_space<vmem>> -> memref<128x64xf32, #tpu.memory_space<vmem>>
        %dma_wait3A_208 = arith.constant 0 : i32
        %dma_wait3A_209 = tpu.memref_slice %arg9[%add3A_191, %dma_wait3A_208] : memref<144x128xi32, #tpu.memory_space<vmem>> -> memref<1x128xi32, #tpu.memory_space<vmem>>
        %dma_wait3A_210 = tpu.memref_squeeze %dma_wait3A_209 : memref<1x128xi32, #tpu.memory_space<vmem>> -> memref<128xi32, #tpu.memory_space<vmem>>
        %dma_wait3A_211 = arith.constant 0 : i32
        %dma_wait3A_212 = arith.constant 0 : i32
        %dma_wait3A_213 = tpu.memref_slice %arg11[%dma_wait3A_211, %dma_wait3A_212] : memref<10240x64xf32, #tpu.memory_space<vmem_shared>> -> memref<10240x64xf32, #tpu.memory_space<vmem_shared>>
        tpu.wait_indirect_dma semaphore(%arg13 : memref<!tpu.dma_semaphore, #tpu.memory_space<semaphore_mem>>) src(%dma_wait3A_207 : memref<128x64xf32, #tpu.memory_space<vmem>>) dst(%dma_wait3A_213 : memref<10240x64xf32, #tpu.memory_space<vmem_shared>>)
        %add3A_214 = arith.constant 3 : i32
        %add3A_215 = arith.addi %mul3A_47, %add3A_214 : i32
        %dma_start3A_216 = arith.constant 3 : i32
        %dma_start3A_217 = arith.constant 0 : i32
        %dma_start3A_218 = arith.constant 0 : i32
        %dma_start3A_219 = tpu.memref_slice %arg10[%dma_start3A_216, %dma_start3A_217, %dma_start3A_218] : memref<4x128x64xf32, #tpu.memory_space<vmem>> -> memref<1x128x64xf32, #tpu.memory_space<vmem>>
        %dma_start3A_220 = tpu.memref_squeeze %dma_start3A_219 : memref<1x128x64xf32, #tpu.memory_space<vmem>> -> memref<128x64xf32, #tpu.memory_space<vmem>>
        %dma_start3A_221 = arith.constant 0 : i32
        %dma_start3A_222 = tpu.memref_slice %arg9[%add3A_215, %dma_start3A_221] : memref<144x128xi32, #tpu.memory_space<vmem>> -> memref<1x128xi32, #tpu.memory_space<vmem>>
        %dma_start3A_223 = tpu.memref_squeeze %dma_start3A_222 : memref<1x128xi32, #tpu.memory_space<vmem>> -> memref<128xi32, #tpu.memory_space<vmem>>
        %dma_start3A_224 = arith.constant 0 : i32
        %dma_start3A_225 = arith.constant 0 : i32
        %dma_start3A_226 = tpu.memref_slice %arg11[%dma_start3A_224, %dma_start3A_225] : memref<10240x64xf32, #tpu.memory_space<vmem_shared>> -> memref<10240x64xf32, #tpu.memory_space<vmem_shared>>
        tpu.enqueue_indirect_dma source(%dma_start3A_220 : memref<128x64xf32, #tpu.memory_space<vmem>>) target(%dma_start3A_226 : memref<10240x64xf32, #tpu.memory_space<vmem_shared>>) offsets(%dma_start3A_223 : memref<128xi32, #tpu.memory_space<vmem>>) semaphore(%arg13 : memref<!tpu.dma_semaphore, #tpu.memory_space<semaphore_mem>>) {add = true}
        %dma_wait3A_227 = arith.constant 3 : i32
        %dma_wait3A_228 = arith.constant 0 : i32
        %dma_wait3A_229 = arith.constant 0 : i32
        %dma_wait3A_230 = tpu.memref_slice %arg10[%dma_wait3A_227, %dma_wait3A_228, %dma_wait3A_229] : memref<4x128x64xf32, #tpu.memory_space<vmem>> -> memref<1x128x64xf32, #tpu.memory_space<vmem>>
        %dma_wait3A_231 = tpu.memref_squeeze %dma_wait3A_230 : memref<1x128x64xf32, #tpu.memory_space<vmem>> -> memref<128x64xf32, #tpu.memory_space<vmem>>
        %dma_wait3A_232 = arith.constant 0 : i32
        %dma_wait3A_233 = tpu.memref_slice %arg9[%add3A_215, %dma_wait3A_232] : memref<144x128xi32, #tpu.memory_space<vmem>> -> memref<1x128xi32, #tpu.memory_space<vmem>>
        %dma_wait3A_234 = tpu.memref_squeeze %dma_wait3A_233 : memref<1x128xi32, #tpu.memory_space<vmem>> -> memref<128xi32, #tpu.memory_space<vmem>>
        %dma_wait3A_235 = arith.constant 0 : i32
        %dma_wait3A_236 = arith.constant 0 : i32
        %dma_wait3A_237 = tpu.memref_slice %arg11[%dma_wait3A_235, %dma_wait3A_236] : memref<10240x64xf32, #tpu.memory_space<vmem_shared>> -> memref<10240x64xf32, #tpu.memory_space<vmem_shared>>
        tpu.wait_indirect_dma semaphore(%arg13 : memref<!tpu.dma_semaphore, #tpu.memory_space<semaphore_mem>>) src(%dma_wait3A_231 : memref<128x64xf32, #tpu.memory_space<vmem>>) dst(%dma_wait3A_237 : memref<10240x64xf32, #tpu.memory_space<vmem_shared>>)
      }
      %scan3A_44 = arith.constant 4 : i32
    } else {
    }
    %barrier3A = arith.constant 0 : index
    tpu.barrier barrier_id(%barrier3A)
    %mul3A_34 = arith.constant 640 : i32
    %mul3A_35 = arith.muli %arg1, %mul3A_34 : i32
    %mul3A_36 = arith.constant 640 : i32
    %mul3A_37 = arith.muli %arg1, %mul3A_36 : i32
    "tpu.region"() ({
      %run_scoped3A_38 = tpu.sem_alloc : memref<!tpu.dma_semaphore, #tpu.memory_space<semaphore_mem>>
      %dma_start3A = arith.constant 0 : i32
      %dma_start3A_39 = tpu.memref_slice %arg7[%arg0, %mul3A_37, %dma_start3A] : memref<2x10240x64xf32, #tpu.memory_space<hbm>> -> memref<1x640x64xf32, #tpu.memory_space<hbm>>
      %dma_start3A_40 = tpu.memref_squeeze %dma_start3A_39 : memref<1x640x64xf32, #tpu.memory_space<hbm>> -> memref<640x64xf32, #tpu.memory_space<hbm>>
      %dma_start3A_41 = arith.constant 0 : i32
      %dma_start3A_42 = tpu.memref_slice %arg11[%mul3A_35, %dma_start3A_41] : memref<10240x64xf32, #tpu.memory_space<vmem_shared>> -> memref<640x64xf32, #tpu.memory_space<vmem_shared>>
      tpu.enqueue_dma source(%dma_start3A_42 : memref<640x64xf32, #tpu.memory_space<vmem_shared>>) target(%dma_start3A_40 : memref<640x64xf32, #tpu.memory_space<hbm>>) target_semaphore(%run_scoped3A_38 : memref<!tpu.dma_semaphore, #tpu.memory_space<semaphore_mem>>)
      %dma_wait3A = arith.constant 0 : i32
      %dma_wait3A_43 = tpu.memref_slice %arg7[%arg0, %mul3A_37, %dma_wait3A] : memref<2x10240x64xf32, #tpu.memory_space<hbm>> -> memref<1x640x64xf32, #tpu.memory_space<hbm>>
      %dma_wait3A_44 = tpu.memref_squeeze %dma_wait3A_43 : memref<1x640x64xf32, #tpu.memory_space<hbm>> -> memref<640x64xf32, #tpu.memory_space<hbm>>
      %dma_wait3A_45 = arith.constant 0 : i32
      %dma_wait3A_46 = tpu.memref_slice %arg11[%mul3A_35, %dma_wait3A_45] : memref<10240x64xf32, #tpu.memory_space<vmem_shared>> -> memref<640x64xf32, #tpu.memory_space<vmem_shared>>
      tpu.wait_dma2 semaphore(%run_scoped3A_38 : memref<!tpu.dma_semaphore, #tpu.memory_space<semaphore_mem>>) src(%dma_wait3A_46 : memref<640x64xf32, #tpu.memory_space<vmem_shared>>) dst(%dma_wait3A_44 : memref<640x64xf32, #tpu.memory_space<hbm>>)
      tpu.yield
    }) : () -> ()
    return
  }
}

#map = affine_map<(d0, d1) -> (0, 0)>
#map1 = affine_map<(d0, d1) -> (0, 0, 0)>
module attributes {stable_mosaic.version = 14 : i64} {
  func.func @seg(%arg0: i32, %arg1: i32, %arg2: memref<10240x32xf32, #tpu.memory_space<hbm>>, %arg3: memref<16x144x128xi32, #tpu.memory_space<hbm>>, %arg4: memref<16x144x128xi32, #tpu.memory_space<hbm>>, %arg5: memref<16x16x128xi32, #tpu.memory_space<hbm>>, %arg6: memref<16x16x128xi32, #tpu.memory_space<hbm>>, %arg7: memref<2x10240x32xf32, #tpu.memory_space<hbm>>, %arg8: memref<144x128xi32, #tpu.memory_space<vmem>>, %arg9: memref<144x128xi32, #tpu.memory_space<vmem>>, %arg10: memref<4x128x32xf32, #tpu.memory_space<vmem>>, %arg11: memref<10240x32xf32, #tpu.memory_space<vmem_shared>>, %arg12: memref<!tpu.dma_semaphore, #tpu.memory_space<semaphore_mem>>, %arg13: memref<!tpu.dma_semaphore, #tpu.memory_space<semaphore_mem>>) attributes {dimension_semantics = [#tpu.dimension_semantics<core_parallel>, #tpu.dimension_semantics<subcore_parallel>], iteration_bounds = array<i64: 2, 16>, scalar_prefetch = 0 : i64, scratch_operands = 6 : i64, tpu.core_type = #tpu.core_type<sc_vector_subcore>, window_params = [{transform_indices = #map}, {transform_indices = #map1}, {transform_indices = #map1}, {transform_indices = #map1}, {transform_indices = #map1}, {transform_indices = #map1}]} {
    %scan3A = arith.constant 0 : i32
    %scan3A_0 = arith.constant 0 : i32
    %scan3A_1 = arith.constant 128 : i32
    %scan3A_2 = arith.addi %scan3A_0, %scan3A_1 : i32
    %scan3A_3 = arith.constant 1 : i32
    scf.for %scan3A_38 = %scan3A_0 to %scan3A_2 step %scan3A_3  : i32 {
      %broadcast_in_dim3A = arith.constant 0.000000e+00 : f32
      %broadcast_in_dim3A_39 = vector.broadcast %broadcast_in_dim3A : f32 to vector<16xf32>
      %swap3A = arith.constant 0 : i32
      %swap3A_40 = arith.index_cast %swap3A : i32 to index
      %swap3A_41 = arith.index_cast %scan3A_38 : i32 to index
      %swap3A_42 = arith.constant 0 : index
      %swap3A_43 = tpu.vector_load %arg10[%swap3A_40, %swap3A_41, %swap3A_42] {strides = array<i32>} : memref<4x128x32xf32, #tpu.memory_space<vmem>>, vector<1x1x16xf32>,
      %swap3A_44 = vector.shape_cast %swap3A_43 : vector<1x1x16xf32> to vector<16xf32>
      %swap3A_45 = vector.shape_cast %broadcast_in_dim3A_39 : vector<16xf32> to vector<1x1x16xf32>
      tpu.vector_store %arg10[%swap3A_40, %swap3A_41, %swap3A_42], %swap3A_45 {strides = array<i32>} : memref<4x128x32xf32, #tpu.memory_space<vmem>>, vector<1x1x16xf32>,
      %broadcast_in_dim3A_46 = arith.constant 0.000000e+00 : f32
      %broadcast_in_dim3A_47 = vector.broadcast %broadcast_in_dim3A_46 : f32 to vector<16xf32>
      %swap3A_48 = arith.constant 0 : i32
      %swap3A_49 = arith.index_cast %swap3A_48 : i32 to index
      %swap3A_50 = arith.index_cast %scan3A_38 : i32 to index
      %swap3A_51 = arith.constant 16 : index
      %swap3A_52 = tpu.vector_load %arg10[%swap3A_49, %swap3A_50, %swap3A_51] {strides = array<i32>} : memref<4x128x32xf32, #tpu.memory_space<vmem>>, vector<1x1x16xf32>,
      %swap3A_53 = vector.shape_cast %swap3A_52 : vector<1x1x16xf32> to vector<16xf32>
      %swap3A_54 = vector.shape_cast %broadcast_in_dim3A_47 : vector<16xf32> to vector<1x1x16xf32>
      tpu.vector_store %arg10[%swap3A_49, %swap3A_50, %swap3A_51], %swap3A_54 {strides = array<i32>} : memref<4x128x32xf32, #tpu.memory_space<vmem>>, vector<1x1x16xf32>,
    }
    %scan3A_4 = arith.constant 128 : i32
    %mul3A = arith.constant 640 : i32
    %mul3A_5 = arith.muli %arg1, %mul3A : i32
    %add3A = arith.constant 0 : i32
    %add3A_6 = arith.addi %mul3A_5, %add3A : i32
    %run_scoped3A = arith.constant 0 : i32
    "tpu.region"() ({
      %run_scoped3A_38 = tpu.sem_alloc : memref<!tpu.dma_semaphore, #tpu.memory_space<semaphore_mem>>
      %dma_start3A = arith.constant 0 : i32
      %dma_start3A_39 = arith.constant 0 : i32
      %dma_start3A_40 = tpu.memref_slice %arg10[%run_scoped3A, %dma_start3A, %dma_start3A_39] : memref<4x128x32xf32, #tpu.memory_space<vmem>> -> memref<1x128x32xf32, #tpu.memory_space<vmem>>
      %dma_start3A_41 = tpu.memref_squeeze %dma_start3A_40 : memref<1x128x32xf32, #tpu.memory_space<vmem>> -> memref<128x32xf32, #tpu.memory_space<vmem>>
      %dma_start3A_42 = arith.constant 0 : i32
      %dma_start3A_43 = tpu.memref_slice %arg11[%add3A_6, %dma_start3A_42] : memref<10240x32xf32, #tpu.memory_space<vmem_shared>> -> memref<128x32xf32, #tpu.memory_space<vmem_shared>>
      %dma_start3A_44 = arith.constant 0 : i32
      %dma_start3A_45 = tpu.memref_slice %arg11[%add3A_6, %dma_start3A_44] : memref<10240x32xf32, #tpu.memory_space<vmem_shared>> -> memref<128x32xf32, #tpu.memory_space<vmem_shared>>
      %dma_start3A_46 = arith.constant 0 : i32
      %dma_start3A_47 = arith.constant 0 : i32
      %dma_start3A_48 = tpu.memref_slice %arg10[%run_scoped3A, %dma_start3A_46, %dma_start3A_47] : memref<4x128x32xf32, #tpu.memory_space<vmem>> -> memref<1x128x32xf32, #tpu.memory_space<vmem>>
      %dma_start3A_49 = tpu.memref_squeeze %dma_start3A_48 : memref<1x128x32xf32, #tpu.memory_space<vmem>> -> memref<128x32xf32, #tpu.memory_space<vmem>>
      tpu.enqueue_dma source(%dma_start3A_49 : memref<128x32xf32, #tpu.memory_space<vmem>>) target(%dma_start3A_45 : memref<128x32xf32, #tpu.memory_space<vmem_shared>>) target_semaphore(%run_scoped3A_38 : memref<!tpu.dma_semaphore, #tpu.memory_space<semaphore_mem>>)
      %dma_wait3A = arith.constant 0 : i32
      %dma_wait3A_50 = arith.constant 0 : i32
      %dma_wait3A_51 = tpu.memref_slice %arg10[%run_scoped3A, %dma_wait3A, %dma_wait3A_50] : memref<4x128x32xf32, #tpu.memory_space<vmem>> -> memref<1x128x32xf32, #tpu.memory_space<vmem>>
      %dma_wait3A_52 = tpu.memref_squeeze %dma_wait3A_51 : memref<1x128x32xf32, #tpu.memory_space<vmem>> -> memref<128x32xf32, #tpu.memory_space<vmem>>
      %dma_wait3A_53 = arith.constant 0 : i32
      %dma_wait3A_54 = tpu.memref_slice %arg11[%add3A_6, %dma_wait3A_53] : memref<10240x32xf32, #tpu.memory_space<vmem_shared>> -> memref<128x32xf32, #tpu.memory_space<vmem_shared>>
      %dma_wait3A_55 = arith.constant 0 : i32
      %dma_wait3A_56 = tpu.memref_slice %arg11[%add3A_6, %dma_wait3A_55] : memref<10240x32xf32, #tpu.memory_space<vmem_shared>> -> memref<128x32xf32, #tpu.memory_space<vmem_shared>>
      %dma_wait3A_57 = arith.constant 0 : i32
      %dma_wait3A_58 = arith.constant 0 : i32
      %dma_wait3A_59 = tpu.memref_slice %arg10[%run_scoped3A, %dma_wait3A_57, %dma_wait3A_58] : memref<4x128x32xf32, #tpu.memory_space<vmem>> -> memref<1x128x32xf32, #tpu.memory_space<vmem>>
      %dma_wait3A_60 = tpu.memref_squeeze %dma_wait3A_59 : memref<1x128x32xf32, #tpu.memory_space<vmem>> -> memref<128x32xf32, #tpu.memory_space<vmem>>
      tpu.wait_dma2 semaphore(%run_scoped3A_38 : memref<!tpu.dma_semaphore, #tpu.memory_space<semaphore_mem>>) src(%dma_wait3A_60 : memref<128x32xf32, #tpu.memory_space<vmem>>) dst(%dma_wait3A_56 : memref<128x32xf32, #tpu.memory_space<vmem_shared>>)
      tpu.yield
    }) : () -> ()
    %mul3A_7 = arith.constant 640 : i32
    %mul3A_8 = arith.muli %arg1, %mul3A_7 : i32
    %add3A_9 = arith.constant 128 : i32
    %add3A_10 = arith.addi %mul3A_8, %add3A_9 : i32
    %run_scoped3A_11 = arith.constant 0 : i32
    "tpu.region"() ({
      %run_scoped3A_38 = tpu.sem_alloc : memref<!tpu.dma_semaphore, #tpu.memory_space<semaphore_mem>>
      %dma_start3A = arith.constant 0 : i32
      %dma_start3A_39 = arith.constant 0 : i32
      %dma_start3A_40 = tpu.memref_slice %arg10[%run_scoped3A_11, %dma_start3A, %dma_start3A_39] : memref<4x128x32xf32, #tpu.memory_space<vmem>> -> memref<1x128x32xf32, #tpu.memory_space<vmem>>
      %dma_start3A_41 = tpu.memref_squeeze %dma_start3A_40 : memref<1x128x32xf32, #tpu.memory_space<vmem>> -> memref<128x32xf32, #tpu.memory_space<vmem>>
      %dma_start3A_42 = arith.constant 0 : i32
      %dma_start3A_43 = tpu.memref_slice %arg11[%add3A_10, %dma_start3A_42] : memref<10240x32xf32, #tpu.memory_space<vmem_shared>> -> memref<128x32xf32, #tpu.memory_space<vmem_shared>>
      %dma_start3A_44 = arith.constant 0 : i32
      %dma_start3A_45 = tpu.memref_slice %arg11[%add3A_10, %dma_start3A_44] : memref<10240x32xf32, #tpu.memory_space<vmem_shared>> -> memref<128x32xf32, #tpu.memory_space<vmem_shared>>
      %dma_start3A_46 = arith.constant 0 : i32
      %dma_start3A_47 = arith.constant 0 : i32
      %dma_start3A_48 = tpu.memref_slice %arg10[%run_scoped3A_11, %dma_start3A_46, %dma_start3A_47] : memref<4x128x32xf32, #tpu.memory_space<vmem>> -> memref<1x128x32xf32, #tpu.memory_space<vmem>>
      %dma_start3A_49 = tpu.memref_squeeze %dma_start3A_48 : memref<1x128x32xf32, #tpu.memory_space<vmem>> -> memref<128x32xf32, #tpu.memory_space<vmem>>
      tpu.enqueue_dma source(%dma_start3A_49 : memref<128x32xf32, #tpu.memory_space<vmem>>) target(%dma_start3A_45 : memref<128x32xf32, #tpu.memory_space<vmem_shared>>) target_semaphore(%run_scoped3A_38 : memref<!tpu.dma_semaphore, #tpu.memory_space<semaphore_mem>>)
      %dma_wait3A = arith.constant 0 : i32
      %dma_wait3A_50 = arith.constant 0 : i32
      %dma_wait3A_51 = tpu.memref_slice %arg10[%run_scoped3A_11, %dma_wait3A, %dma_wait3A_50] : memref<4x128x32xf32, #tpu.memory_space<vmem>> -> memref<1x128x32xf32, #tpu.memory_space<vmem>>
      %dma_wait3A_52 = tpu.memref_squeeze %dma_wait3A_51 : memref<1x128x32xf32, #tpu.memory_space<vmem>> -> memref<128x32xf32, #tpu.memory_space<vmem>>
      %dma_wait3A_53 = arith.constant 0 : i32
      %dma_wait3A_54 = tpu.memref_slice %arg11[%add3A_10, %dma_wait3A_53] : memref<10240x32xf32, #tpu.memory_space<vmem_shared>> -> memref<128x32xf32, #tpu.memory_space<vmem_shared>>
      %dma_wait3A_55 = arith.constant 0 : i32
      %dma_wait3A_56 = tpu.memref_slice %arg11[%add3A_10, %dma_wait3A_55] : memref<10240x32xf32, #tpu.memory_space<vmem_shared>> -> memref<128x32xf32, #tpu.memory_space<vmem_shared>>
      %dma_wait3A_57 = arith.constant 0 : i32
      %dma_wait3A_58 = arith.constant 0 : i32
      %dma_wait3A_59 = tpu.memref_slice %arg10[%run_scoped3A_11, %dma_wait3A_57, %dma_wait3A_58] : memref<4x128x32xf32, #tpu.memory_space<vmem>> -> memref<1x128x32xf32, #tpu.memory_space<vmem>>
      %dma_wait3A_60 = tpu.memref_squeeze %dma_wait3A_59 : memref<1x128x32xf32, #tpu.memory_space<vmem>> -> memref<128x32xf32, #tpu.memory_space<vmem>>
      tpu.wait_dma2 semaphore(%run_scoped3A_38 : memref<!tpu.dma_semaphore, #tpu.memory_space<semaphore_mem>>) src(%dma_wait3A_60 : memref<128x32xf32, #tpu.memory_space<vmem>>) dst(%dma_wait3A_56 : memref<128x32xf32, #tpu.memory_space<vmem_shared>>)
      tpu.yield
    }) : () -> ()
    %mul3A_12 = arith.constant 640 : i32
    %mul3A_13 = arith.muli %arg1, %mul3A_12 : i32
    %add3A_14 = arith.constant 256 : i32
    %add3A_15 = arith.addi %mul3A_13, %add3A_14 : i32
    %run_scoped3A_16 = arith.constant 0 : i32
    "tpu.region"() ({
      %run_scoped3A_38 = tpu.sem_alloc : memref<!tpu.dma_semaphore, #tpu.memory_space<semaphore_mem>>
      %dma_start3A = arith.constant 0 : i32
      %dma_start3A_39 = arith.constant 0 : i32
      %dma_start3A_40 = tpu.memref_slice %arg10[%run_scoped3A_16, %dma_start3A, %dma_start3A_39] : memref<4x128x32xf32, #tpu.memory_space<vmem>> -> memref<1x128x32xf32, #tpu.memory_space<vmem>>
      %dma_start3A_41 = tpu.memref_squeeze %dma_start3A_40 : memref<1x128x32xf32, #tpu.memory_space<vmem>> -> memref<128x32xf32, #tpu.memory_space<vmem>>
      %dma_start3A_42 = arith.constant 0 : i32
      %dma_start3A_43 = tpu.memref_slice %arg11[%add3A_15, %dma_start3A_42] : memref<10240x32xf32, #tpu.memory_space<vmem_shared>> -> memref<128x32xf32, #tpu.memory_space<vmem_shared>>
      %dma_start3A_44 = arith.constant 0 : i32
      %dma_start3A_45 = tpu.memref_slice %arg11[%add3A_15, %dma_start3A_44] : memref<10240x32xf32, #tpu.memory_space<vmem_shared>> -> memref<128x32xf32, #tpu.memory_space<vmem_shared>>
      %dma_start3A_46 = arith.constant 0 : i32
      %dma_start3A_47 = arith.constant 0 : i32
      %dma_start3A_48 = tpu.memref_slice %arg10[%run_scoped3A_16, %dma_start3A_46, %dma_start3A_47] : memref<4x128x32xf32, #tpu.memory_space<vmem>> -> memref<1x128x32xf32, #tpu.memory_space<vmem>>
      %dma_start3A_49 = tpu.memref_squeeze %dma_start3A_48 : memref<1x128x32xf32, #tpu.memory_space<vmem>> -> memref<128x32xf32, #tpu.memory_space<vmem>>
      tpu.enqueue_dma source(%dma_start3A_49 : memref<128x32xf32, #tpu.memory_space<vmem>>) target(%dma_start3A_45 : memref<128x32xf32, #tpu.memory_space<vmem_shared>>) target_semaphore(%run_scoped3A_38 : memref<!tpu.dma_semaphore, #tpu.memory_space<semaphore_mem>>)
      %dma_wait3A = arith.constant 0 : i32
      %dma_wait3A_50 = arith.constant 0 : i32
      %dma_wait3A_51 = tpu.memref_slice %arg10[%run_scoped3A_16, %dma_wait3A, %dma_wait3A_50] : memref<4x128x32xf32, #tpu.memory_space<vmem>> -> memref<1x128x32xf32, #tpu.memory_space<vmem>>
      %dma_wait3A_52 = tpu.memref_squeeze %dma_wait3A_51 : memref<1x128x32xf32, #tpu.memory_space<vmem>> -> memref<128x32xf32, #tpu.memory_space<vmem>>
      %dma_wait3A_53 = arith.constant 0 : i32
      %dma_wait3A_54 = tpu.memref_slice %arg11[%add3A_15, %dma_wait3A_53] : memref<10240x32xf32, #tpu.memory_space<vmem_shared>> -> memref<128x32xf32, #tpu.memory_space<vmem_shared>>
      %dma_wait3A_55 = arith.constant 0 : i32
      %dma_wait3A_56 = tpu.memref_slice %arg11[%add3A_15, %dma_wait3A_55] : memref<10240x32xf32, #tpu.memory_space<vmem_shared>> -> memref<128x32xf32, #tpu.memory_space<vmem_shared>>
      %dma_wait3A_57 = arith.constant 0 : i32
      %dma_wait3A_58 = arith.constant 0 : i32
      %dma_wait3A_59 = tpu.memref_slice %arg10[%run_scoped3A_16, %dma_wait3A_57, %dma_wait3A_58] : memref<4x128x32xf32, #tpu.memory_space<vmem>> -> memref<1x128x32xf32, #tpu.memory_space<vmem>>
      %dma_wait3A_60 = tpu.memref_squeeze %dma_wait3A_59 : memref<1x128x32xf32, #tpu.memory_space<vmem>> -> memref<128x32xf32, #tpu.memory_space<vmem>>
      tpu.wait_dma2 semaphore(%run_scoped3A_38 : memref<!tpu.dma_semaphore, #tpu.memory_space<semaphore_mem>>) src(%dma_wait3A_60 : memref<128x32xf32, #tpu.memory_space<vmem>>) dst(%dma_wait3A_56 : memref<128x32xf32, #tpu.memory_space<vmem_shared>>)
      tpu.yield
    }) : () -> ()
    %mul3A_17 = arith.constant 640 : i32
    %mul3A_18 = arith.muli %arg1, %mul3A_17 : i32
    %add3A_19 = arith.constant 384 : i32
    %add3A_20 = arith.addi %mul3A_18, %add3A_19 : i32
    %run_scoped3A_21 = arith.constant 0 : i32
    "tpu.region"() ({
      %run_scoped3A_38 = tpu.sem_alloc : memref<!tpu.dma_semaphore, #tpu.memory_space<semaphore_mem>>
      %dma_start3A = arith.constant 0 : i32
      %dma_start3A_39 = arith.constant 0 : i32
      %dma_start3A_40 = tpu.memref_slice %arg10[%run_scoped3A_21, %dma_start3A, %dma_start3A_39] : memref<4x128x32xf32, #tpu.memory_space<vmem>> -> memref<1x128x32xf32, #tpu.memory_space<vmem>>
      %dma_start3A_41 = tpu.memref_squeeze %dma_start3A_40 : memref<1x128x32xf32, #tpu.memory_space<vmem>> -> memref<128x32xf32, #tpu.memory_space<vmem>>
      %dma_start3A_42 = arith.constant 0 : i32
      %dma_start3A_43 = tpu.memref_slice %arg11[%add3A_20, %dma_start3A_42] : memref<10240x32xf32, #tpu.memory_space<vmem_shared>> -> memref<128x32xf32, #tpu.memory_space<vmem_shared>>
      %dma_start3A_44 = arith.constant 0 : i32
      %dma_start3A_45 = tpu.memref_slice %arg11[%add3A_20, %dma_start3A_44] : memref<10240x32xf32, #tpu.memory_space<vmem_shared>> -> memref<128x32xf32, #tpu.memory_space<vmem_shared>>
      %dma_start3A_46 = arith.constant 0 : i32
      %dma_start3A_47 = arith.constant 0 : i32
      %dma_start3A_48 = tpu.memref_slice %arg10[%run_scoped3A_21, %dma_start3A_46, %dma_start3A_47] : memref<4x128x32xf32, #tpu.memory_space<vmem>> -> memref<1x128x32xf32, #tpu.memory_space<vmem>>
      %dma_start3A_49 = tpu.memref_squeeze %dma_start3A_48 : memref<1x128x32xf32, #tpu.memory_space<vmem>> -> memref<128x32xf32, #tpu.memory_space<vmem>>
      tpu.enqueue_dma source(%dma_start3A_49 : memref<128x32xf32, #tpu.memory_space<vmem>>) target(%dma_start3A_45 : memref<128x32xf32, #tpu.memory_space<vmem_shared>>) target_semaphore(%run_scoped3A_38 : memref<!tpu.dma_semaphore, #tpu.memory_space<semaphore_mem>>)
      %dma_wait3A = arith.constant 0 : i32
      %dma_wait3A_50 = arith.constant 0 : i32
      %dma_wait3A_51 = tpu.memref_slice %arg10[%run_scoped3A_21, %dma_wait3A, %dma_wait3A_50] : memref<4x128x32xf32, #tpu.memory_space<vmem>> -> memref<1x128x32xf32, #tpu.memory_space<vmem>>
      %dma_wait3A_52 = tpu.memref_squeeze %dma_wait3A_51 : memref<1x128x32xf32, #tpu.memory_space<vmem>> -> memref<128x32xf32, #tpu.memory_space<vmem>>
      %dma_wait3A_53 = arith.constant 0 : i32
      %dma_wait3A_54 = tpu.memref_slice %arg11[%add3A_20, %dma_wait3A_53] : memref<10240x32xf32, #tpu.memory_space<vmem_shared>> -> memref<128x32xf32, #tpu.memory_space<vmem_shared>>
      %dma_wait3A_55 = arith.constant 0 : i32
      %dma_wait3A_56 = tpu.memref_slice %arg11[%add3A_20, %dma_wait3A_55] : memref<10240x32xf32, #tpu.memory_space<vmem_shared>> -> memref<128x32xf32, #tpu.memory_space<vmem_shared>>
      %dma_wait3A_57 = arith.constant 0 : i32
      %dma_wait3A_58 = arith.constant 0 : i32
      %dma_wait3A_59 = tpu.memref_slice %arg10[%run_scoped3A_21, %dma_wait3A_57, %dma_wait3A_58] : memref<4x128x32xf32, #tpu.memory_space<vmem>> -> memref<1x128x32xf32, #tpu.memory_space<vmem>>
      %dma_wait3A_60 = tpu.memref_squeeze %dma_wait3A_59 : memref<1x128x32xf32, #tpu.memory_space<vmem>> -> memref<128x32xf32, #tpu.memory_space<vmem>>
      tpu.wait_dma2 semaphore(%run_scoped3A_38 : memref<!tpu.dma_semaphore, #tpu.memory_space<semaphore_mem>>) src(%dma_wait3A_60 : memref<128x32xf32, #tpu.memory_space<vmem>>) dst(%dma_wait3A_56 : memref<128x32xf32, #tpu.memory_space<vmem_shared>>)
      tpu.yield
    }) : () -> ()
    %mul3A_22 = arith.constant 640 : i32
    %mul3A_23 = arith.muli %arg1, %mul3A_22 : i32
    %add3A_24 = arith.constant 512 : i32
    %add3A_25 = arith.addi %mul3A_23, %add3A_24 : i32
    %run_scoped3A_26 = arith.constant 0 : i32
    "tpu.region"() ({
      %run_scoped3A_38 = tpu.sem_alloc : memref<!tpu.dma_semaphore, #tpu.memory_space<semaphore_mem>>
      %dma_start3A = arith.constant 0 : i32
      %dma_start3A_39 = arith.constant 0 : i32
      %dma_start3A_40 = tpu.memref_slice %arg10[%run_scoped3A_26, %dma_start3A, %dma_start3A_39] : memref<4x128x32xf32, #tpu.memory_space<vmem>> -> memref<1x128x32xf32, #tpu.memory_space<vmem>>
      %dma_start3A_41 = tpu.memref_squeeze %dma_start3A_40 : memref<1x128x32xf32, #tpu.memory_space<vmem>> -> memref<128x32xf32, #tpu.memory_space<vmem>>
      %dma_start3A_42 = arith.constant 0 : i32
      %dma_start3A_43 = tpu.memref_slice %arg11[%add3A_25, %dma_start3A_42] : memref<10240x32xf32, #tpu.memory_space<vmem_shared>> -> memref<128x32xf32, #tpu.memory_space<vmem_shared>>
      %dma_start3A_44 = arith.constant 0 : i32
      %dma_start3A_45 = tpu.memref_slice %arg11[%add3A_25, %dma_start3A_44] : memref<10240x32xf32, #tpu.memory_space<vmem_shared>> -> memref<128x32xf32, #tpu.memory_space<vmem_shared>>
      %dma_start3A_46 = arith.constant 0 : i32
      %dma_start3A_47 = arith.constant 0 : i32
      %dma_start3A_48 = tpu.memref_slice %arg10[%run_scoped3A_26, %dma_start3A_46, %dma_start3A_47] : memref<4x128x32xf32, #tpu.memory_space<vmem>> -> memref<1x128x32xf32, #tpu.memory_space<vmem>>
      %dma_start3A_49 = tpu.memref_squeeze %dma_start3A_48 : memref<1x128x32xf32, #tpu.memory_space<vmem>> -> memref<128x32xf32, #tpu.memory_space<vmem>>
      tpu.enqueue_dma source(%dma_start3A_49 : memref<128x32xf32, #tpu.memory_space<vmem>>) target(%dma_start3A_45 : memref<128x32xf32, #tpu.memory_space<vmem_shared>>) target_semaphore(%run_scoped3A_38 : memref<!tpu.dma_semaphore, #tpu.memory_space<semaphore_mem>>)
      %dma_wait3A = arith.constant 0 : i32
      %dma_wait3A_50 = arith.constant 0 : i32
      %dma_wait3A_51 = tpu.memref_slice %arg10[%run_scoped3A_26, %dma_wait3A, %dma_wait3A_50] : memref<4x128x32xf32, #tpu.memory_space<vmem>> -> memref<1x128x32xf32, #tpu.memory_space<vmem>>
      %dma_wait3A_52 = tpu.memref_squeeze %dma_wait3A_51 : memref<1x128x32xf32, #tpu.memory_space<vmem>> -> memref<128x32xf32, #tpu.memory_space<vmem>>
      %dma_wait3A_53 = arith.constant 0 : i32
      %dma_wait3A_54 = tpu.memref_slice %arg11[%add3A_25, %dma_wait3A_53] : memref<10240x32xf32, #tpu.memory_space<vmem_shared>> -> memref<128x32xf32, #tpu.memory_space<vmem_shared>>
      %dma_wait3A_55 = arith.constant 0 : i32
      %dma_wait3A_56 = tpu.memref_slice %arg11[%add3A_25, %dma_wait3A_55] : memref<10240x32xf32, #tpu.memory_space<vmem_shared>> -> memref<128x32xf32, #tpu.memory_space<vmem_shared>>
      %dma_wait3A_57 = arith.constant 0 : i32
      %dma_wait3A_58 = arith.constant 0 : i32
      %dma_wait3A_59 = tpu.memref_slice %arg10[%run_scoped3A_26, %dma_wait3A_57, %dma_wait3A_58] : memref<4x128x32xf32, #tpu.memory_space<vmem>> -> memref<1x128x32xf32, #tpu.memory_space<vmem>>
      %dma_wait3A_60 = tpu.memref_squeeze %dma_wait3A_59 : memref<1x128x32xf32, #tpu.memory_space<vmem>> -> memref<128x32xf32, #tpu.memory_space<vmem>>
      tpu.wait_dma2 semaphore(%run_scoped3A_38 : memref<!tpu.dma_semaphore, #tpu.memory_space<semaphore_mem>>) src(%dma_wait3A_60 : memref<128x32xf32, #tpu.memory_space<vmem>>) dst(%dma_wait3A_56 : memref<128x32xf32, #tpu.memory_space<vmem_shared>>)
      tpu.yield
    }) : () -> ()
    %eq3A = arith.constant 0 : i32
    %eq3A_27 = arith.cmpi eq, %arg0, %eq3A : i32
    %convert_element_type3A = arith.extui %eq3A_27 : i1 to i32
    %cond3A = arith.constant 0 : i32
    %cond3A_28 = arith.cmpi ne, %convert_element_type3A, %cond3A : i32
    scf.if %cond3A_28 {
      "tpu.region"() ({
        %run_scoped3A_45 = tpu.sem_alloc : memref<!tpu.dma_semaphore, #tpu.memory_space<semaphore_mem>>
        %dma_start3A = arith.constant 0 : i32
        %dma_start3A_46 = arith.constant 0 : i32
        %dma_start3A_47 = tpu.memref_slice %arg3[%arg1, %dma_start3A, %dma_start3A_46] : memref<16x144x128xi32, #tpu.memory_space<hbm>> -> memref<1x144x128xi32, #tpu.memory_space<hbm>>
        %dma_start3A_48 = tpu.memref_squeeze %dma_start3A_47 : memref<1x144x128xi32, #tpu.memory_space<hbm>> -> memref<144x128xi32, #tpu.memory_space<hbm>>
        %dma_start3A_49 = arith.constant 0 : i32
        %dma_start3A_50 = arith.constant 0 : i32
        %dma_start3A_51 = tpu.memref_slice %arg3[%arg1, %dma_start3A_49, %dma_start3A_50] : memref<16x144x128xi32, #tpu.memory_space<hbm>> -> memref<1x144x128xi32, #tpu.memory_space<hbm>>
        %dma_start3A_52 = tpu.memref_squeeze %dma_start3A_51 : memref<1x144x128xi32, #tpu.memory_space<hbm>> -> memref<144x128xi32, #tpu.memory_space<hbm>>
        tpu.enqueue_dma source(%dma_start3A_52 : memref<144x128xi32, #tpu.memory_space<hbm>>) target(%arg8 : memref<144x128xi32, #tpu.memory_space<vmem>>) target_semaphore(%run_scoped3A_45 : memref<!tpu.dma_semaphore, #tpu.memory_space<semaphore_mem>>)
        %dma_wait3A = arith.constant 0 : i32
        %dma_wait3A_53 = arith.constant 0 : i32
        %dma_wait3A_54 = tpu.memref_slice %arg3[%arg1, %dma_wait3A, %dma_wait3A_53] : memref<16x144x128xi32, #tpu.memory_space<hbm>> -> memref<1x144x128xi32, #tpu.memory_space<hbm>>
        %dma_wait3A_55 = tpu.memref_squeeze %dma_wait3A_54 : memref<1x144x128xi32, #tpu.memory_space<hbm>> -> memref<144x128xi32, #tpu.memory_space<hbm>>
        %dma_wait3A_56 = arith.constant 0 : i32
        %dma_wait3A_57 = arith.constant 0 : i32
        %dma_wait3A_58 = tpu.memref_slice %arg3[%arg1, %dma_wait3A_56, %dma_wait3A_57] : memref<16x144x128xi32, #tpu.memory_space<hbm>> -> memref<1x144x128xi32, #tpu.memory_space<hbm>>
        %dma_wait3A_59 = tpu.memref_squeeze %dma_wait3A_58 : memref<1x144x128xi32, #tpu.memory_space<hbm>> -> memref<144x128xi32, #tpu.memory_space<hbm>>
        tpu.wait_dma2 semaphore(%run_scoped3A_45 : memref<!tpu.dma_semaphore, #tpu.memory_space<semaphore_mem>>) src(%dma_wait3A_59 : memref<144x128xi32, #tpu.memory_space<hbm>>) dst(%arg8 : memref<144x128xi32, #tpu.memory_space<vmem>>)
        tpu.yield
      }) : () -> ()
      "tpu.region"() ({
        %run_scoped3A_45 = tpu.sem_alloc : memref<!tpu.dma_semaphore, #tpu.memory_space<semaphore_mem>>
        %dma_start3A = arith.constant 0 : i32
        %dma_start3A_46 = arith.constant 0 : i32
        %dma_start3A_47 = tpu.memref_slice %arg4[%arg1, %dma_start3A, %dma_start3A_46] : memref<16x144x128xi32, #tpu.memory_space<hbm>> -> memref<1x144x128xi32, #tpu.memory_space<hbm>>
        %dma_start3A_48 = tpu.memref_squeeze %dma_start3A_47 : memref<1x144x128xi32, #tpu.memory_space<hbm>> -> memref<144x128xi32, #tpu.memory_space<hbm>>
        %dma_start3A_49 = arith.constant 0 : i32
        %dma_start3A_50 = arith.constant 0 : i32
        %dma_start3A_51 = tpu.memref_slice %arg4[%arg1, %dma_start3A_49, %dma_start3A_50] : memref<16x144x128xi32, #tpu.memory_space<hbm>> -> memref<1x144x128xi32, #tpu.memory_space<hbm>>
        %dma_start3A_52 = tpu.memref_squeeze %dma_start3A_51 : memref<1x144x128xi32, #tpu.memory_space<hbm>> -> memref<144x128xi32, #tpu.memory_space<hbm>>
        tpu.enqueue_dma source(%dma_start3A_52 : memref<144x128xi32, #tpu.memory_space<hbm>>) target(%arg9 : memref<144x128xi32, #tpu.memory_space<vmem>>) target_semaphore(%run_scoped3A_45 : memref<!tpu.dma_semaphore, #tpu.memory_space<semaphore_mem>>)
        %dma_wait3A = arith.constant 0 : i32
        %dma_wait3A_53 = arith.constant 0 : i32
        %dma_wait3A_54 = tpu.memref_slice %arg4[%arg1, %dma_wait3A, %dma_wait3A_53] : memref<16x144x128xi32, #tpu.memory_space<hbm>> -> memref<1x144x128xi32, #tpu.memory_space<hbm>>
        %dma_wait3A_55 = tpu.memref_squeeze %dma_wait3A_54 : memref<1x144x128xi32, #tpu.memory_space<hbm>> -> memref<144x128xi32, #tpu.memory_space<hbm>>
        %dma_wait3A_56 = arith.constant 0 : i32
        %dma_wait3A_57 = arith.constant 0 : i32
        %dma_wait3A_58 = tpu.memref_slice %arg4[%arg1, %dma_wait3A_56, %dma_wait3A_57] : memref<16x144x128xi32, #tpu.memory_space<hbm>> -> memref<1x144x128xi32, #tpu.memory_space<hbm>>
        %dma_wait3A_59 = tpu.memref_squeeze %dma_wait3A_58 : memref<1x144x128xi32, #tpu.memory_space<hbm>> -> memref<144x128xi32, #tpu.memory_space<hbm>>
        tpu.wait_dma2 semaphore(%run_scoped3A_45 : memref<!tpu.dma_semaphore, #tpu.memory_space<semaphore_mem>>) src(%dma_wait3A_59 : memref<144x128xi32, #tpu.memory_space<hbm>>) dst(%arg9 : memref<144x128xi32, #tpu.memory_space<vmem>>)
        tpu.yield
      }) : () -> ()
      %barrier3A_38 = arith.constant 0 : index
      tpu.barrier barrier_id(%barrier3A_38)
      %scan3A_39 = arith.constant 0 : i32
      %scan3A_40 = arith.constant 0 : i32
      %scan3A_41 = arith.constant 36 : i32
      %scan3A_42 = arith.addi %scan3A_40, %scan3A_41 : i32
      %scan3A_43 = arith.constant 1 : i32
      scf.for %scan3A_45 = %scan3A_40 to %scan3A_42 step %scan3A_43  : i32 {
        %mul3A_46 = arith.constant 4 : i32
        %mul3A_47 = arith.muli %scan3A_45, %mul3A_46 : i32
        %add3A_48 = arith.constant 0 : i32
        %add3A_49 = arith.addi %mul3A_47, %add3A_48 : i32
        %dma_start3A = arith.constant 0 : i32
        %dma_start3A_50 = arith.constant 0 : i32
        %dma_start3A_51 = arith.constant 0 : i32
        %dma_start3A_52 = tpu.memref_slice %arg10[%dma_start3A, %dma_start3A_50, %dma_start3A_51] : memref<4x128x32xf32, #tpu.memory_space<vmem>> -> memref<1x128x32xf32, #tpu.memory_space<vmem>>
        %dma_start3A_53 = tpu.memref_squeeze %dma_start3A_52 : memref<1x128x32xf32, #tpu.memory_space<vmem>> -> memref<128x32xf32, #tpu.memory_space<vmem>>
        %dma_start3A_54 = arith.constant 0 : i32
        %dma_start3A_55 = tpu.memref_slice %arg8[%add3A_49, %dma_start3A_54] : memref<144x128xi32, #tpu.memory_space<vmem>> -> memref<1x128xi32, #tpu.memory_space<vmem>>
        %dma_start3A_56 = tpu.memref_squeeze %dma_start3A_55 : memref<1x128xi32, #tpu.memory_space<vmem>> -> memref<128xi32, #tpu.memory_space<vmem>>
        %dma_start3A_57 = arith.constant 0 : i32
        %dma_start3A_58 = arith.constant 0 : i32
        %dma_start3A_59 = tpu.memref_slice %arg2[%dma_start3A_57, %dma_start3A_58] : memref<10240x32xf32, #tpu.memory_space<hbm>> -> memref<10240x32xf32, #tpu.memory_space<hbm>>
        tpu.enqueue_indirect_dma source(%dma_start3A_59 : memref<10240x32xf32, #tpu.memory_space<hbm>>) target(%dma_start3A_53 : memref<128x32xf32, #tpu.memory_space<vmem>>) offsets(%dma_start3A_56 : memref<128xi32, #tpu.memory_space<vmem>>) semaphore(%arg12 : memref<!tpu.dma_semaphore, #tpu.memory_space<semaphore_mem>>)
        %add3A_60 = arith.constant 1 : i32
        %add3A_61 = arith.addi %mul3A_47, %add3A_60 : i32
        %dma_start3A_62 = arith.constant 1 : i32
        %dma_start3A_63 = arith.constant 0 : i32
        %dma_start3A_64 = arith.constant 0 : i32
        %dma_start3A_65 = tpu.memref_slice %arg10[%dma_start3A_62, %dma_start3A_63, %dma_start3A_64] : memref<4x128x32xf32, #tpu.memory_space<vmem>> -> memref<1x128x32xf32, #tpu.memory_space<vmem>>
        %dma_start3A_66 = tpu.memref_squeeze %dma_start3A_65 : memref<1x128x32xf32, #tpu.memory_space<vmem>> -> memref<128x32xf32, #tpu.memory_space<vmem>>
        %dma_start3A_67 = arith.constant 0 : i32
        %dma_start3A_68 = tpu.memref_slice %arg8[%add3A_61, %dma_start3A_67] : memref<144x128xi32, #tpu.memory_space<vmem>> -> memref<1x128xi32, #tpu.memory_space<vmem>>
        %dma_start3A_69 = tpu.memref_squeeze %dma_start3A_68 : memref<1x128xi32, #tpu.memory_space<vmem>> -> memref<128xi32, #tpu.memory_space<vmem>>
        %dma_start3A_70 = arith.constant 0 : i32
        %dma_start3A_71 = arith.constant 0 : i32
        %dma_start3A_72 = tpu.memref_slice %arg2[%dma_start3A_70, %dma_start3A_71] : memref<10240x32xf32, #tpu.memory_space<hbm>> -> memref<10240x32xf32, #tpu.memory_space<hbm>>
        tpu.enqueue_indirect_dma source(%dma_start3A_72 : memref<10240x32xf32, #tpu.memory_space<hbm>>) target(%dma_start3A_66 : memref<128x32xf32, #tpu.memory_space<vmem>>) offsets(%dma_start3A_69 : memref<128xi32, #tpu.memory_space<vmem>>) semaphore(%arg12 : memref<!tpu.dma_semaphore, #tpu.memory_space<semaphore_mem>>)
        %add3A_73 = arith.constant 2 : i32
        %add3A_74 = arith.addi %mul3A_47, %add3A_73 : i32
        %dma_start3A_75 = arith.constant 2 : i32
        %dma_start3A_76 = arith.constant 0 : i32
        %dma_start3A_77 = arith.constant 0 : i32
        %dma_start3A_78 = tpu.memref_slice %arg10[%dma_start3A_75, %dma_start3A_76, %dma_start3A_77] : memref<4x128x32xf32, #tpu.memory_space<vmem>> -> memref<1x128x32xf32, #tpu.memory_space<vmem>>
        %dma_start3A_79 = tpu.memref_squeeze %dma_start3A_78 : memref<1x128x32xf32, #tpu.memory_space<vmem>> -> memref<128x32xf32, #tpu.memory_space<vmem>>
        %dma_start3A_80 = arith.constant 0 : i32
        %dma_start3A_81 = tpu.memref_slice %arg8[%add3A_74, %dma_start3A_80] : memref<144x128xi32, #tpu.memory_space<vmem>> -> memref<1x128xi32, #tpu.memory_space<vmem>>
        %dma_start3A_82 = tpu.memref_squeeze %dma_start3A_81 : memref<1x128xi32, #tpu.memory_space<vmem>> -> memref<128xi32, #tpu.memory_space<vmem>>
        %dma_start3A_83 = arith.constant 0 : i32
        %dma_start3A_84 = arith.constant 0 : i32
        %dma_start3A_85 = tpu.memref_slice %arg2[%dma_start3A_83, %dma_start3A_84] : memref<10240x32xf32, #tpu.memory_space<hbm>> -> memref<10240x32xf32, #tpu.memory_space<hbm>>
        tpu.enqueue_indirect_dma source(%dma_start3A_85 : memref<10240x32xf32, #tpu.memory_space<hbm>>) target(%dma_start3A_79 : memref<128x32xf32, #tpu.memory_space<vmem>>) offsets(%dma_start3A_82 : memref<128xi32, #tpu.memory_space<vmem>>) semaphore(%arg12 : memref<!tpu.dma_semaphore, #tpu.memory_space<semaphore_mem>>)
        %add3A_86 = arith.constant 3 : i32
        %add3A_87 = arith.addi %mul3A_47, %add3A_86 : i32
        %dma_start3A_88 = arith.constant 3 : i32
        %dma_start3A_89 = arith.constant 0 : i32
        %dma_start3A_90 = arith.constant 0 : i32
        %dma_start3A_91 = tpu.memref_slice %arg10[%dma_start3A_88, %dma_start3A_89, %dma_start3A_90] : memref<4x128x32xf32, #tpu.memory_space<vmem>> -> memref<1x128x32xf32, #tpu.memory_space<vmem>>
        %dma_start3A_92 = tpu.memref_squeeze %dma_start3A_91 : memref<1x128x32xf32, #tpu.memory_space<vmem>> -> memref<128x32xf32, #tpu.memory_space<vmem>>
        %dma_start3A_93 = arith.constant 0 : i32
        %dma_start3A_94 = tpu.memref_slice %arg8[%add3A_87, %dma_start3A_93] : memref<144x128xi32, #tpu.memory_space<vmem>> -> memref<1x128xi32, #tpu.memory_space<vmem>>
        %dma_start3A_95 = tpu.memref_squeeze %dma_start3A_94 : memref<1x128xi32, #tpu.memory_space<vmem>> -> memref<128xi32, #tpu.memory_space<vmem>>
        %dma_start3A_96 = arith.constant 0 : i32
        %dma_start3A_97 = arith.constant 0 : i32
        %dma_start3A_98 = tpu.memref_slice %arg2[%dma_start3A_96, %dma_start3A_97] : memref<10240x32xf32, #tpu.memory_space<hbm>> -> memref<10240x32xf32, #tpu.memory_space<hbm>>
        tpu.enqueue_indirect_dma source(%dma_start3A_98 : memref<10240x32xf32, #tpu.memory_space<hbm>>) target(%dma_start3A_92 : memref<128x32xf32, #tpu.memory_space<vmem>>) offsets(%dma_start3A_95 : memref<128xi32, #tpu.memory_space<vmem>>) semaphore(%arg12 : memref<!tpu.dma_semaphore, #tpu.memory_space<semaphore_mem>>)
        %dma_wait3A = arith.constant 0 : i32
        %dma_wait3A_99 = arith.constant 0 : i32
        %dma_wait3A_100 = arith.constant 0 : i32
        %dma_wait3A_101 = tpu.memref_slice %arg10[%dma_wait3A, %dma_wait3A_99, %dma_wait3A_100] : memref<4x128x32xf32, #tpu.memory_space<vmem>> -> memref<1x128x32xf32, #tpu.memory_space<vmem>>
        %dma_wait3A_102 = tpu.memref_squeeze %dma_wait3A_101 : memref<1x128x32xf32, #tpu.memory_space<vmem>> -> memref<128x32xf32, #tpu.memory_space<vmem>>
        %dma_wait3A_103 = arith.constant 0 : i32
        %dma_wait3A_104 = tpu.memref_slice %arg8[%add3A_49, %dma_wait3A_103] : memref<144x128xi32, #tpu.memory_space<vmem>> -> memref<1x128xi32, #tpu.memory_space<vmem>>
        %dma_wait3A_105 = tpu.memref_squeeze %dma_wait3A_104 : memref<1x128xi32, #tpu.memory_space<vmem>> -> memref<128xi32, #tpu.memory_space<vmem>>
        %dma_wait3A_106 = arith.constant 0 : i32
        %dma_wait3A_107 = arith.constant 0 : i32
        %dma_wait3A_108 = tpu.memref_slice %arg2[%dma_wait3A_106, %dma_wait3A_107] : memref<10240x32xf32, #tpu.memory_space<hbm>> -> memref<10240x32xf32, #tpu.memory_space<hbm>>
        tpu.wait_indirect_dma semaphore(%arg12 : memref<!tpu.dma_semaphore, #tpu.memory_space<semaphore_mem>>) src(%dma_wait3A_108 : memref<10240x32xf32, #tpu.memory_space<hbm>>) dst(%dma_wait3A_102 : memref<128x32xf32, #tpu.memory_space<vmem>>)
        %dma_wait3A_109 = arith.constant 1 : i32
        %dma_wait3A_110 = arith.constant 0 : i32
        %dma_wait3A_111 = arith.constant 0 : i32
        %dma_wait3A_112 = tpu.memref_slice %arg10[%dma_wait3A_109, %dma_wait3A_110, %dma_wait3A_111] : memref<4x128x32xf32, #tpu.memory_space<vmem>> -> memref<1x128x32xf32, #tpu.memory_space<vmem>>
        %dma_wait3A_113 = tpu.memref_squeeze %dma_wait3A_112 : memref<1x128x32xf32, #tpu.memory_space<vmem>> -> memref<128x32xf32, #tpu.memory_space<vmem>>
        %dma_wait3A_114 = arith.constant 0 : i32
        %dma_wait3A_115 = tpu.memref_slice %arg8[%add3A_61, %dma_wait3A_114] : memref<144x128xi32, #tpu.memory_space<vmem>> -> memref<1x128xi32, #tpu.memory_space<vmem>>
        %dma_wait3A_116 = tpu.memref_squeeze %dma_wait3A_115 : memref<1x128xi32, #tpu.memory_space<vmem>> -> memref<128xi32, #tpu.memory_space<vmem>>
        %dma_wait3A_117 = arith.constant 0 : i32
        %dma_wait3A_118 = arith.constant 0 : i32
        %dma_wait3A_119 = tpu.memref_slice %arg2[%dma_wait3A_117, %dma_wait3A_118] : memref<10240x32xf32, #tpu.memory_space<hbm>> -> memref<10240x32xf32, #tpu.memory_space<hbm>>
        tpu.wait_indirect_dma semaphore(%arg12 : memref<!tpu.dma_semaphore, #tpu.memory_space<semaphore_mem>>) src(%dma_wait3A_119 : memref<10240x32xf32, #tpu.memory_space<hbm>>) dst(%dma_wait3A_113 : memref<128x32xf32, #tpu.memory_space<vmem>>)
        %dma_wait3A_120 = arith.constant 2 : i32
        %dma_wait3A_121 = arith.constant 0 : i32
        %dma_wait3A_122 = arith.constant 0 : i32
        %dma_wait3A_123 = tpu.memref_slice %arg10[%dma_wait3A_120, %dma_wait3A_121, %dma_wait3A_122] : memref<4x128x32xf32, #tpu.memory_space<vmem>> -> memref<1x128x32xf32, #tpu.memory_space<vmem>>
        %dma_wait3A_124 = tpu.memref_squeeze %dma_wait3A_123 : memref<1x128x32xf32, #tpu.memory_space<vmem>> -> memref<128x32xf32, #tpu.memory_space<vmem>>
        %dma_wait3A_125 = arith.constant 0 : i32
        %dma_wait3A_126 = tpu.memref_slice %arg8[%add3A_74, %dma_wait3A_125] : memref<144x128xi32, #tpu.memory_space<vmem>> -> memref<1x128xi32, #tpu.memory_space<vmem>>
        %dma_wait3A_127 = tpu.memref_squeeze %dma_wait3A_126 : memref<1x128xi32, #tpu.memory_space<vmem>> -> memref<128xi32, #tpu.memory_space<vmem>>
        %dma_wait3A_128 = arith.constant 0 : i32
        %dma_wait3A_129 = arith.constant 0 : i32
        %dma_wait3A_130 = tpu.memref_slice %arg2[%dma_wait3A_128, %dma_wait3A_129] : memref<10240x32xf32, #tpu.memory_space<hbm>> -> memref<10240x32xf32, #tpu.memory_space<hbm>>
        tpu.wait_indirect_dma semaphore(%arg12 : memref<!tpu.dma_semaphore, #tpu.memory_space<semaphore_mem>>) src(%dma_wait3A_130 : memref<10240x32xf32, #tpu.memory_space<hbm>>) dst(%dma_wait3A_124 : memref<128x32xf32, #tpu.memory_space<vmem>>)
        %dma_wait3A_131 = arith.constant 3 : i32
        %dma_wait3A_132 = arith.constant 0 : i32
        %dma_wait3A_133 = arith.constant 0 : i32
        %dma_wait3A_134 = tpu.memref_slice %arg10[%dma_wait3A_131, %dma_wait3A_132, %dma_wait3A_133] : memref<4x128x32xf32, #tpu.memory_space<vmem>> -> memref<1x128x32xf32, #tpu.memory_space<vmem>>
        %dma_wait3A_135 = tpu.memref_squeeze %dma_wait3A_134 : memref<1x128x32xf32, #tpu.memory_space<vmem>> -> memref<128x32xf32, #tpu.memory_space<vmem>>
        %dma_wait3A_136 = arith.constant 0 : i32
        %dma_wait3A_137 = tpu.memref_slice %arg8[%add3A_87, %dma_wait3A_136] : memref<144x128xi32, #tpu.memory_space<vmem>> -> memref<1x128xi32, #tpu.memory_space<vmem>>
        %dma_wait3A_138 = tpu.memref_squeeze %dma_wait3A_137 : memref<1x128xi32, #tpu.memory_space<vmem>> -> memref<128xi32, #tpu.memory_space<vmem>>
        %dma_wait3A_139 = arith.constant 0 : i32
        %dma_wait3A_140 = arith.constant 0 : i32
        %dma_wait3A_141 = tpu.memref_slice %arg2[%dma_wait3A_139, %dma_wait3A_140] : memref<10240x32xf32, #tpu.memory_space<hbm>> -> memref<10240x32xf32, #tpu.memory_space<hbm>>
        tpu.wait_indirect_dma semaphore(%arg12 : memref<!tpu.dma_semaphore, #tpu.memory_space<semaphore_mem>>) src(%dma_wait3A_141 : memref<10240x32xf32, #tpu.memory_space<hbm>>) dst(%dma_wait3A_135 : memref<128x32xf32, #tpu.memory_space<vmem>>)
        %add3A_142 = arith.constant 0 : i32
        %add3A_143 = arith.addi %mul3A_47, %add3A_142 : i32
        %dma_start3A_144 = arith.constant 0 : i32
        %dma_start3A_145 = arith.constant 0 : i32
        %dma_start3A_146 = arith.constant 0 : i32
        %dma_start3A_147 = tpu.memref_slice %arg10[%dma_start3A_144, %dma_start3A_145, %dma_start3A_146] : memref<4x128x32xf32, #tpu.memory_space<vmem>> -> memref<1x128x32xf32, #tpu.memory_space<vmem>>
        %dma_start3A_148 = tpu.memref_squeeze %dma_start3A_147 : memref<1x128x32xf32, #tpu.memory_space<vmem>> -> memref<128x32xf32, #tpu.memory_space<vmem>>
        %dma_start3A_149 = arith.constant 0 : i32
        %dma_start3A_150 = tpu.memref_slice %arg9[%add3A_143, %dma_start3A_149] : memref<144x128xi32, #tpu.memory_space<vmem>> -> memref<1x128xi32, #tpu.memory_space<vmem>>
        %dma_start3A_151 = tpu.memref_squeeze %dma_start3A_150 : memref<1x128xi32, #tpu.memory_space<vmem>> -> memref<128xi32, #tpu.memory_space<vmem>>
        %dma_start3A_152 = arith.constant 0 : i32
        %dma_start3A_153 = arith.constant 0 : i32
        %dma_start3A_154 = tpu.memref_slice %arg11[%dma_start3A_152, %dma_start3A_153] : memref<10240x32xf32, #tpu.memory_space<vmem_shared>> -> memref<10240x32xf32, #tpu.memory_space<vmem_shared>>
        tpu.enqueue_indirect_dma source(%dma_start3A_148 : memref<128x32xf32, #tpu.memory_space<vmem>>) target(%dma_start3A_154 : memref<10240x32xf32, #tpu.memory_space<vmem_shared>>) offsets(%dma_start3A_151 : memref<128xi32, #tpu.memory_space<vmem>>) semaphore(%arg13 : memref<!tpu.dma_semaphore, #tpu.memory_space<semaphore_mem>>) {add = true}
        %dma_wait3A_155 = arith.constant 0 : i32
        %dma_wait3A_156 = arith.constant 0 : i32
        %dma_wait3A_157 = arith.constant 0 : i32
        %dma_wait3A_158 = tpu.memref_slice %arg10[%dma_wait3A_155, %dma_wait3A_156, %dma_wait3A_157] : memref<4x128x32xf32, #tpu.memory_space<vmem>> -> memref<1x128x32xf32, #tpu.memory_space<vmem>>
        %dma_wait3A_159 = tpu.memref_squeeze %dma_wait3A_158 : memref<1x128x32xf32, #tpu.memory_space<vmem>> -> memref<128x32xf32, #tpu.memory_space<vmem>>
        %dma_wait3A_160 = arith.constant 0 : i32
        %dma_wait3A_161 = tpu.memref_slice %arg9[%add3A_143, %dma_wait3A_160] : memref<144x128xi32, #tpu.memory_space<vmem>> -> memref<1x128xi32, #tpu.memory_space<vmem>>
        %dma_wait3A_162 = tpu.memref_squeeze %dma_wait3A_161 : memref<1x128xi32, #tpu.memory_space<vmem>> -> memref<128xi32, #tpu.memory_space<vmem>>
        %dma_wait3A_163 = arith.constant 0 : i32
        %dma_wait3A_164 = arith.constant 0 : i32
        %dma_wait3A_165 = tpu.memref_slice %arg11[%dma_wait3A_163, %dma_wait3A_164] : memref<10240x32xf32, #tpu.memory_space<vmem_shared>> -> memref<10240x32xf32, #tpu.memory_space<vmem_shared>>
        tpu.wait_indirect_dma semaphore(%arg13 : memref<!tpu.dma_semaphore, #tpu.memory_space<semaphore_mem>>) src(%dma_wait3A_159 : memref<128x32xf32, #tpu.memory_space<vmem>>) dst(%dma_wait3A_165 : memref<10240x32xf32, #tpu.memory_space<vmem_shared>>)
        %add3A_166 = arith.constant 1 : i32
        %add3A_167 = arith.addi %mul3A_47, %add3A_166 : i32
        %dma_start3A_168 = arith.constant 1 : i32
        %dma_start3A_169 = arith.constant 0 : i32
        %dma_start3A_170 = arith.constant 0 : i32
        %dma_start3A_171 = tpu.memref_slice %arg10[%dma_start3A_168, %dma_start3A_169, %dma_start3A_170] : memref<4x128x32xf32, #tpu.memory_space<vmem>> -> memref<1x128x32xf32, #tpu.memory_space<vmem>>
        %dma_start3A_172 = tpu.memref_squeeze %dma_start3A_171 : memref<1x128x32xf32, #tpu.memory_space<vmem>> -> memref<128x32xf32, #tpu.memory_space<vmem>>
        %dma_start3A_173 = arith.constant 0 : i32
        %dma_start3A_174 = tpu.memref_slice %arg9[%add3A_167, %dma_start3A_173] : memref<144x128xi32, #tpu.memory_space<vmem>> -> memref<1x128xi32, #tpu.memory_space<vmem>>
        %dma_start3A_175 = tpu.memref_squeeze %dma_start3A_174 : memref<1x128xi32, #tpu.memory_space<vmem>> -> memref<128xi32, #tpu.memory_space<vmem>>
        %dma_start3A_176 = arith.constant 0 : i32
        %dma_start3A_177 = arith.constant 0 : i32
        %dma_start3A_178 = tpu.memref_slice %arg11[%dma_start3A_176, %dma_start3A_177] : memref<10240x32xf32, #tpu.memory_space<vmem_shared>> -> memref<10240x32xf32, #tpu.memory_space<vmem_shared>>
        tpu.enqueue_indirect_dma source(%dma_start3A_172 : memref<128x32xf32, #tpu.memory_space<vmem>>) target(%dma_start3A_178 : memref<10240x32xf32, #tpu.memory_space<vmem_shared>>) offsets(%dma_start3A_175 : memref<128xi32, #tpu.memory_space<vmem>>) semaphore(%arg13 : memref<!tpu.dma_semaphore, #tpu.memory_space<semaphore_mem>>) {add = true}
        %dma_wait3A_179 = arith.constant 1 : i32
        %dma_wait3A_180 = arith.constant 0 : i32
        %dma_wait3A_181 = arith.constant 0 : i32
        %dma_wait3A_182 = tpu.memref_slice %arg10[%dma_wait3A_179, %dma_wait3A_180, %dma_wait3A_181] : memref<4x128x32xf32, #tpu.memory_space<vmem>> -> memref<1x128x32xf32, #tpu.memory_space<vmem>>
        %dma_wait3A_183 = tpu.memref_squeeze %dma_wait3A_182 : memref<1x128x32xf32, #tpu.memory_space<vmem>> -> memref<128x32xf32, #tpu.memory_space<vmem>>
        %dma_wait3A_184 = arith.constant 0 : i32
        %dma_wait3A_185 = tpu.memref_slice %arg9[%add3A_167, %dma_wait3A_184] : memref<144x128xi32, #tpu.memory_space<vmem>> -> memref<1x128xi32, #tpu.memory_space<vmem>>
        %dma_wait3A_186 = tpu.memref_squeeze %dma_wait3A_185 : memref<1x128xi32, #tpu.memory_space<vmem>> -> memref<128xi32, #tpu.memory_space<vmem>>
        %dma_wait3A_187 = arith.constant 0 : i32
        %dma_wait3A_188 = arith.constant 0 : i32
        %dma_wait3A_189 = tpu.memref_slice %arg11[%dma_wait3A_187, %dma_wait3A_188] : memref<10240x32xf32, #tpu.memory_space<vmem_shared>> -> memref<10240x32xf32, #tpu.memory_space<vmem_shared>>
        tpu.wait_indirect_dma semaphore(%arg13 : memref<!tpu.dma_semaphore, #tpu.memory_space<semaphore_mem>>) src(%dma_wait3A_183 : memref<128x32xf32, #tpu.memory_space<vmem>>) dst(%dma_wait3A_189 : memref<10240x32xf32, #tpu.memory_space<vmem_shared>>)
        %add3A_190 = arith.constant 2 : i32
        %add3A_191 = arith.addi %mul3A_47, %add3A_190 : i32
        %dma_start3A_192 = arith.constant 2 : i32
        %dma_start3A_193 = arith.constant 0 : i32
        %dma_start3A_194 = arith.constant 0 : i32
        %dma_start3A_195 = tpu.memref_slice %arg10[%dma_start3A_192, %dma_start3A_193, %dma_start3A_194] : memref<4x128x32xf32, #tpu.memory_space<vmem>> -> memref<1x128x32xf32, #tpu.memory_space<vmem>>
        %dma_start3A_196 = tpu.memref_squeeze %dma_start3A_195 : memref<1x128x32xf32, #tpu.memory_space<vmem>> -> memref<128x32xf32, #tpu.memory_space<vmem>>
        %dma_start3A_197 = arith.constant 0 : i32
        %dma_start3A_198 = tpu.memref_slice %arg9[%add3A_191, %dma_start3A_197] : memref<144x128xi32, #tpu.memory_space<vmem>> -> memref<1x128xi32, #tpu.memory_space<vmem>>
        %dma_start3A_199 = tpu.memref_squeeze %dma_start3A_198 : memref<1x128xi32, #tpu.memory_space<vmem>> -> memref<128xi32, #tpu.memory_space<vmem>>
        %dma_start3A_200 = arith.constant 0 : i32
        %dma_start3A_201 = arith.constant 0 : i32
        %dma_start3A_202 = tpu.memref_slice %arg11[%dma_start3A_200, %dma_start3A_201] : memref<10240x32xf32, #tpu.memory_space<vmem_shared>> -> memref<10240x32xf32, #tpu.memory_space<vmem_shared>>
        tpu.enqueue_indirect_dma source(%dma_start3A_196 : memref<128x32xf32, #tpu.memory_space<vmem>>) target(%dma_start3A_202 : memref<10240x32xf32, #tpu.memory_space<vmem_shared>>) offsets(%dma_start3A_199 : memref<128xi32, #tpu.memory_space<vmem>>) semaphore(%arg13 : memref<!tpu.dma_semaphore, #tpu.memory_space<semaphore_mem>>) {add = true}
        %dma_wait3A_203 = arith.constant 2 : i32
        %dma_wait3A_204 = arith.constant 0 : i32
        %dma_wait3A_205 = arith.constant 0 : i32
        %dma_wait3A_206 = tpu.memref_slice %arg10[%dma_wait3A_203, %dma_wait3A_204, %dma_wait3A_205] : memref<4x128x32xf32, #tpu.memory_space<vmem>> -> memref<1x128x32xf32, #tpu.memory_space<vmem>>
        %dma_wait3A_207 = tpu.memref_squeeze %dma_wait3A_206 : memref<1x128x32xf32, #tpu.memory_space<vmem>> -> memref<128x32xf32, #tpu.memory_space<vmem>>
        %dma_wait3A_208 = arith.constant 0 : i32
        %dma_wait3A_209 = tpu.memref_slice %arg9[%add3A_191, %dma_wait3A_208] : memref<144x128xi32, #tpu.memory_space<vmem>> -> memref<1x128xi32, #tpu.memory_space<vmem>>
        %dma_wait3A_210 = tpu.memref_squeeze %dma_wait3A_209 : memref<1x128xi32, #tpu.memory_space<vmem>> -> memref<128xi32, #tpu.memory_space<vmem>>
        %dma_wait3A_211 = arith.constant 0 : i32
        %dma_wait3A_212 = arith.constant 0 : i32
        %dma_wait3A_213 = tpu.memref_slice %arg11[%dma_wait3A_211, %dma_wait3A_212] : memref<10240x32xf32, #tpu.memory_space<vmem_shared>> -> memref<10240x32xf32, #tpu.memory_space<vmem_shared>>
        tpu.wait_indirect_dma semaphore(%arg13 : memref<!tpu.dma_semaphore, #tpu.memory_space<semaphore_mem>>) src(%dma_wait3A_207 : memref<128x32xf32, #tpu.memory_space<vmem>>) dst(%dma_wait3A_213 : memref<10240x32xf32, #tpu.memory_space<vmem_shared>>)
        %add3A_214 = arith.constant 3 : i32
        %add3A_215 = arith.addi %mul3A_47, %add3A_214 : i32
        %dma_start3A_216 = arith.constant 3 : i32
        %dma_start3A_217 = arith.constant 0 : i32
        %dma_start3A_218 = arith.constant 0 : i32
        %dma_start3A_219 = tpu.memref_slice %arg10[%dma_start3A_216, %dma_start3A_217, %dma_start3A_218] : memref<4x128x32xf32, #tpu.memory_space<vmem>> -> memref<1x128x32xf32, #tpu.memory_space<vmem>>
        %dma_start3A_220 = tpu.memref_squeeze %dma_start3A_219 : memref<1x128x32xf32, #tpu.memory_space<vmem>> -> memref<128x32xf32, #tpu.memory_space<vmem>>
        %dma_start3A_221 = arith.constant 0 : i32
        %dma_start3A_222 = tpu.memref_slice %arg9[%add3A_215, %dma_start3A_221] : memref<144x128xi32, #tpu.memory_space<vmem>> -> memref<1x128xi32, #tpu.memory_space<vmem>>
        %dma_start3A_223 = tpu.memref_squeeze %dma_start3A_222 : memref<1x128xi32, #tpu.memory_space<vmem>> -> memref<128xi32, #tpu.memory_space<vmem>>
        %dma_start3A_224 = arith.constant 0 : i32
        %dma_start3A_225 = arith.constant 0 : i32
        %dma_start3A_226 = tpu.memref_slice %arg11[%dma_start3A_224, %dma_start3A_225] : memref<10240x32xf32, #tpu.memory_space<vmem_shared>> -> memref<10240x32xf32, #tpu.memory_space<vmem_shared>>
        tpu.enqueue_indirect_dma source(%dma_start3A_220 : memref<128x32xf32, #tpu.memory_space<vmem>>) target(%dma_start3A_226 : memref<10240x32xf32, #tpu.memory_space<vmem_shared>>) offsets(%dma_start3A_223 : memref<128xi32, #tpu.memory_space<vmem>>) semaphore(%arg13 : memref<!tpu.dma_semaphore, #tpu.memory_space<semaphore_mem>>) {add = true}
        %dma_wait3A_227 = arith.constant 3 : i32
        %dma_wait3A_228 = arith.constant 0 : i32
        %dma_wait3A_229 = arith.constant 0 : i32
        %dma_wait3A_230 = tpu.memref_slice %arg10[%dma_wait3A_227, %dma_wait3A_228, %dma_wait3A_229] : memref<4x128x32xf32, #tpu.memory_space<vmem>> -> memref<1x128x32xf32, #tpu.memory_space<vmem>>
        %dma_wait3A_231 = tpu.memref_squeeze %dma_wait3A_230 : memref<1x128x32xf32, #tpu.memory_space<vmem>> -> memref<128x32xf32, #tpu.memory_space<vmem>>
        %dma_wait3A_232 = arith.constant 0 : i32
        %dma_wait3A_233 = tpu.memref_slice %arg9[%add3A_215, %dma_wait3A_232] : memref<144x128xi32, #tpu.memory_space<vmem>> -> memref<1x128xi32, #tpu.memory_space<vmem>>
        %dma_wait3A_234 = tpu.memref_squeeze %dma_wait3A_233 : memref<1x128xi32, #tpu.memory_space<vmem>> -> memref<128xi32, #tpu.memory_space<vmem>>
        %dma_wait3A_235 = arith.constant 0 : i32
        %dma_wait3A_236 = arith.constant 0 : i32
        %dma_wait3A_237 = tpu.memref_slice %arg11[%dma_wait3A_235, %dma_wait3A_236] : memref<10240x32xf32, #tpu.memory_space<vmem_shared>> -> memref<10240x32xf32, #tpu.memory_space<vmem_shared>>
        tpu.wait_indirect_dma semaphore(%arg13 : memref<!tpu.dma_semaphore, #tpu.memory_space<semaphore_mem>>) src(%dma_wait3A_231 : memref<128x32xf32, #tpu.memory_space<vmem>>) dst(%dma_wait3A_237 : memref<10240x32xf32, #tpu.memory_space<vmem_shared>>)
      }
      %scan3A_44 = arith.constant 36 : i32
    } else {
    }
    %eq3A_29 = arith.constant 1 : i32
    %eq3A_30 = arith.cmpi eq, %arg0, %eq3A_29 : i32
    %convert_element_type3A_31 = arith.extui %eq3A_30 : i1 to i32
    %cond3A_32 = arith.constant 0 : i32
    %cond3A_33 = arith.cmpi ne, %convert_element_type3A_31, %cond3A_32 : i32
    scf.if %cond3A_33 {
      "tpu.region"() ({
        %run_scoped3A_45 = tpu.sem_alloc : memref<!tpu.dma_semaphore, #tpu.memory_space<semaphore_mem>>
        %dma_start3A = arith.constant 0 : i32
        %dma_start3A_46 = arith.constant 0 : i32
        %dma_start3A_47 = tpu.memref_slice %arg8[%dma_start3A, %dma_start3A_46] : memref<144x128xi32, #tpu.memory_space<vmem>> -> memref<16x128xi32, #tpu.memory_space<vmem>>
        %dma_start3A_48 = arith.constant 0 : i32
        %dma_start3A_49 = arith.constant 0 : i32
        %dma_start3A_50 = tpu.memref_slice %arg5[%arg1, %dma_start3A_48, %dma_start3A_49] : memref<16x16x128xi32, #tpu.memory_space<hbm>> -> memref<1x16x128xi32, #tpu.memory_space<hbm>>
        %dma_start3A_51 = tpu.memref_squeeze %dma_start3A_50 : memref<1x16x128xi32, #tpu.memory_space<hbm>> -> memref<16x128xi32, #tpu.memory_space<hbm>>
        %dma_start3A_52 = arith.constant 0 : i32
        %dma_start3A_53 = arith.constant 0 : i32
        %dma_start3A_54 = tpu.memref_slice %arg8[%dma_start3A_52, %dma_start3A_53] : memref<144x128xi32, #tpu.memory_space<vmem>> -> memref<16x128xi32, #tpu.memory_space<vmem>>
        %dma_start3A_55 = arith.constant 0 : i32
        %dma_start3A_56 = arith.constant 0 : i32
        %dma_start3A_57 = tpu.memref_slice %arg5[%arg1, %dma_start3A_55, %dma_start3A_56] : memref<16x16x128xi32, #tpu.memory_space<hbm>> -> memref<1x16x128xi32, #tpu.memory_space<hbm>>
        %dma_start3A_58 = tpu.memref_squeeze %dma_start3A_57 : memref<1x16x128xi32, #tpu.memory_space<hbm>> -> memref<16x128xi32, #tpu.memory_space<hbm>>
        tpu.enqueue_dma source(%dma_start3A_58 : memref<16x128xi32, #tpu.memory_space<hbm>>) target(%dma_start3A_54 : memref<16x128xi32, #tpu.memory_space<vmem>>) target_semaphore(%run_scoped3A_45 : memref<!tpu.dma_semaphore, #tpu.memory_space<semaphore_mem>>)
        %dma_wait3A = arith.constant 0 : i32
        %dma_wait3A_59 = arith.constant 0 : i32
        %dma_wait3A_60 = tpu.memref_slice %arg8[%dma_wait3A, %dma_wait3A_59] : memref<144x128xi32, #tpu.memory_space<vmem>> -> memref<16x128xi32, #tpu.memory_space<vmem>>
        %dma_wait3A_61 = arith.constant 0 : i32
        %dma_wait3A_62 = arith.constant 0 : i32
        %dma_wait3A_63 = tpu.memref_slice %arg5[%arg1, %dma_wait3A_61, %dma_wait3A_62] : memref<16x16x128xi32, #tpu.memory_space<hbm>> -> memref<1x16x128xi32, #tpu.memory_space<hbm>>
        %dma_wait3A_64 = tpu.memref_squeeze %dma_wait3A_63 : memref<1x16x128xi32, #tpu.memory_space<hbm>> -> memref<16x128xi32, #tpu.memory_space<hbm>>
        %dma_wait3A_65 = arith.constant 0 : i32
        %dma_wait3A_66 = arith.constant 0 : i32
        %dma_wait3A_67 = tpu.memref_slice %arg8[%dma_wait3A_65, %dma_wait3A_66] : memref<144x128xi32, #tpu.memory_space<vmem>> -> memref<16x128xi32, #tpu.memory_space<vmem>>
        %dma_wait3A_68 = arith.constant 0 : i32
        %dma_wait3A_69 = arith.constant 0 : i32
        %dma_wait3A_70 = tpu.memref_slice %arg5[%arg1, %dma_wait3A_68, %dma_wait3A_69] : memref<16x16x128xi32, #tpu.memory_space<hbm>> -> memref<1x16x128xi32, #tpu.memory_space<hbm>>
        %dma_wait3A_71 = tpu.memref_squeeze %dma_wait3A_70 : memref<1x16x128xi32, #tpu.memory_space<hbm>> -> memref<16x128xi32, #tpu.memory_space<hbm>>
        tpu.wait_dma2 semaphore(%run_scoped3A_45 : memref<!tpu.dma_semaphore, #tpu.memory_space<semaphore_mem>>) src(%dma_wait3A_71 : memref<16x128xi32, #tpu.memory_space<hbm>>) dst(%dma_wait3A_67 : memref<16x128xi32, #tpu.memory_space<vmem>>)
        tpu.yield
      }) : () -> ()
      "tpu.region"() ({
        %run_scoped3A_45 = tpu.sem_alloc : memref<!tpu.dma_semaphore, #tpu.memory_space<semaphore_mem>>
        %dma_start3A = arith.constant 0 : i32
        %dma_start3A_46 = arith.constant 0 : i32
        %dma_start3A_47 = tpu.memref_slice %arg9[%dma_start3A, %dma_start3A_46] : memref<144x128xi32, #tpu.memory_space<vmem>> -> memref<16x128xi32, #tpu.memory_space<vmem>>
        %dma_start3A_48 = arith.constant 0 : i32
        %dma_start3A_49 = arith.constant 0 : i32
        %dma_start3A_50 = tpu.memref_slice %arg6[%arg1, %dma_start3A_48, %dma_start3A_49] : memref<16x16x128xi32, #tpu.memory_space<hbm>> -> memref<1x16x128xi32, #tpu.memory_space<hbm>>
        %dma_start3A_51 = tpu.memref_squeeze %dma_start3A_50 : memref<1x16x128xi32, #tpu.memory_space<hbm>> -> memref<16x128xi32, #tpu.memory_space<hbm>>
        %dma_start3A_52 = arith.constant 0 : i32
        %dma_start3A_53 = arith.constant 0 : i32
        %dma_start3A_54 = tpu.memref_slice %arg9[%dma_start3A_52, %dma_start3A_53] : memref<144x128xi32, #tpu.memory_space<vmem>> -> memref<16x128xi32, #tpu.memory_space<vmem>>
        %dma_start3A_55 = arith.constant 0 : i32
        %dma_start3A_56 = arith.constant 0 : i32
        %dma_start3A_57 = tpu.memref_slice %arg6[%arg1, %dma_start3A_55, %dma_start3A_56] : memref<16x16x128xi32, #tpu.memory_space<hbm>> -> memref<1x16x128xi32, #tpu.memory_space<hbm>>
        %dma_start3A_58 = tpu.memref_squeeze %dma_start3A_57 : memref<1x16x128xi32, #tpu.memory_space<hbm>> -> memref<16x128xi32, #tpu.memory_space<hbm>>
        tpu.enqueue_dma source(%dma_start3A_58 : memref<16x128xi32, #tpu.memory_space<hbm>>) target(%dma_start3A_54 : memref<16x128xi32, #tpu.memory_space<vmem>>) target_semaphore(%run_scoped3A_45 : memref<!tpu.dma_semaphore, #tpu.memory_space<semaphore_mem>>)
        %dma_wait3A = arith.constant 0 : i32
        %dma_wait3A_59 = arith.constant 0 : i32
        %dma_wait3A_60 = tpu.memref_slice %arg9[%dma_wait3A, %dma_wait3A_59] : memref<144x128xi32, #tpu.memory_space<vmem>> -> memref<16x128xi32, #tpu.memory_space<vmem>>
        %dma_wait3A_61 = arith.constant 0 : i32
        %dma_wait3A_62 = arith.constant 0 : i32
        %dma_wait3A_63 = tpu.memref_slice %arg6[%arg1, %dma_wait3A_61, %dma_wait3A_62] : memref<16x16x128xi32, #tpu.memory_space<hbm>> -> memref<1x16x128xi32, #tpu.memory_space<hbm>>
        %dma_wait3A_64 = tpu.memref_squeeze %dma_wait3A_63 : memref<1x16x128xi32, #tpu.memory_space<hbm>> -> memref<16x128xi32, #tpu.memory_space<hbm>>
        %dma_wait3A_65 = arith.constant 0 : i32
        %dma_wait3A_66 = arith.constant 0 : i32
        %dma_wait3A_67 = tpu.memref_slice %arg9[%dma_wait3A_65, %dma_wait3A_66] : memref<144x128xi32, #tpu.memory_space<vmem>> -> memref<16x128xi32, #tpu.memory_space<vmem>>
        %dma_wait3A_68 = arith.constant 0 : i32
        %dma_wait3A_69 = arith.constant 0 : i32
        %dma_wait3A_70 = tpu.memref_slice %arg6[%arg1, %dma_wait3A_68, %dma_wait3A_69] : memref<16x16x128xi32, #tpu.memory_space<hbm>> -> memref<1x16x128xi32, #tpu.memory_space<hbm>>
        %dma_wait3A_71 = tpu.memref_squeeze %dma_wait3A_70 : memref<1x16x128xi32, #tpu.memory_space<hbm>> -> memref<16x128xi32, #tpu.memory_space<hbm>>
        tpu.wait_dma2 semaphore(%run_scoped3A_45 : memref<!tpu.dma_semaphore, #tpu.memory_space<semaphore_mem>>) src(%dma_wait3A_71 : memref<16x128xi32, #tpu.memory_space<hbm>>) dst(%dma_wait3A_67 : memref<16x128xi32, #tpu.memory_space<vmem>>)
        tpu.yield
      }) : () -> ()
      %barrier3A_38 = arith.constant 0 : index
      tpu.barrier barrier_id(%barrier3A_38)
      %scan3A_39 = arith.constant 0 : i32
      %scan3A_40 = arith.constant 0 : i32
      %scan3A_41 = arith.constant 4 : i32
      %scan3A_42 = arith.addi %scan3A_40, %scan3A_41 : i32
      %scan3A_43 = arith.constant 1 : i32
      scf.for %scan3A_45 = %scan3A_40 to %scan3A_42 step %scan3A_43  : i32 {
        %mul3A_46 = arith.constant 4 : i32
        %mul3A_47 = arith.muli %scan3A_45, %mul3A_46 : i32
        %add3A_48 = arith.constant 0 : i32
        %add3A_49 = arith.addi %mul3A_47, %add3A_48 : i32
        %dma_start3A = arith.constant 0 : i32
        %dma_start3A_50 = arith.constant 0 : i32
        %dma_start3A_51 = arith.constant 0 : i32
        %dma_start3A_52 = tpu.memref_slice %arg10[%dma_start3A, %dma_start3A_50, %dma_start3A_51] : memref<4x128x32xf32, #tpu.memory_space<vmem>> -> memref<1x128x32xf32, #tpu.memory_space<vmem>>
        %dma_start3A_53 = tpu.memref_squeeze %dma_start3A_52 : memref<1x128x32xf32, #tpu.memory_space<vmem>> -> memref<128x32xf32, #tpu.memory_space<vmem>>
        %dma_start3A_54 = arith.constant 0 : i32
        %dma_start3A_55 = tpu.memref_slice %arg8[%add3A_49, %dma_start3A_54] : memref<144x128xi32, #tpu.memory_space<vmem>> -> memref<1x128xi32, #tpu.memory_space<vmem>>
        %dma_start3A_56 = tpu.memref_squeeze %dma_start3A_55 : memref<1x128xi32, #tpu.memory_space<vmem>> -> memref<128xi32, #tpu.memory_space<vmem>>
        %dma_start3A_57 = arith.constant 0 : i32
        %dma_start3A_58 = arith.constant 0 : i32
        %dma_start3A_59 = tpu.memref_slice %arg2[%dma_start3A_57, %dma_start3A_58] : memref<10240x32xf32, #tpu.memory_space<hbm>> -> memref<10240x32xf32, #tpu.memory_space<hbm>>
        tpu.enqueue_indirect_dma source(%dma_start3A_59 : memref<10240x32xf32, #tpu.memory_space<hbm>>) target(%dma_start3A_53 : memref<128x32xf32, #tpu.memory_space<vmem>>) offsets(%dma_start3A_56 : memref<128xi32, #tpu.memory_space<vmem>>) semaphore(%arg12 : memref<!tpu.dma_semaphore, #tpu.memory_space<semaphore_mem>>)
        %add3A_60 = arith.constant 1 : i32
        %add3A_61 = arith.addi %mul3A_47, %add3A_60 : i32
        %dma_start3A_62 = arith.constant 1 : i32
        %dma_start3A_63 = arith.constant 0 : i32
        %dma_start3A_64 = arith.constant 0 : i32
        %dma_start3A_65 = tpu.memref_slice %arg10[%dma_start3A_62, %dma_start3A_63, %dma_start3A_64] : memref<4x128x32xf32, #tpu.memory_space<vmem>> -> memref<1x128x32xf32, #tpu.memory_space<vmem>>
        %dma_start3A_66 = tpu.memref_squeeze %dma_start3A_65 : memref<1x128x32xf32, #tpu.memory_space<vmem>> -> memref<128x32xf32, #tpu.memory_space<vmem>>
        %dma_start3A_67 = arith.constant 0 : i32
        %dma_start3A_68 = tpu.memref_slice %arg8[%add3A_61, %dma_start3A_67] : memref<144x128xi32, #tpu.memory_space<vmem>> -> memref<1x128xi32, #tpu.memory_space<vmem>>
        %dma_start3A_69 = tpu.memref_squeeze %dma_start3A_68 : memref<1x128xi32, #tpu.memory_space<vmem>> -> memref<128xi32, #tpu.memory_space<vmem>>
        %dma_start3A_70 = arith.constant 0 : i32
        %dma_start3A_71 = arith.constant 0 : i32
        %dma_start3A_72 = tpu.memref_slice %arg2[%dma_start3A_70, %dma_start3A_71] : memref<10240x32xf32, #tpu.memory_space<hbm>> -> memref<10240x32xf32, #tpu.memory_space<hbm>>
        tpu.enqueue_indirect_dma source(%dma_start3A_72 : memref<10240x32xf32, #tpu.memory_space<hbm>>) target(%dma_start3A_66 : memref<128x32xf32, #tpu.memory_space<vmem>>) offsets(%dma_start3A_69 : memref<128xi32, #tpu.memory_space<vmem>>) semaphore(%arg12 : memref<!tpu.dma_semaphore, #tpu.memory_space<semaphore_mem>>)
        %add3A_73 = arith.constant 2 : i32
        %add3A_74 = arith.addi %mul3A_47, %add3A_73 : i32
        %dma_start3A_75 = arith.constant 2 : i32
        %dma_start3A_76 = arith.constant 0 : i32
        %dma_start3A_77 = arith.constant 0 : i32
        %dma_start3A_78 = tpu.memref_slice %arg10[%dma_start3A_75, %dma_start3A_76, %dma_start3A_77] : memref<4x128x32xf32, #tpu.memory_space<vmem>> -> memref<1x128x32xf32, #tpu.memory_space<vmem>>
        %dma_start3A_79 = tpu.memref_squeeze %dma_start3A_78 : memref<1x128x32xf32, #tpu.memory_space<vmem>> -> memref<128x32xf32, #tpu.memory_space<vmem>>
        %dma_start3A_80 = arith.constant 0 : i32
        %dma_start3A_81 = tpu.memref_slice %arg8[%add3A_74, %dma_start3A_80] : memref<144x128xi32, #tpu.memory_space<vmem>> -> memref<1x128xi32, #tpu.memory_space<vmem>>
        %dma_start3A_82 = tpu.memref_squeeze %dma_start3A_81 : memref<1x128xi32, #tpu.memory_space<vmem>> -> memref<128xi32, #tpu.memory_space<vmem>>
        %dma_start3A_83 = arith.constant 0 : i32
        %dma_start3A_84 = arith.constant 0 : i32
        %dma_start3A_85 = tpu.memref_slice %arg2[%dma_start3A_83, %dma_start3A_84] : memref<10240x32xf32, #tpu.memory_space<hbm>> -> memref<10240x32xf32, #tpu.memory_space<hbm>>
        tpu.enqueue_indirect_dma source(%dma_start3A_85 : memref<10240x32xf32, #tpu.memory_space<hbm>>) target(%dma_start3A_79 : memref<128x32xf32, #tpu.memory_space<vmem>>) offsets(%dma_start3A_82 : memref<128xi32, #tpu.memory_space<vmem>>) semaphore(%arg12 : memref<!tpu.dma_semaphore, #tpu.memory_space<semaphore_mem>>)
        %add3A_86 = arith.constant 3 : i32
        %add3A_87 = arith.addi %mul3A_47, %add3A_86 : i32
        %dma_start3A_88 = arith.constant 3 : i32
        %dma_start3A_89 = arith.constant 0 : i32
        %dma_start3A_90 = arith.constant 0 : i32
        %dma_start3A_91 = tpu.memref_slice %arg10[%dma_start3A_88, %dma_start3A_89, %dma_start3A_90] : memref<4x128x32xf32, #tpu.memory_space<vmem>> -> memref<1x128x32xf32, #tpu.memory_space<vmem>>
        %dma_start3A_92 = tpu.memref_squeeze %dma_start3A_91 : memref<1x128x32xf32, #tpu.memory_space<vmem>> -> memref<128x32xf32, #tpu.memory_space<vmem>>
        %dma_start3A_93 = arith.constant 0 : i32
        %dma_start3A_94 = tpu.memref_slice %arg8[%add3A_87, %dma_start3A_93] : memref<144x128xi32, #tpu.memory_space<vmem>> -> memref<1x128xi32, #tpu.memory_space<vmem>>
        %dma_start3A_95 = tpu.memref_squeeze %dma_start3A_94 : memref<1x128xi32, #tpu.memory_space<vmem>> -> memref<128xi32, #tpu.memory_space<vmem>>
        %dma_start3A_96 = arith.constant 0 : i32
        %dma_start3A_97 = arith.constant 0 : i32
        %dma_start3A_98 = tpu.memref_slice %arg2[%dma_start3A_96, %dma_start3A_97] : memref<10240x32xf32, #tpu.memory_space<hbm>> -> memref<10240x32xf32, #tpu.memory_space<hbm>>
        tpu.enqueue_indirect_dma source(%dma_start3A_98 : memref<10240x32xf32, #tpu.memory_space<hbm>>) target(%dma_start3A_92 : memref<128x32xf32, #tpu.memory_space<vmem>>) offsets(%dma_start3A_95 : memref<128xi32, #tpu.memory_space<vmem>>) semaphore(%arg12 : memref<!tpu.dma_semaphore, #tpu.memory_space<semaphore_mem>>)
        %dma_wait3A = arith.constant 0 : i32
        %dma_wait3A_99 = arith.constant 0 : i32
        %dma_wait3A_100 = arith.constant 0 : i32
        %dma_wait3A_101 = tpu.memref_slice %arg10[%dma_wait3A, %dma_wait3A_99, %dma_wait3A_100] : memref<4x128x32xf32, #tpu.memory_space<vmem>> -> memref<1x128x32xf32, #tpu.memory_space<vmem>>
        %dma_wait3A_102 = tpu.memref_squeeze %dma_wait3A_101 : memref<1x128x32xf32, #tpu.memory_space<vmem>> -> memref<128x32xf32, #tpu.memory_space<vmem>>
        %dma_wait3A_103 = arith.constant 0 : i32
        %dma_wait3A_104 = tpu.memref_slice %arg8[%add3A_49, %dma_wait3A_103] : memref<144x128xi32, #tpu.memory_space<vmem>> -> memref<1x128xi32, #tpu.memory_space<vmem>>
        %dma_wait3A_105 = tpu.memref_squeeze %dma_wait3A_104 : memref<1x128xi32, #tpu.memory_space<vmem>> -> memref<128xi32, #tpu.memory_space<vmem>>
        %dma_wait3A_106 = arith.constant 0 : i32
        %dma_wait3A_107 = arith.constant 0 : i32
        %dma_wait3A_108 = tpu.memref_slice %arg2[%dma_wait3A_106, %dma_wait3A_107] : memref<10240x32xf32, #tpu.memory_space<hbm>> -> memref<10240x32xf32, #tpu.memory_space<hbm>>
        tpu.wait_indirect_dma semaphore(%arg12 : memref<!tpu.dma_semaphore, #tpu.memory_space<semaphore_mem>>) src(%dma_wait3A_108 : memref<10240x32xf32, #tpu.memory_space<hbm>>) dst(%dma_wait3A_102 : memref<128x32xf32, #tpu.memory_space<vmem>>)
        %dma_wait3A_109 = arith.constant 1 : i32
        %dma_wait3A_110 = arith.constant 0 : i32
        %dma_wait3A_111 = arith.constant 0 : i32
        %dma_wait3A_112 = tpu.memref_slice %arg10[%dma_wait3A_109, %dma_wait3A_110, %dma_wait3A_111] : memref<4x128x32xf32, #tpu.memory_space<vmem>> -> memref<1x128x32xf32, #tpu.memory_space<vmem>>
        %dma_wait3A_113 = tpu.memref_squeeze %dma_wait3A_112 : memref<1x128x32xf32, #tpu.memory_space<vmem>> -> memref<128x32xf32, #tpu.memory_space<vmem>>
        %dma_wait3A_114 = arith.constant 0 : i32
        %dma_wait3A_115 = tpu.memref_slice %arg8[%add3A_61, %dma_wait3A_114] : memref<144x128xi32, #tpu.memory_space<vmem>> -> memref<1x128xi32, #tpu.memory_space<vmem>>
        %dma_wait3A_116 = tpu.memref_squeeze %dma_wait3A_115 : memref<1x128xi32, #tpu.memory_space<vmem>> -> memref<128xi32, #tpu.memory_space<vmem>>
        %dma_wait3A_117 = arith.constant 0 : i32
        %dma_wait3A_118 = arith.constant 0 : i32
        %dma_wait3A_119 = tpu.memref_slice %arg2[%dma_wait3A_117, %dma_wait3A_118] : memref<10240x32xf32, #tpu.memory_space<hbm>> -> memref<10240x32xf32, #tpu.memory_space<hbm>>
        tpu.wait_indirect_dma semaphore(%arg12 : memref<!tpu.dma_semaphore, #tpu.memory_space<semaphore_mem>>) src(%dma_wait3A_119 : memref<10240x32xf32, #tpu.memory_space<hbm>>) dst(%dma_wait3A_113 : memref<128x32xf32, #tpu.memory_space<vmem>>)
        %dma_wait3A_120 = arith.constant 2 : i32
        %dma_wait3A_121 = arith.constant 0 : i32
        %dma_wait3A_122 = arith.constant 0 : i32
        %dma_wait3A_123 = tpu.memref_slice %arg10[%dma_wait3A_120, %dma_wait3A_121, %dma_wait3A_122] : memref<4x128x32xf32, #tpu.memory_space<vmem>> -> memref<1x128x32xf32, #tpu.memory_space<vmem>>
        %dma_wait3A_124 = tpu.memref_squeeze %dma_wait3A_123 : memref<1x128x32xf32, #tpu.memory_space<vmem>> -> memref<128x32xf32, #tpu.memory_space<vmem>>
        %dma_wait3A_125 = arith.constant 0 : i32
        %dma_wait3A_126 = tpu.memref_slice %arg8[%add3A_74, %dma_wait3A_125] : memref<144x128xi32, #tpu.memory_space<vmem>> -> memref<1x128xi32, #tpu.memory_space<vmem>>
        %dma_wait3A_127 = tpu.memref_squeeze %dma_wait3A_126 : memref<1x128xi32, #tpu.memory_space<vmem>> -> memref<128xi32, #tpu.memory_space<vmem>>
        %dma_wait3A_128 = arith.constant 0 : i32
        %dma_wait3A_129 = arith.constant 0 : i32
        %dma_wait3A_130 = tpu.memref_slice %arg2[%dma_wait3A_128, %dma_wait3A_129] : memref<10240x32xf32, #tpu.memory_space<hbm>> -> memref<10240x32xf32, #tpu.memory_space<hbm>>
        tpu.wait_indirect_dma semaphore(%arg12 : memref<!tpu.dma_semaphore, #tpu.memory_space<semaphore_mem>>) src(%dma_wait3A_130 : memref<10240x32xf32, #tpu.memory_space<hbm>>) dst(%dma_wait3A_124 : memref<128x32xf32, #tpu.memory_space<vmem>>)
        %dma_wait3A_131 = arith.constant 3 : i32
        %dma_wait3A_132 = arith.constant 0 : i32
        %dma_wait3A_133 = arith.constant 0 : i32
        %dma_wait3A_134 = tpu.memref_slice %arg10[%dma_wait3A_131, %dma_wait3A_132, %dma_wait3A_133] : memref<4x128x32xf32, #tpu.memory_space<vmem>> -> memref<1x128x32xf32, #tpu.memory_space<vmem>>
        %dma_wait3A_135 = tpu.memref_squeeze %dma_wait3A_134 : memref<1x128x32xf32, #tpu.memory_space<vmem>> -> memref<128x32xf32, #tpu.memory_space<vmem>>
        %dma_wait3A_136 = arith.constant 0 : i32
        %dma_wait3A_137 = tpu.memref_slice %arg8[%add3A_87, %dma_wait3A_136] : memref<144x128xi32, #tpu.memory_space<vmem>> -> memref<1x128xi32, #tpu.memory_space<vmem>>
        %dma_wait3A_138 = tpu.memref_squeeze %dma_wait3A_137 : memref<1x128xi32, #tpu.memory_space<vmem>> -> memref<128xi32, #tpu.memory_space<vmem>>
        %dma_wait3A_139 = arith.constant 0 : i32
        %dma_wait3A_140 = arith.constant 0 : i32
        %dma_wait3A_141 = tpu.memref_slice %arg2[%dma_wait3A_139, %dma_wait3A_140] : memref<10240x32xf32, #tpu.memory_space<hbm>> -> memref<10240x32xf32, #tpu.memory_space<hbm>>
        tpu.wait_indirect_dma semaphore(%arg12 : memref<!tpu.dma_semaphore, #tpu.memory_space<semaphore_mem>>) src(%dma_wait3A_141 : memref<10240x32xf32, #tpu.memory_space<hbm>>) dst(%dma_wait3A_135 : memref<128x32xf32, #tpu.memory_space<vmem>>)
        %add3A_142 = arith.constant 0 : i32
        %add3A_143 = arith.addi %mul3A_47, %add3A_142 : i32
        %dma_start3A_144 = arith.constant 0 : i32
        %dma_start3A_145 = arith.constant 0 : i32
        %dma_start3A_146 = arith.constant 0 : i32
        %dma_start3A_147 = tpu.memref_slice %arg10[%dma_start3A_144, %dma_start3A_145, %dma_start3A_146] : memref<4x128x32xf32, #tpu.memory_space<vmem>> -> memref<1x128x32xf32, #tpu.memory_space<vmem>>
        %dma_start3A_148 = tpu.memref_squeeze %dma_start3A_147 : memref<1x128x32xf32, #tpu.memory_space<vmem>> -> memref<128x32xf32, #tpu.memory_space<vmem>>
        %dma_start3A_149 = arith.constant 0 : i32
        %dma_start3A_150 = tpu.memref_slice %arg9[%add3A_143, %dma_start3A_149] : memref<144x128xi32, #tpu.memory_space<vmem>> -> memref<1x128xi32, #tpu.memory_space<vmem>>
        %dma_start3A_151 = tpu.memref_squeeze %dma_start3A_150 : memref<1x128xi32, #tpu.memory_space<vmem>> -> memref<128xi32, #tpu.memory_space<vmem>>
        %dma_start3A_152 = arith.constant 0 : i32
        %dma_start3A_153 = arith.constant 0 : i32
        %dma_start3A_154 = tpu.memref_slice %arg11[%dma_start3A_152, %dma_start3A_153] : memref<10240x32xf32, #tpu.memory_space<vmem_shared>> -> memref<10240x32xf32, #tpu.memory_space<vmem_shared>>
        tpu.enqueue_indirect_dma source(%dma_start3A_148 : memref<128x32xf32, #tpu.memory_space<vmem>>) target(%dma_start3A_154 : memref<10240x32xf32, #tpu.memory_space<vmem_shared>>) offsets(%dma_start3A_151 : memref<128xi32, #tpu.memory_space<vmem>>) semaphore(%arg13 : memref<!tpu.dma_semaphore, #tpu.memory_space<semaphore_mem>>) {add = true}
        %dma_wait3A_155 = arith.constant 0 : i32
        %dma_wait3A_156 = arith.constant 0 : i32
        %dma_wait3A_157 = arith.constant 0 : i32
        %dma_wait3A_158 = tpu.memref_slice %arg10[%dma_wait3A_155, %dma_wait3A_156, %dma_wait3A_157] : memref<4x128x32xf32, #tpu.memory_space<vmem>> -> memref<1x128x32xf32, #tpu.memory_space<vmem>>
        %dma_wait3A_159 = tpu.memref_squeeze %dma_wait3A_158 : memref<1x128x32xf32, #tpu.memory_space<vmem>> -> memref<128x32xf32, #tpu.memory_space<vmem>>
        %dma_wait3A_160 = arith.constant 0 : i32
        %dma_wait3A_161 = tpu.memref_slice %arg9[%add3A_143, %dma_wait3A_160] : memref<144x128xi32, #tpu.memory_space<vmem>> -> memref<1x128xi32, #tpu.memory_space<vmem>>
        %dma_wait3A_162 = tpu.memref_squeeze %dma_wait3A_161 : memref<1x128xi32, #tpu.memory_space<vmem>> -> memref<128xi32, #tpu.memory_space<vmem>>
        %dma_wait3A_163 = arith.constant 0 : i32
        %dma_wait3A_164 = arith.constant 0 : i32
        %dma_wait3A_165 = tpu.memref_slice %arg11[%dma_wait3A_163, %dma_wait3A_164] : memref<10240x32xf32, #tpu.memory_space<vmem_shared>> -> memref<10240x32xf32, #tpu.memory_space<vmem_shared>>
        tpu.wait_indirect_dma semaphore(%arg13 : memref<!tpu.dma_semaphore, #tpu.memory_space<semaphore_mem>>) src(%dma_wait3A_159 : memref<128x32xf32, #tpu.memory_space<vmem>>) dst(%dma_wait3A_165 : memref<10240x32xf32, #tpu.memory_space<vmem_shared>>)
        %add3A_166 = arith.constant 1 : i32
        %add3A_167 = arith.addi %mul3A_47, %add3A_166 : i32
        %dma_start3A_168 = arith.constant 1 : i32
        %dma_start3A_169 = arith.constant 0 : i32
        %dma_start3A_170 = arith.constant 0 : i32
        %dma_start3A_171 = tpu.memref_slice %arg10[%dma_start3A_168, %dma_start3A_169, %dma_start3A_170] : memref<4x128x32xf32, #tpu.memory_space<vmem>> -> memref<1x128x32xf32, #tpu.memory_space<vmem>>
        %dma_start3A_172 = tpu.memref_squeeze %dma_start3A_171 : memref<1x128x32xf32, #tpu.memory_space<vmem>> -> memref<128x32xf32, #tpu.memory_space<vmem>>
        %dma_start3A_173 = arith.constant 0 : i32
        %dma_start3A_174 = tpu.memref_slice %arg9[%add3A_167, %dma_start3A_173] : memref<144x128xi32, #tpu.memory_space<vmem>> -> memref<1x128xi32, #tpu.memory_space<vmem>>
        %dma_start3A_175 = tpu.memref_squeeze %dma_start3A_174 : memref<1x128xi32, #tpu.memory_space<vmem>> -> memref<128xi32, #tpu.memory_space<vmem>>
        %dma_start3A_176 = arith.constant 0 : i32
        %dma_start3A_177 = arith.constant 0 : i32
        %dma_start3A_178 = tpu.memref_slice %arg11[%dma_start3A_176, %dma_start3A_177] : memref<10240x32xf32, #tpu.memory_space<vmem_shared>> -> memref<10240x32xf32, #tpu.memory_space<vmem_shared>>
        tpu.enqueue_indirect_dma source(%dma_start3A_172 : memref<128x32xf32, #tpu.memory_space<vmem>>) target(%dma_start3A_178 : memref<10240x32xf32, #tpu.memory_space<vmem_shared>>) offsets(%dma_start3A_175 : memref<128xi32, #tpu.memory_space<vmem>>) semaphore(%arg13 : memref<!tpu.dma_semaphore, #tpu.memory_space<semaphore_mem>>) {add = true}
        %dma_wait3A_179 = arith.constant 1 : i32
        %dma_wait3A_180 = arith.constant 0 : i32
        %dma_wait3A_181 = arith.constant 0 : i32
        %dma_wait3A_182 = tpu.memref_slice %arg10[%dma_wait3A_179, %dma_wait3A_180, %dma_wait3A_181] : memref<4x128x32xf32, #tpu.memory_space<vmem>> -> memref<1x128x32xf32, #tpu.memory_space<vmem>>
        %dma_wait3A_183 = tpu.memref_squeeze %dma_wait3A_182 : memref<1x128x32xf32, #tpu.memory_space<vmem>> -> memref<128x32xf32, #tpu.memory_space<vmem>>
        %dma_wait3A_184 = arith.constant 0 : i32
        %dma_wait3A_185 = tpu.memref_slice %arg9[%add3A_167, %dma_wait3A_184] : memref<144x128xi32, #tpu.memory_space<vmem>> -> memref<1x128xi32, #tpu.memory_space<vmem>>
        %dma_wait3A_186 = tpu.memref_squeeze %dma_wait3A_185 : memref<1x128xi32, #tpu.memory_space<vmem>> -> memref<128xi32, #tpu.memory_space<vmem>>
        %dma_wait3A_187 = arith.constant 0 : i32
        %dma_wait3A_188 = arith.constant 0 : i32
        %dma_wait3A_189 = tpu.memref_slice %arg11[%dma_wait3A_187, %dma_wait3A_188] : memref<10240x32xf32, #tpu.memory_space<vmem_shared>> -> memref<10240x32xf32, #tpu.memory_space<vmem_shared>>
        tpu.wait_indirect_dma semaphore(%arg13 : memref<!tpu.dma_semaphore, #tpu.memory_space<semaphore_mem>>) src(%dma_wait3A_183 : memref<128x32xf32, #tpu.memory_space<vmem>>) dst(%dma_wait3A_189 : memref<10240x32xf32, #tpu.memory_space<vmem_shared>>)
        %add3A_190 = arith.constant 2 : i32
        %add3A_191 = arith.addi %mul3A_47, %add3A_190 : i32
        %dma_start3A_192 = arith.constant 2 : i32
        %dma_start3A_193 = arith.constant 0 : i32
        %dma_start3A_194 = arith.constant 0 : i32
        %dma_start3A_195 = tpu.memref_slice %arg10[%dma_start3A_192, %dma_start3A_193, %dma_start3A_194] : memref<4x128x32xf32, #tpu.memory_space<vmem>> -> memref<1x128x32xf32, #tpu.memory_space<vmem>>
        %dma_start3A_196 = tpu.memref_squeeze %dma_start3A_195 : memref<1x128x32xf32, #tpu.memory_space<vmem>> -> memref<128x32xf32, #tpu.memory_space<vmem>>
        %dma_start3A_197 = arith.constant 0 : i32
        %dma_start3A_198 = tpu.memref_slice %arg9[%add3A_191, %dma_start3A_197] : memref<144x128xi32, #tpu.memory_space<vmem>> -> memref<1x128xi32, #tpu.memory_space<vmem>>
        %dma_start3A_199 = tpu.memref_squeeze %dma_start3A_198 : memref<1x128xi32, #tpu.memory_space<vmem>> -> memref<128xi32, #tpu.memory_space<vmem>>
        %dma_start3A_200 = arith.constant 0 : i32
        %dma_start3A_201 = arith.constant 0 : i32
        %dma_start3A_202 = tpu.memref_slice %arg11[%dma_start3A_200, %dma_start3A_201] : memref<10240x32xf32, #tpu.memory_space<vmem_shared>> -> memref<10240x32xf32, #tpu.memory_space<vmem_shared>>
        tpu.enqueue_indirect_dma source(%dma_start3A_196 : memref<128x32xf32, #tpu.memory_space<vmem>>) target(%dma_start3A_202 : memref<10240x32xf32, #tpu.memory_space<vmem_shared>>) offsets(%dma_start3A_199 : memref<128xi32, #tpu.memory_space<vmem>>) semaphore(%arg13 : memref<!tpu.dma_semaphore, #tpu.memory_space<semaphore_mem>>) {add = true}
        %dma_wait3A_203 = arith.constant 2 : i32
        %dma_wait3A_204 = arith.constant 0 : i32
        %dma_wait3A_205 = arith.constant 0 : i32
        %dma_wait3A_206 = tpu.memref_slice %arg10[%dma_wait3A_203, %dma_wait3A_204, %dma_wait3A_205] : memref<4x128x32xf32, #tpu.memory_space<vmem>> -> memref<1x128x32xf32, #tpu.memory_space<vmem>>
        %dma_wait3A_207 = tpu.memref_squeeze %dma_wait3A_206 : memref<1x128x32xf32, #tpu.memory_space<vmem>> -> memref<128x32xf32, #tpu.memory_space<vmem>>
        %dma_wait3A_208 = arith.constant 0 : i32
        %dma_wait3A_209 = tpu.memref_slice %arg9[%add3A_191, %dma_wait3A_208] : memref<144x128xi32, #tpu.memory_space<vmem>> -> memref<1x128xi32, #tpu.memory_space<vmem>>
        %dma_wait3A_210 = tpu.memref_squeeze %dma_wait3A_209 : memref<1x128xi32, #tpu.memory_space<vmem>> -> memref<128xi32, #tpu.memory_space<vmem>>
        %dma_wait3A_211 = arith.constant 0 : i32
        %dma_wait3A_212 = arith.constant 0 : i32
        %dma_wait3A_213 = tpu.memref_slice %arg11[%dma_wait3A_211, %dma_wait3A_212] : memref<10240x32xf32, #tpu.memory_space<vmem_shared>> -> memref<10240x32xf32, #tpu.memory_space<vmem_shared>>
        tpu.wait_indirect_dma semaphore(%arg13 : memref<!tpu.dma_semaphore, #tpu.memory_space<semaphore_mem>>) src(%dma_wait3A_207 : memref<128x32xf32, #tpu.memory_space<vmem>>) dst(%dma_wait3A_213 : memref<10240x32xf32, #tpu.memory_space<vmem_shared>>)
        %add3A_214 = arith.constant 3 : i32
        %add3A_215 = arith.addi %mul3A_47, %add3A_214 : i32
        %dma_start3A_216 = arith.constant 3 : i32
        %dma_start3A_217 = arith.constant 0 : i32
        %dma_start3A_218 = arith.constant 0 : i32
        %dma_start3A_219 = tpu.memref_slice %arg10[%dma_start3A_216, %dma_start3A_217, %dma_start3A_218] : memref<4x128x32xf32, #tpu.memory_space<vmem>> -> memref<1x128x32xf32, #tpu.memory_space<vmem>>
        %dma_start3A_220 = tpu.memref_squeeze %dma_start3A_219 : memref<1x128x32xf32, #tpu.memory_space<vmem>> -> memref<128x32xf32, #tpu.memory_space<vmem>>
        %dma_start3A_221 = arith.constant 0 : i32
        %dma_start3A_222 = tpu.memref_slice %arg9[%add3A_215, %dma_start3A_221] : memref<144x128xi32, #tpu.memory_space<vmem>> -> memref<1x128xi32, #tpu.memory_space<vmem>>
        %dma_start3A_223 = tpu.memref_squeeze %dma_start3A_222 : memref<1x128xi32, #tpu.memory_space<vmem>> -> memref<128xi32, #tpu.memory_space<vmem>>
        %dma_start3A_224 = arith.constant 0 : i32
        %dma_start3A_225 = arith.constant 0 : i32
        %dma_start3A_226 = tpu.memref_slice %arg11[%dma_start3A_224, %dma_start3A_225] : memref<10240x32xf32, #tpu.memory_space<vmem_shared>> -> memref<10240x32xf32, #tpu.memory_space<vmem_shared>>
        tpu.enqueue_indirect_dma source(%dma_start3A_220 : memref<128x32xf32, #tpu.memory_space<vmem>>) target(%dma_start3A_226 : memref<10240x32xf32, #tpu.memory_space<vmem_shared>>) offsets(%dma_start3A_223 : memref<128xi32, #tpu.memory_space<vmem>>) semaphore(%arg13 : memref<!tpu.dma_semaphore, #tpu.memory_space<semaphore_mem>>) {add = true}
        %dma_wait3A_227 = arith.constant 3 : i32
        %dma_wait3A_228 = arith.constant 0 : i32
        %dma_wait3A_229 = arith.constant 0 : i32
        %dma_wait3A_230 = tpu.memref_slice %arg10[%dma_wait3A_227, %dma_wait3A_228, %dma_wait3A_229] : memref<4x128x32xf32, #tpu.memory_space<vmem>> -> memref<1x128x32xf32, #tpu.memory_space<vmem>>
        %dma_wait3A_231 = tpu.memref_squeeze %dma_wait3A_230 : memref<1x128x32xf32, #tpu.memory_space<vmem>> -> memref<128x32xf32, #tpu.memory_space<vmem>>
        %dma_wait3A_232 = arith.constant 0 : i32
        %dma_wait3A_233 = tpu.memref_slice %arg9[%add3A_215, %dma_wait3A_232] : memref<144x128xi32, #tpu.memory_space<vmem>> -> memref<1x128xi32, #tpu.memory_space<vmem>>
        %dma_wait3A_234 = tpu.memref_squeeze %dma_wait3A_233 : memref<1x128xi32, #tpu.memory_space<vmem>> -> memref<128xi32, #tpu.memory_space<vmem>>
        %dma_wait3A_235 = arith.constant 0 : i32
        %dma_wait3A_236 = arith.constant 0 : i32
        %dma_wait3A_237 = tpu.memref_slice %arg11[%dma_wait3A_235, %dma_wait3A_236] : memref<10240x32xf32, #tpu.memory_space<vmem_shared>> -> memref<10240x32xf32, #tpu.memory_space<vmem_shared>>
        tpu.wait_indirect_dma semaphore(%arg13 : memref<!tpu.dma_semaphore, #tpu.memory_space<semaphore_mem>>) src(%dma_wait3A_231 : memref<128x32xf32, #tpu.memory_space<vmem>>) dst(%dma_wait3A_237 : memref<10240x32xf32, #tpu.memory_space<vmem_shared>>)
      }
      %scan3A_44 = arith.constant 4 : i32
    } else {
    }
    %barrier3A = arith.constant 0 : index
    tpu.barrier barrier_id(%barrier3A)
    %mul3A_34 = arith.constant 640 : i32
    %mul3A_35 = arith.muli %arg1, %mul3A_34 : i32
    %mul3A_36 = arith.constant 640 : i32
    %mul3A_37 = arith.muli %arg1, %mul3A_36 : i32
    "tpu.region"() ({
      %run_scoped3A_38 = tpu.sem_alloc : memref<!tpu.dma_semaphore, #tpu.memory_space<semaphore_mem>>
      %dma_start3A = arith.constant 0 : i32
      %dma_start3A_39 = tpu.memref_slice %arg7[%arg0, %mul3A_37, %dma_start3A] : memref<2x10240x32xf32, #tpu.memory_space<hbm>> -> memref<1x640x32xf32, #tpu.memory_space<hbm>>
      %dma_start3A_40 = tpu.memref_squeeze %dma_start3A_39 : memref<1x640x32xf32, #tpu.memory_space<hbm>> -> memref<640x32xf32, #tpu.memory_space<hbm>>
      %dma_start3A_41 = arith.constant 0 : i32
      %dma_start3A_42 = tpu.memref_slice %arg11[%mul3A_35, %dma_start3A_41] : memref<10240x32xf32, #tpu.memory_space<vmem_shared>> -> memref<640x32xf32, #tpu.memory_space<vmem_shared>>
      tpu.enqueue_dma source(%dma_start3A_42 : memref<640x32xf32, #tpu.memory_space<vmem_shared>>) target(%dma_start3A_40 : memref<640x32xf32, #tpu.memory_space<hbm>>) target_semaphore(%run_scoped3A_38 : memref<!tpu.dma_semaphore, #tpu.memory_space<semaphore_mem>>)
      %dma_wait3A = arith.constant 0 : i32
      %dma_wait3A_43 = tpu.memref_slice %arg7[%arg0, %mul3A_37, %dma_wait3A] : memref<2x10240x32xf32, #tpu.memory_space<hbm>> -> memref<1x640x32xf32, #tpu.memory_space<hbm>>
      %dma_wait3A_44 = tpu.memref_squeeze %dma_wait3A_43 : memref<1x640x32xf32, #tpu.memory_space<hbm>> -> memref<640x32xf32, #tpu.memory_space<hbm>>
      %dma_wait3A_45 = arith.constant 0 : i32
      %dma_wait3A_46 = tpu.memref_slice %arg11[%mul3A_35, %dma_wait3A_45] : memref<10240x32xf32, #tpu.memory_space<vmem_shared>> -> memref<640x32xf32, #tpu.memory_space<vmem_shared>>
      tpu.wait_dma2 semaphore(%run_scoped3A_38 : memref<!tpu.dma_semaphore, #tpu.memory_space<semaphore_mem>>) src(%dma_wait3A_46 : memref<640x32xf32, #tpu.memory_space<vmem_shared>>) dst(%dma_wait3A_44 : memref<640x32xf32, #tpu.memory_space<hbm>>)
      tpu.yield
    }) : () -> ()
    return
  }
}

module attributes {stable_mosaic.version = 14 : i64} {
  func.func @_proj1_body(%arg0: i32, %arg1: memref<1280x128xf32, #tpu.memory_space<vmem>>, %arg2: memref<128x32xf32, #tpu.memory_space<vmem>>, %arg3: memref<1280x32xf32, #tpu.memory_space<vmem>>) attributes {dimension_semantics = [#tpu.dimension_semantics<arbitrary>], iteration_bounds = array<i64: 8>, scalar_prefetch = 0 : i64, scratch_operands = 0 : i64, tpu.core_type = #tpu.core_type<tc>, window_params = [{transform_indices = @transform_0, window_bounds = array<i64: 1280, 128>}, {pipeline_mode = #tpu.pipeline_mode<synchronous>, transform_indices = @transform_1, window_bounds = array<i64: 128, 32>}, {transform_indices = @transform_2, window_bounds = array<i64: 1280, 32>}]} {
    %get3A = arith.constant 0 : index
    %get3A_0 = arith.constant 0 : index
    %get3A_1 = vector.load %arg1[%get3A, %get3A_0] : memref<1280x128xf32, #tpu.memory_space<vmem>>, vector<1280x128xf32>
    %get3A_2 = arith.constant 0 : index
    %get3A_3 = arith.constant 0 : index
    %get3A_4 = vector.load %arg2[%get3A_2, %get3A_3] : memref<128x32xf32, #tpu.memory_space<vmem>>, vector<128x32xf32>
    %dot_general3A = arith.constant dense<0.000000e+00> : vector<1280x32xf32>
    %dot_general3A_5 = tpu.matmul %get3A_1, %get3A_4, %dot_general3A {dimension_numbers = #tpu.dot_dimension_numbers<[1], [0], [0], [1], [0, 0, 1, 1], [], []>, transpose_lhs_hint = false} : vector<1280x128xf32>, vector<128x32xf32>, vector<1280x32xf32> -> vector<1280x32xf32>
    %swap3A = arith.constant 0 : index
    %swap3A_6 = arith.constant 0 : index
    %swap3A_7 = vector.load %arg3[%swap3A, %swap3A_6] : memref<1280x32xf32, #tpu.memory_space<vmem>>, vector<1280x32xf32>
    tpu.vector_store %arg3[%swap3A, %swap3A_6], %dot_general3A_5 {strides = array<i32>} : memref<1280x32xf32, #tpu.memory_space<vmem>>, vector<1280x32xf32>,
    return
  }
  func.func @transform_0(%arg0: i32) -> (i32, i32) {
    %c0_i32 = arith.constant 0 : i32
    %c0_i32_0 = arith.constant 0 : i32
    return %arg0, %c0_i32 : i32, i32
  }
  func.func @transform_1(%arg0: i32) -> (i32, i32) {
    %c0_i32 = arith.constant 0 : i32
    %c0_i32_0 = arith.constant 0 : i32
    %c0_i32_1 = arith.constant 0 : i32
    return %c0_i32, %c0_i32_0 : i32, i32
  }
  func.func @transform_2(%arg0: i32) -> (i32, i32) {
    %c0_i32 = arith.constant 0 : i32
    %c0_i32_0 = arith.constant 0 : i32
    return %arg0, %c0_i32 : i32, i32
  }
}

module attributes {stable_mosaic.version = 14 : i64} {
  func.func @_proj2_body(%arg0: i32, %arg1: memref<2x1280x32xf32, #tpu.memory_space<vmem>>, %arg2: memref<32x64xf32, #tpu.memory_space<vmem>>, %arg3: memref<1280x64xf32, #tpu.memory_space<vmem>>) attributes {dimension_semantics = [#tpu.dimension_semantics<arbitrary>], iteration_bounds = array<i64: 8>, scalar_prefetch = 0 : i64, scratch_operands = 0 : i64, tpu.core_type = #tpu.core_type<tc>, window_params = [{transform_indices = @transform_0, window_bounds = array<i64: 2, 1280, 32>}, {pipeline_mode = #tpu.pipeline_mode<synchronous>, transform_indices = @transform_1, window_bounds = array<i64: 32, 64>}, {transform_indices = @transform_2, window_bounds = array<i64: 1280, 64>}]} {
    %get3A = arith.constant 0 : index
    %get3A_0 = arith.constant 0 : index
    %get3A_1 = arith.constant 0 : index
    %get3A_2 = vector.load %arg1[%get3A, %get3A_0, %get3A_1] : memref<2x1280x32xf32, #tpu.memory_space<vmem>>, vector<1x1280x32xf32>
    %get3A_3 = vector.shape_cast %get3A_2 : vector<1x1280x32xf32> to vector<1280x32xf32>
    %get3A_4 = arith.constant 1 : index
    %get3A_5 = arith.constant 0 : index
    %get3A_6 = arith.constant 0 : index
    %get3A_7 = vector.load %arg1[%get3A_4, %get3A_5, %get3A_6] : memref<2x1280x32xf32, #tpu.memory_space<vmem>>, vector<1x1280x32xf32>
    %get3A_8 = vector.shape_cast %get3A_7 : vector<1x1280x32xf32> to vector<1280x32xf32>
    %add3A = arith.addf %get3A_3, %get3A_8 : vector<1280x32xf32>
    %max3A = arith.constant 0.000000e+00 : f32
    %max3A_9 = vector.broadcast %max3A : f32 to vector<1280x32xf32>
    %max3A_10 = arith.maximumf %add3A, %max3A_9 : vector<1280x32xf32>
    %get3A_11 = arith.constant 0 : index
    %get3A_12 = arith.constant 0 : index
    %get3A_13 = vector.load %arg2[%get3A_11, %get3A_12] : memref<32x64xf32, #tpu.memory_space<vmem>>, vector<32x64xf32>
    %dot_general3A = arith.constant dense<0.000000e+00> : vector<1280x64xf32>
    %dot_general3A_14 = tpu.matmul %max3A_10, %get3A_13, %dot_general3A {dimension_numbers = #tpu.dot_dimension_numbers<[1], [0], [0], [1], [0, 0, 1, 1], [], []>, transpose_lhs_hint = false} : vector<1280x32xf32>, vector<32x64xf32>, vector<1280x64xf32> -> vector<1280x64xf32>
    %swap3A = arith.constant 0 : index
    %swap3A_15 = arith.constant 0 : index
    %swap3A_16 = vector.load %arg3[%swap3A, %swap3A_15] : memref<1280x64xf32, #tpu.memory_space<vmem>>, vector<1280x64xf32>
    tpu.vector_store %arg3[%swap3A, %swap3A_15], %dot_general3A_14 {strides = array<i32>} : memref<1280x64xf32, #tpu.memory_space<vmem>>, vector<1280x64xf32>,
    return
  }
  func.func @transform_0(%arg0: i32) -> (i32, i32, i32) {
    %c0_i32 = arith.constant 0 : i32
    %c0_i32_0 = arith.constant 0 : i32
    %c0_i32_1 = arith.constant 0 : i32
    return %c0_i32, %arg0, %c0_i32_0 : i32, i32, i32
  }
  func.func @transform_1(%arg0: i32) -> (i32, i32) {
    %c0_i32 = arith.constant 0 : i32
    %c0_i32_0 = arith.constant 0 : i32
    %c0_i32_1 = arith.constant 0 : i32
    return %c0_i32, %c0_i32_0 : i32, i32
  }
  func.func @transform_2(%arg0: i32) -> (i32, i32) {
    %c0_i32 = arith.constant 0 : i32
    %c0_i32_0 = arith.constant 0 : i32
    return %arg0, %c0_i32 : i32, i32
  }
}

module attributes {stable_mosaic.version = 14 : i64} {
  func.func @_readout_body(%arg0: i32, %arg1: memref<2x1280x64xf32, #tpu.memory_space<vmem>>, %arg2: memref<1x1280x1xi32, #tpu.memory_space<vmem>>, %arg3: memref<64x128xf32, #tpu.memory_space<vmem>>, %arg4: memref<1x128xf32, #tpu.memory_space<vmem>>, %arg5: memref<128x1xf32, #tpu.memory_space<vmem>>, %arg6: memref<1x1xf32, #tpu.memory_space<vmem>>, %arg7: memref<32x1xf32, #tpu.memory_space<vmem>>, %arg8: memref<32x64xf32, #tpu.memory_space<vmem>>, %arg9: memref<32x64xf32, #tpu.memory_space<vmem>>) attributes {dimension_semantics = [#tpu.dimension_semantics<arbitrary>], iteration_bounds = array<i64: 8>, scalar_prefetch = 0 : i64, scratch_operands = 2 : i64, tpu.core_type = #tpu.core_type<tc>, window_params = [{transform_indices = @transform_0, window_bounds = array<i64: 2, 1280, 64>}, {transform_indices = @transform_1, window_bounds = array<i64: 1, 1280, 1>}, {pipeline_mode = #tpu.pipeline_mode<synchronous>, transform_indices = @transform_2, window_bounds = array<i64: 64, 128>}, {pipeline_mode = #tpu.pipeline_mode<synchronous>, transform_indices = @transform_3, window_bounds = array<i64: 1, 128>}, {pipeline_mode = #tpu.pipeline_mode<synchronous>, transform_indices = @transform_4, window_bounds = array<i64: 128, 1>}, {pipeline_mode = #tpu.pipeline_mode<synchronous>, transform_indices = @transform_5, window_bounds = array<i64: 1, 1>}, {pipeline_mode = #tpu.pipeline_mode<synchronous>, transform_indices = @transform_6, window_bounds = array<i64: 32, 1>}]} {
    %eq3A = arith.constant 0 : i32
    %eq3A_0 = arith.cmpi eq, %arg0, %eq3A : i32
    %convert_element_type3A = arith.extui %eq3A_0 : i1 to i32
    %cond3A = arith.constant 0 : i32
    %cond3A_1 = arith.cmpi ne, %convert_element_type3A, %cond3A : i32
    scf.if %cond3A_1 {
      %broadcast_in_dim3A_44 = arith.constant 0.000000e+00 : f32
      %broadcast_in_dim3A_45 = vector.broadcast %broadcast_in_dim3A_44 : f32 to vector<32x64xf32>
      %swap3A_46 = arith.constant 0 : index
      %swap3A_47 = arith.constant 0 : index
      %swap3A_48 = vector.load %arg8[%swap3A_46, %swap3A_47] : memref<32x64xf32, #tpu.memory_space<vmem>>, vector<32x64xf32>
      tpu.vector_store %arg8[%swap3A_46, %swap3A_47], %broadcast_in_dim3A_45 {strides = array<i32>} : memref<32x64xf32, #tpu.memory_space<vmem>>, vector<32x64xf32>,
      %broadcast_in_dim3A_49 = arith.constant 0.000000e+00 : f32
      %broadcast_in_dim3A_50 = vector.broadcast %broadcast_in_dim3A_49 : f32 to vector<32x64xf32>
      %swap3A_51 = arith.constant 0 : index
      %swap3A_52 = arith.constant 0 : index
      %swap3A_53 = vector.load %arg9[%swap3A_51, %swap3A_52] : memref<32x64xf32, #tpu.memory_space<vmem>>, vector<32x64xf32>
      tpu.vector_store %arg9[%swap3A_51, %swap3A_52], %broadcast_in_dim3A_50 {strides = array<i32>} : memref<32x64xf32, #tpu.memory_space<vmem>>, vector<32x64xf32>,
    } else {
    }
    %get3A = arith.constant 0 : index
    %get3A_2 = arith.constant 0 : index
    %get3A_3 = arith.constant 0 : index
    %get3A_4 = vector.load %arg1[%get3A, %get3A_2, %get3A_3] : memref<2x1280x64xf32, #tpu.memory_space<vmem>>, vector<1x1280x64xf32>
    %get3A_5 = vector.shape_cast %get3A_4 : vector<1x1280x64xf32> to vector<1280x64xf32>
    %get3A_6 = arith.constant 1 : index
    %get3A_7 = arith.constant 0 : index
    %get3A_8 = arith.constant 0 : index
    %get3A_9 = vector.load %arg1[%get3A_6, %get3A_7, %get3A_8] : memref<2x1280x64xf32, #tpu.memory_space<vmem>>, vector<1x1280x64xf32>
    %get3A_10 = vector.shape_cast %get3A_9 : vector<1x1280x64xf32> to vector<1280x64xf32>
    %add3A = arith.addf %get3A_5, %get3A_10 : vector<1280x64xf32>
    %max3A = arith.constant 0.000000e+00 : f32
    %max3A_11 = vector.broadcast %max3A : f32 to vector<1280x64xf32>
    %max3A_12 = arith.maximumf %add3A, %max3A_11 : vector<1280x64xf32>
    %get3A_13 = arith.constant 0 : index
    %get3A_14 = arith.constant 0 : index
    %get3A_15 = arith.constant 0 : index
    %get3A_16 = vector.load %arg2[%get3A_13, %get3A_14, %get3A_15] : memref<1x1280x1xi32, #tpu.memory_space<vmem>>, vector<1x1280x1xi32>
    %get3A_17 = vector.shape_cast %get3A_16 : vector<1x1280x1xi32> to vector<1280x1xi32>
    %iota3A = tpu.iota {dimensions = array<i32: 1>} : vector<1280x32xi32>
    %eq3A_18 = vector.broadcast %get3A_17 : vector<1280x1xi32> to vector<1280x32xi32>
    %eq3A_19 = arith.cmpi eq, %eq3A_18, %iota3A : vector<1280x32xi32>
    %convert_element_type3A_20 = arith.extui %eq3A_19 : vector<1280x32xi1> to vector<1280x32xi32>
    %convert_element_type3A_21 = arith.sitofp %convert_element_type3A_20 : vector<1280x32xi32> to vector<1280x32xf32>
    %get3A_22 = arith.constant 0 : index
    %get3A_23 = arith.constant 0 : index
    %get3A_24 = vector.load %arg8[%get3A_22, %get3A_23] : memref<32x64xf32, #tpu.memory_space<vmem>>, vector<32x64xf32>
    %dot_general3A = arith.constant dense<0.000000e+00> : vector<32x64xf32>
    %dot_general3A_25 = tpu.matmul %convert_element_type3A_21, %max3A_12, %dot_general3A {dimension_numbers = #tpu.dot_dimension_numbers<[0], [0], [1], [1], [0, 1, 1, 1], [], []>, transpose_lhs_hint = false} : vector<1280x32xf32>, vector<1280x64xf32>, vector<32x64xf32> -> vector<32x64xf32>
    %add3A_26 = arith.addf %get3A_24, %dot_general3A_25 : vector<32x64xf32>
    %swap3A = arith.constant 0 : index
    %swap3A_27 = arith.constant 0 : index
    %swap3A_28 = vector.load %arg8[%swap3A, %swap3A_27] : memref<32x64xf32, #tpu.memory_space<vmem>>, vector<32x64xf32>
    tpu.vector_store %arg8[%swap3A, %swap3A_27], %add3A_26 {strides = array<i32>} : memref<32x64xf32, #tpu.memory_space<vmem>>, vector<32x64xf32>,
    %get3A_29 = arith.constant 0 : index
    %get3A_30 = arith.constant 0 : index
    %get3A_31 = vector.load %arg9[%get3A_29, %get3A_30] : memref<32x64xf32, #tpu.memory_space<vmem>>, vector<32x64xf32>
    %broadcast_in_dim3A = arith.constant 1.000000e+00 : f32
    %broadcast_in_dim3A_32 = vector.broadcast %broadcast_in_dim3A : f32 to vector<1280x64xf32>
    %dot_general3A_33 = arith.constant dense<0.000000e+00> : vector<32x64xf32>
    %dot_general3A_34 = tpu.matmul %convert_element_type3A_21, %broadcast_in_dim3A_32, %dot_general3A_33 {dimension_numbers = #tpu.dot_dimension_numbers<[0], [0], [1], [1], [0, 1, 1, 1], [], []>, transpose_lhs_hint = false} : vector<1280x32xf32>, vector<1280x64xf32>, vector<32x64xf32> -> vector<32x64xf32>
    %add3A_35 = arith.addf %get3A_31, %dot_general3A_34 : vector<32x64xf32>
    %swap3A_36 = arith.constant 0 : index
    %swap3A_37 = arith.constant 0 : index
    %swap3A_38 = vector.load %arg9[%swap3A_36, %swap3A_37] : memref<32x64xf32, #tpu.memory_space<vmem>>, vector<32x64xf32>
    tpu.vector_store %arg9[%swap3A_36, %swap3A_37], %add3A_35 {strides = array<i32>} : memref<32x64xf32, #tpu.memory_space<vmem>>, vector<32x64xf32>,
    %eq3A_39 = arith.constant 7 : i32
    %eq3A_40 = arith.cmpi eq, %arg0, %eq3A_39 : i32
    %convert_element_type3A_41 = arith.extui %eq3A_40 : i1 to i32
    %cond3A_42 = arith.constant 0 : i32
    %cond3A_43 = arith.cmpi ne, %convert_element_type3A_41, %cond3A_42 : i32
    scf.if %cond3A_43 {
      %get3A_44 = arith.constant 0 : index
      %get3A_45 = arith.constant 0 : index
      %get3A_46 = vector.load %arg8[%get3A_44, %get3A_45] : memref<32x64xf32, #tpu.memory_space<vmem>>, vector<32x64xf32>
      %get3A_47 = arith.constant 0 : index
      %get3A_48 = arith.constant 0 : index
      %get3A_49 = vector.load %arg9[%get3A_47, %get3A_48] : memref<32x64xf32, #tpu.memory_space<vmem>>, vector<32x64xf32>
      %max3A_50 = arith.constant 1.000000e+00 : f32
      %max3A_51 = vector.broadcast %max3A_50 : f32 to vector<32x64xf32>
      %max3A_52 = arith.maximumf %get3A_49, %max3A_51 : vector<32x64xf32>
      %div3A = arith.divf %get3A_46, %max3A_52 : vector<32x64xf32>
      %get3A_53 = arith.constant 0 : index
      %get3A_54 = arith.constant 0 : index
      %get3A_55 = vector.load %arg3[%get3A_53, %get3A_54] : memref<64x128xf32, #tpu.memory_space<vmem>>, vector<64x128xf32>
      %dot_general3A_56 = arith.constant dense<0.000000e+00> : vector<32x128xf32>
      %dot_general3A_57 = tpu.matmul %div3A, %get3A_55, %dot_general3A_56 {dimension_numbers = #tpu.dot_dimension_numbers<[1], [0], [0], [1], [0, 0, 1, 1], [], []>, transpose_lhs_hint = false} : vector<32x64xf32>, vector<64x128xf32>, vector<32x128xf32> -> vector<32x128xf32>
      %get3A_58 = arith.constant 0 : index
      %get3A_59 = arith.constant 0 : index
      %get3A_60 = vector.load %arg4[%get3A_58, %get3A_59] : memref<1x128xf32, #tpu.memory_space<vmem>>, vector<1x128xf32>
      %add3A_61 = vector.broadcast %get3A_60 : vector<1x128xf32> to vector<32x128xf32>
      %add3A_62 = arith.addf %dot_general3A_57, %add3A_61 : vector<32x128xf32>
      %max3A_63 = arith.constant 0.000000e+00 : f32
      %max3A_64 = vector.broadcast %max3A_63 : f32 to vector<32x128xf32>
      %max3A_65 = arith.maximumf %add3A_62, %max3A_64 : vector<32x128xf32>
      %get3A_66 = arith.constant 0 : index
      %get3A_67 = arith.constant 0 : index
      %get3A_68 = vector.load %arg5[%get3A_66, %get3A_67] : memref<128x1xf32, #tpu.memory_space<vmem>>, vector<128x1xf32>
      %dot_general3A_69 = arith.constant dense<0.000000e+00> : vector<32x1xf32>
      %dot_general3A_70 = tpu.matmul %max3A_65, %get3A_68, %dot_general3A_69 {dimension_numbers = #tpu.dot_dimension_numbers<[1], [0], [0], [1], [0, 0, 1, 1], [], []>, transpose_lhs_hint = false} : vector<32x128xf32>, vector<128x1xf32>, vector<32x1xf32> -> vector<32x1xf32>
      %get3A_71 = arith.constant 0 : index
      %get3A_72 = arith.constant 0 : index
      %get3A_73 = vector.load %arg6[%get3A_71, %get3A_72] : memref<1x1xf32, #tpu.memory_space<vmem>>, vector<1x1xf32>
      %add3A_74 = vector.broadcast %get3A_73 : vector<1x1xf32> to vector<32x1xf32>
      %add3A_75 = arith.addf %dot_general3A_70, %add3A_74 : vector<32x1xf32>
      %swap3A_76 = arith.constant 0 : index
      %swap3A_77 = arith.constant 0 : index
      %swap3A_78 = vector.load %arg7[%swap3A_76, %swap3A_77] : memref<32x1xf32, #tpu.memory_space<vmem>>, vector<32x1xf32>
      tpu.vector_store %arg7[%swap3A_76, %swap3A_77], %add3A_75 {strides = array<i32>} : memref<32x1xf32, #tpu.memory_space<vmem>>, vector<32x1xf32>,
    } else {
    }
    return
  }
  func.func @transform_0(%arg0: i32) -> (i32, i32, i32) {
    %c0_i32 = arith.constant 0 : i32
    %c0_i32_0 = arith.constant 0 : i32
    %c0_i32_1 = arith.constant 0 : i32
    return %c0_i32, %arg0, %c0_i32_0 : i32, i32, i32
  }
  func.func @transform_1(%arg0: i32) -> (i32, i32, i32) {
    %c0_i32 = arith.constant 0 : i32
    %c0_i32_0 = arith.constant 0 : i32
    %c0_i32_1 = arith.constant 0 : i32
    return %arg0, %c0_i32, %c0_i32_0 : i32, i32, i32
  }
  func.func @transform_2(%arg0: i32) -> (i32, i32) {
    %c0_i32 = arith.constant 0 : i32
    %c0_i32_0 = arith.constant 0 : i32
    %c0_i32_1 = arith.constant 0 : i32
    return %c0_i32, %c0_i32_0 : i32, i32
  }
  func.func @transform_3(%arg0: i32) -> (i32, i32) {
    %c0_i32 = arith.constant 0 : i32
    %c0_i32_0 = arith.constant 0 : i32
    %c0_i32_1 = arith.constant 0 : i32
    return %c0_i32, %c0_i32_0 : i32, i32
  }
  func.func @transform_4(%arg0: i32) -> (i32, i32) {
    %c0_i32 = arith.constant 0 : i32
    %c0_i32_0 = arith.constant 0 : i32
    %c0_i32_1 = arith.constant 0 : i32
    return %c0_i32, %c0_i32_0 : i32, i32
  }
  func.func @transform_5(%arg0: i32) -> (i32, i32) {
    %c0_i32 = arith.constant 0 : i32
    %c0_i32_0 = arith.constant 0 : i32
    %c0_i32_1 = arith.constant 0 : i32
    return %c0_i32, %c0_i32_0 : i32, i32
  }
  func.func @transform_6(%arg0: i32) -> (i32, i32) {
    %c0_i32 = arith.constant 0 : i32
    %c0_i32_0 = arith.constant 0 : i32
    %c0_i32_1 = arith.constant 0 : i32
    return %c0_i32, %c0_i32_0 : i32, i32
  }
}

</mosaic_0001>

<sc_bundles>
// kernel: kernel.10.cloned.1.call-start
scs
__scs_entry_jumppad:
0x0: {  	(pc) =	sbr.rel $0x88, $3  }
0x1: {  	(tag) =	ssettag $0x0;
	lr =	simm.s32 $0x1  }
0x2: {  	[smem:$0x3F96] =	sst lr;
	_ =	strace $0xD0000000  }
0x3: {  	_ = 	snop  }
0x4: {  	_ = 	snop  }
0x5: {  	_ = 	snop  }
0x6: {  	_ = 	snop  }
0x7: {  	_ = 	snop  }
__scs_overlays_trampoline_lowered:
0x8: {  	[smem:$0x3FA5] =	sst s0  }
0x9: {  	[smem:$0x3FA6] =	sst s1  }
0xa: {  	[smem:$0x3FA7] =	sst s2  }
0xb: {  	[smem:$0x3FA8] =	sst s3  }
0xc: {  	[smem:$0x3FA9] =	sst s4  }
0xd: {  	[smem:$0x3FAA] =	sst s5  }
0xe: {  	[smem:$0x3FAB] =	sst s6  }
0xf: {  	[smem:$0x3FAC] =	sst s7  }
0x10: {  	[smem:$0x3FAD] =	sst s8  }
0x11: {  	[smem:$0x3FAE] =	sst s9;
	s0 =	simm.s32 @!p0 $0x0  }
0x12: {  	s1 =	sld [smem:$0x3F94];
	s0 =	simm.s32 @p0 $0x1  }
0x13: {  	[smem:$0x3FAF] =	sst s0;
	s0 =	simm.s32 @!p1 $0x0  }
0x14: {  	s2 =	sld [smem:$0x3F93];
	s0 =	simm.s32 @p1 $0x1  }
0x15: {  	[smem:$0x3FB0] =	sst s0;
	s0 =	simm.s32 @!p2 $0x0  }
0x16: {  	s3 =	sld [smem:$0x3FDB];
	s0 =	simm.s32 @p2 $0x1  }
0x17: {  	s4 =	simm.s32 $0x1BF5;
	[smem:$0x3FB2] =	sst s0  }
0x18: {  	s0 =	sld [smem:$0x3F95];
	_ =	swait.ge [sflag:s4], $0x0  }
0x19: {  	s7 =	sld [smem:$0x3F96]  }
0x1a: {  	s8 =	sadd.s32 $0xFFFFE003, lr  }
0x1b: {  	s9 =	sadd.s32 $0xFFFFFEF7, lr;
	s5 =	simm.s32 $0xFFFFFFFF;
	p2 =	slt.u32 s8, $0xFFFFF086  }
0x1c: {  	p1 =	slt.u32 s9, $0xF7A;
	s5 =	simm.s32 @!p2 $0x0  }
0x1d: {  	s5 =	simm.s32 @p1 $0x1;
	p0 =	seq.s32 s7, s2  }
0x1e: {  	s7 =	smul.u32 @!p0 $0xF7A, s2;
	p2 =	seq.s32 @!p0 s5, $0x0  }
0x1f: {  	s9 =	smul.u32 $0xF7A, s1;
	s8 =	simm.s32 @!p0 $0x1BF5;
	p2 =	por !p2, p0  }
0x20: {  	[sflag:s8] =	ssyncset.s32 @!p0 $0xFFFFF086;
	s6 =	sadd.s32 @!p0 s3, s7;
	s7 =	simm.s32 @!p0 $0x108  }
0x21: {  	s3 =	sadd.s32 s3, s9;
	s6 =	sadd.s32 @!p0 $0x88, s6;
	s7 =	simm.s32 @p2 $0x1082  }
0x22: {  	[simem:s7], [sflag:s8] =	dma.local @!p0 [hbm:s6], $0xF7A  }
0x23: {  	s9 =	sor.u32 $0xD0000000, s2;
	s6 =	simm.s32 $0x108;
	_ =	swait.ge @!p0 [sflag:s8], $0x0  }
0x24: {  	s3 =	sadd.s32 $0x88, s3;
	s6 =	simm.s32 @!p1 $0x1082;
	[sflag:s4] =	ssyncset.s32 $0xFFFFF086  }
0x25: {  	[simem:s6], [sflag:s4] =	dma.local [hbm:s3], $0xF7A  }
0x26: {  	[smem:$0x3F96] =	sst s1;
	(tag) =	ssettag s2;
	_ =	strace s9  }
0x27: {  	s1 =	sld [smem:$0x3FA6]  }
0x28: {  	s2 =	sld [smem:$0x3FA7]  }
0x29: {  	s4 =	sld [smem:$0x3FA9]  }
0x2a: {  	p0 =	seq.s32 s5, $0x0;
	s5 =	sld [smem:$0x3FAA]  }
0x2b: {  	s6 =	sld [smem:$0x3FAB]  }
0x2c: {  	s7 =	sld [smem:$0x3FAC]  }
0x2d: {  	s3 =	simm.s32 $0x108;
	s8 =	sld [smem:$0x3FAD]  }
0x2e: {  	s3 =	simm.s32 @!p0 $0x1082;
	s9 =	sld [smem:$0x3FAE]  }
0x2f: {  	lr =	sadd.s32 s0, s3;
	s0 =	sld [smem:$0x3FA5]  }
0x30: {  	s3 =	sld [smem:$0x3FA8]  }
0x31: {  	[smem:$0x3FB1] =	sst s10  }
0x32: {  	s10 =	sld [smem:$0x3FAF];
	_ =	sdelay $0x3  }
0x33: {  	p0 =	seq.s32 s10, $0x1;
	s10 =	sld [smem:$0x3FB1];
	_ =	sdelay $0x3  }
0x34: {  	[smem:$0x3FB1] =	sst s10  }
0x35: {  	s10 =	sld [smem:$0x3FB0];
	_ =	sdelay $0x3  }
0x36: {  	p1 =	seq.s32 s10, $0x1;
	s10 =	sld [smem:$0x3FB1];
	_ =	sdelay $0x3  }
0x37: {  	[smem:$0x3FB1] =	sst s10  }
0x38: {  	s10 =	sld [smem:$0x3FB2]  }
0x39: {  	_ = 	snop;
	(pc) =	sbr.ind lr, $3  }
0x3a: {  	_ = 	snop  }
0x3b: {  	_ = 	snop  }
0x3c: {  	p2 =	seq.s32 s10, $0x1;
	s10 =	sld [smem:$0x3FB1]  }
0x3d: {  	_ =	shalt  }
0x3e: {  	_ =	shalt  }
0x3f: {  	_ =	shalt  }
0x40: {  	_ =	shalt  }
0x41: {  	_ =	shalt  }
0x42: {  	_ =	shalt  }
0x43: {  	_ =	shalt  }
0x44: {  	_ =	shalt  }
0x45: {  	_ =	shalt  }
0x46: {  	_ =	shalt  }
0x47: {  	_ =	shalt  }
0x48: {  	_ =	shalt  }
0x49: {  	_ =	shalt  }
0x4a: {  	_ =	shalt  }
0x4b: {  	_ =	shalt  }
0x4c: {  	_ =	shalt  }
0x4d: {  	_ =	shalt  }
0x4e: {  	_ =	shalt  }
0x4f: {  	_ =	shalt  }
0x50: {  	_ =	shalt  }
0x51: {  	_ =	shalt  }
0x52: {  	_ =	shalt  }
0x53: {  	_ =	shalt  }
0x54: {  	_ =	shalt  }
0x55: {  	_ =	shalt  }
0x56: {  	_ =	shalt  }
0x57: {  	_ =	shalt  }
0x58: {  	_ =	shalt  }
0x59: {  	_ =	shalt  }
0x5a: {  	_ =	shalt  }
0x5b: {  	_ =	shalt  }
0x5c: {  	_ =	shalt  }
0x5d: {  	_ =	shalt  }
0x5e: {  	_ =	shalt  }
0x5f: {  	_ =	shalt  }
0x60: {  	_ =	shalt  }
0x61: {  	_ =	shalt  }
0x62: {  	_ =	shalt  }
0x63: {  	_ =	shalt  }
0x64: {  	_ =	shalt  }
0x65: {  	_ =	shalt  }
0x66: {  	_ =	shalt  }
0x67: {  	_ =	shalt  }
0x68: {  	_ =	shalt  }
0x69: {  	_ =	shalt  }
0x6a: {  	_ =	shalt  }
0x6b: {  	_ =	shalt  }
0x6c: {  	_ =	shalt  }
0x6d: {  	_ =	shalt  }
0x6e: {  	_ =	shalt  }
0x6f: {  	_ =	shalt  }
0x70: {  	_ =	shalt  }
0x71: {  	_ =	shalt  }
0x72: {  	_ =	shalt  }
0x73: {  	_ =	shalt  }
0x74: {  	_ =	shalt  }
0x75: {  	_ =	shalt  }
0x76: {  	_ =	shalt  }
0x77: {  	_ =	shalt  }
0x78: {  	_ =	shalt  }
0x79: {  	_ =	shalt  }
0x7a: {  	_ =	shalt  }
0x7b: {  	_ =	shalt  }
0x7c: {  	_ =	shalt  }
0x7d: {  	_ =	shalt  }
0x7e: {  	_ =	shalt  }
0x7f: {  	_ =	shalt  }
0x80: {  	_ =	shalt  }
0x81: {  	_ =	shalt  }
0x82: {  	_ =	shalt  }
0x83: {  	_ =	shalt  }
0x84: {  	_ =	shalt  }
0x85: {  	_ =	shalt  }
0x86: {  	_ =	shalt  }
0x87: {  	_ =	shalt  }
.Lfunc_end0:
.L_simem_size_0:
called_computation.1_lowered:
.L_overlay_start_0:
0x88: {  	s2 =	sld [smem:$0x3FD9]  }
0x89: {  	s3 =	sld [smem:$0x3FFE];
	_ =	sdelay $0x1  }
0x8a: {  	s1 =	srdreg.scid  }
0x8b: {  	s0 =	sand.u32 $0x1, s1  }
0x8c: {  	s16 =	sshll.u32 s0, $0xA;
	s2 =	sadd.s32 s3, s2  }
0x8d: {  	s2 =	sadd.s32 s2, s16  }
0x8e: {  	[smem:$0x3FBD] =	sst s2  }
0x8f: {  	_ = 	snop  }
0x90: {  	(tm) =	ssettm $0x1  }
0x91: {  	s17 =	sld [smem:$0x3FFB];
	_ =	sdelay $0x3  }
0x92: {  	_ =	strace s17  }
0x93: {  	s2 =	sld [smem:$0x3FFC];
	_ =	sdelay $0x3  }
0x94: {  	_ =	strace s2  }
0x95: {  	s2 =	sld [smem:$0x3FFD];
	_ =	sdelay $0x3  }
0x96: {  	_ =	strace s2  }
0x97: {  	_ =	strace $0x8FFFFFFF  }
0x98: {  	s18 =	sld [smem:$0x3FDB];
	_ =	sdelay $0x1  }
0x99: {  	s19 =	simm.s32 $_scs_section_size  }
0x9a: {  	s4 =	simm.s32 $_size__tile_overlayer_lowered;
	s5 =	simm.s32 $_tile_overlayer_lowered  }
0x9b: {  	s22 =	simm.s32 $0x1BFF;
	s21 =	sshll.u32 s5, $0x1;
	s2 =	sadd.s32 s19, s18  }
0x9c: {  	s6 =	simm.s32 $0x0;
	s20 =	sshll.u32 s4, $0x1;
	s4 =	sadd.s32 s21, s2  }
0x9d: {  	[timem:s6], [sflag:s22] =	dma.local [hbm:s4], s20  }
0x9e: {  	_ =	swait.ge [sflag:s22], s20  }
0x9f: {  	s3 =	ssub.s32 $0x0, s20;
	[sflag:s22] =	ssyncset.done $0x0  }
0xa0: {  	[sflag:s22] =	ssyncadd.s32 s3;
	_ =	sdelay $0x1  }
0xa1: {  	s23 =	simm.s32 $0x1B8B  }
0xa2: {  	_ =	swait.ge [sflag:s23], $0x1  }
0xa3: {  	[sflag:s23] =	ssyncset.done $0x0  }
0xa4: {  	s25 =	simm.s32 $0x1B8E;
	s24 =	sld [smem:$0x3FFE];
	[sflag:s23] =	ssyncadd.s32 $0xFFFFFFFF  }
0xa5: {  	s26 =	simm.s32 $execute0_lowered;
	[smem:$0x3FD2] =	sst s25  }
0xa6: {  	s4 =	sshll.u32 s26, $0x1;
	_ =	strace $0x80000049;
	[dreg:$0x1] =	wrdreg $0xFFFFFFFF  }
0xa7: {  	s28 =	simm.s32 $_size_execute0_lowered;
	s2 =	sadd.s32 s2, s4;
	[dreg:$0x0] =	wrdreg $0x0  }
0xa8: {  	s4 =	sshll.u32 s28, $0x1;
	[dreg:$0x2] =	wrdreg s2  }
0xa9: {  	[dreg:$0x3] =	wrdreg s4  }
0xaa: {  	[dreg:$0x4] =	wrdreg $0xC0  }
0xab: {  	_ =	task [dreg:s6], $0x5FFFF  }
0xac: {  	[dreg:$0x1] =	wrdreg $0xFFFFFFFF  }
0xad: {  	[dreg:$0x0] =	wrdreg $0x60  }
0xae: {  	[dreg:$0x2] =	wrdreg s24  }
0xaf: {  	[dreg:$0x3] =	wrdreg $0x110000  }
0xb0: {  	[dreg:$0x4] =	wrdreg $0x9  }
0xb1: {  	_ =	task.clear_ibuf [dreg:s6], $0x5FFFF;
	_ =	strace $0x90000049  }
0xb2: {  	s29 =	simm.s32 $0x9;
	_ =	strace $0x8000004B  }
0xb3: {  	_ =	swait.ge [sflag:s29], $0x1  }
0xb4: {  	[sflag:s29] =	ssyncadd.s32 $0xFFFFFFFF  }
0xb5: {  	_ =	strace $0x9000004B  }
0xb6: {  	_ =	sfence  }
0xb7: {  	s30 =	sld [smem:$0x0];
	_ =	sdelay $0x2  }
0xb8: {  	s31 =	sshll.u32 s1, $0xD;
	s1 =	sshrl.u32 s1, $0x2  }
0xb9: {  	s3 =	sand.u32 $0x4000, s31;
	s1 =	sadd.s32 s1, s30  }
0xba: {  	s0 =	sor.u32 s3, s0;
	s1 =	sshll.u32 s1, $0x11  }
0xbb: {  	s0 =	sor.u32 s1, s0  }
0xbc: {  	s0 =	sadd.s32 $0x8F2B, s0  }
0xbd: {  	[sflag:s0] =	ssyncadd.remote.s32 $0x1  }
0xbe: {  	_ =	sfence.sel $0xFFFF  }
0xbf: {  	[dreg:$0x0] =	wrdreg $0xFFFFFFFF;
	(pc) =	sbr.abs _section_cstart, $3  }
0xc0: {  	[dreg:$0x1] =	wrdreg $0xFFFFFFFF  }
0xc1: {  	_ =	task.clear_ibuf [dreg:s6], $0x2FFFF;
	_ =	strace $0x9FFFFFFF  }
0xc2: {  	(tm) =	ssettm $0x7FFFFFFF  }
0xc3: {  	_ =	shalt  }
tec
execute0_lowered:
.L_overlay_start_1:
0x0: {  	(tag) =	ssettag $0x1  }
0x1: {  	s0 =	rddreg [dreg:$0x0]  }
0x2: {  	s2 =	rddreg [dreg:$0x1];
	s1 =	stileid.u32;
	s3 =	simm.s32 $0x0  }
0x3: {  	s4 =	srdreg.scid;
	s16 =	simm.s32 $0x9000;
	s17 =	simm.s32 $0x3  }
0x4: {  	s18 =	simm.s32 $0x4800;
	s19 =	simm.s32 $0x80;
	s20 =	simm.s32 $0xB000  }
0x5: {  	s22 =	simm.s32 $0xD000;
	s24 =	simm.s32 $0xF000;
	s25 =	simm.s32 $0x1  }
0x6: {  	s26 =	simm.s32 $0x2;
	s21 =	simm.s32 $0x4F80;
	s5 =	smul.u32 $0x900, s1  }
0x7: {  	s23 =	simm.s32 $0x0;
	[smem:$0x7FF] =	sst s3;
	s6 =	smul.u32 $0xA000, s1  }
0x8: {  	s10 =	sand.u32 $0x1, s4;
	s4 =	sadd.s32 $0x15C00, s0;
	s8 =	smul.u32 $0x28000, s1  }
0x9: {  	s28 =	sshll.u32 s1, $0x8;
	_ =	strace $0x8000004A;
	s7 =	smul.u32 $0xA0000, s10  }
0xa: {  	s13 =	sadd.s32 s28, s0;
	s30 =	ssub.s32 $0x2, s10;
	p0 =	seq.s32 s10, $0x1  }
0xb: {  	s11 =	sadd.s32 s5, s0;
	s9 =	sshrl.u32 s30, $0x1;
	s8 =	sshrl.u32 s8, $0x2  }
0xc: {  	s12 =	sadd.s32 $0x14C00, s13;
	s13 =	sadd.s32 $0x13C00, s13;
	s29 =	sadd.s32 s6, s7  }
.Ltmp0:
0xd: {  	s15 =	ssub.s32 s30, s9;
	s31 =	sadd.s32 s8, s2;
	(pc) =	sbr.rel .LBB2_1-.Ltmp0, $4  }
0xe: {  	s10 =	sadd.s32 $0xAC00, s11;
	s11 =	sadd.s32 $0x1C00, s11;
	s5 =	sshrl.u32 s29, $0x3  }
0xf: {  	s7 =	sadd.s32 $0x4000, s31;
	s8 =	sadd.s32 $0x6000, s31;
	s9 =	sadd.s32 $0x8000, s31  }
0x10: {  	s15 =	smax.u32 s15, $0x1;
	s0 =	sadd.s32 s5, s0;
	s5 =	sadd.s32 s6, s2  }
0x11: {  	v0 =	vimm.f32 $0.0e+00;
	s6 =	sadd.s32 $0x2000, s31;
	s14 =	sadd.s32 $0x29C00, s0;
	s0 =	simm.s32 $0x4F00  }
.LBB2_7:
0x12: {  	[tilespmem:s3], [sflag:$0x3] =	stream.linear.gather [hbm4b:s12+s3], $0x800, $0x38;
	[tilespmem:$0x1B000] =	vst v63  }
0x13: {  	_ =	swait.ge [sflag:s17], $0x800  }
0x14: {  	[sflag:s17] =	ssyncset.done $0x0  }
0x15: {  	[sflag:s17] =	ssyncadd.s32 $0xFFFFF800  }
0x16: {  	[tilespmem:s18], [sflag:$0x3] =	stream.linear.gather [hbm4b:s13+s3], $0x800, $0x38;
	[tilespmem:$0x1B000] =	vst v63  }
0x17: {  	_ =	swait.ge [sflag:s17], $0x800  }
0x18: {  	[sflag:s17] =	ssyncset.done $0x0  }
0x19: {  	[sflag:s17] =	ssyncadd.s32 $0xFFFFF800  }
0x1a: {  	[bflag:$0x0] =	sbarrier.arrive $0xFFFF  }
0x1b: {  	[tilespmem:s16], [sflag:$0x1] =	stream.indirect.gather [hbm4b:s4+s19], $0x40, s3, s19, $0xb8;
	[tilespmem:$0x1B000] =	vst v63  }
0x1c: {  	_ = 	snop  }
0x1d: {  	[tilespmem:s20], [sflag:$0x1] =	stream.indirect.gather [hbm4b:s4+s19], $0x40, s19, s19, $0xb8;
	[tilespmem:$0x1B000] =	vst v63  }
0x1e: {  	s28 =	simm.s32 $0x100  }
0x1f: {  	[tilespmem:s22], [sflag:$0x1] =	stream.indirect.gather [hbm4b:s4+s19], $0x40, s28, s19, $0xb8;
	[tilespmem:$0x1B000] =	vst v63  }
0x20: {  	s30 =	simm.s32 $0x180  }
0x21: {  	[tilespmem:s24], [sflag:$0x1] =	stream.indirect.gather [hbm4b:s4+s19], $0x40, s30, s19, $0xb8;
	[tilespmem:$0x1B000] =	vst v63  }
0x22: {  	_ =	swait.ge [sflag:s25], $0x2000  }
0x23: {  	[sflag:s25] =	ssyncset.done $0x0  }
0x24: {  	[sflag:s25] =	ssyncadd.s32 $0xFFFFE000  }
0x25: {  	_ =	swait.ge [sflag:s25], $0x2000  }
0x26: {  	[sflag:s25] =	ssyncset.done $0x0  }
0x27: {  	[sflag:s25] =	ssyncadd.s32 $0xFFFFE000  }
0x28: {  	_ =	swait.ge [sflag:s25], $0x2000  }
0x29: {  	[sflag:s25] =	ssyncset.done $0x0  }
0x2a: {  	[sflag:s25] =	ssyncadd.s32 $0xFFFFE000  }
0x2b: {  	_ =	swait.ge [sflag:s25], $0x2000  }
0x2c: {  	[sflag:s25] =	ssyncset.done $0x0  }
0x2d: {  	[sflag:s25] =	ssyncadd.s32 $0xFFFFE000  }
0x2e: {  	[spmem:s2] =	stream.indirect.scatter.add.f32 [tilespmem:s16], [sflag:$0x2], $0x40, s18, s19, $0xb8;
	[tilespmem:$0x1B000] =	vst v63  }
0x2f: {  	_ =	swait.ge [sflag:s26], $0x2000  }
0x30: {  	[sflag:s26] =	ssyncset.done $0x0  }
0x31: {  	s31 =	simm.s32 $0x4880;
	[sflag:s26] =	ssyncadd.s32 $0xFFFFE000  }
0x32: {  	[spmem:s2] =	stream.indirect.scatter.add.f32 [tilespmem:s20], [sflag:$0x2], $0x40, s31, s19, $0xb8;
	[tilespmem:$0x1B000] =	vst v63  }
0x33: {  	_ =	swait.ge [sflag:s26], $0x2000  }
0x34: {  	[sflag:s26] =	ssyncset.done $0x0  }
0x35: {  	s29 =	simm.s32 $0x4900;
	[sflag:s26] =	ssyncadd.s32 $0xFFFFE000  }
0x36: {  	[spmem:s2] =	stream.indirect.scatter.add.f32 [tilespmem:s22], [sflag:$0x2], $0x40, s29, s19, $0xb8;
	[tilespmem:$0x1B000] =	vst v63  }
0x37: {  	_ =	swait.ge [sflag:s26], $0x2000  }
0x38: {  	[sflag:s26] =	ssyncset.done $0x0  }
0x39: {  	s30 =	simm.s32 $0x4980;
	[sflag:s26] =	ssyncadd.s32 $0xFFFFE000  }
0x3a: {  	[spmem:s2] =	stream.indirect.scatter.add.f32 [tilespmem:s24], [sflag:$0x2], $0x40, s30, s19, $0xb8;
	[tilespmem:$0x1B000] =	vst v63  }
0x3b: {  	_ =	swait.ge [sflag:s26], $0x2000  }
0x3c: {  	[sflag:s26] =	ssyncset.done $0x0  }
0x3d: {  	s31 =	simm.s32 $0x200;
	[sflag:s26] =	ssyncadd.s32 $0xFFFFE000  }
0x3e: {  	[tilespmem:s16], [sflag:$0x1] =	stream.indirect.gather [hbm4b:s4+s19], $0x40, s31, s19, $0xb8;
	[tilespmem:$0x1B000] =	vst v63  }
0x3f: {  	s29 =	simm.s32 $0x280  }
0x40: {  	[tilespmem:s20], [sflag:$0x1] =	stream.indirect.gather [hbm4b:s4+s19], $0x40, s29, s19, $0xb8;
	[tilespmem:$0x1B000] =	vst v63  }
0x41: {  	s30 =	simm.s32 $0x300  }
0x42: {  	[tilespmem:s22], [sflag:$0x1] =	stream.indirect.gather [hbm4b:s4+s19], $0x40, s30, s19, $0xb8;
	[tilespmem:$0x1B000] =	vst v63  }
0x43: {  	s31 =	simm.s32 $0x380  }
0x44: {  	[tilespmem:s24], [sflag:$0x1] =	stream.indirect.gather [hbm4b:s4+s19], $0x40, s31, s19, $0xb8;
	[tilespmem:$0x1B000] =	vst v63  }
0x45: {  	_ =	swait.ge [sflag:s25], $0x2000  }
0x46: {  	[sflag:s25] =	ssyncset.done $0x0  }
0x47: {  	[sflag:s25] =	ssyncadd.s32 $0xFFFFE000  }
0x48: {  	_ =	swait.ge [sflag:s25], $0x2000  }
0x49: {  	[sflag:s25] =	ssyncset.done $0x0  }
0x4a: {  	[sflag:s25] =	ssyncadd.s32 $0xFFFFE000  }
0x4b: {  	_ =	swait.ge [sflag:s25], $0x2000  }
0x4c: {  	[sflag:s25] =	ssyncset.done $0x0  }
0x4d: {  	[sflag:s25] =	ssyncadd.s32 $0xFFFFE000  }
0x4e: {  	_ =	swait.ge [sflag:s25], $0x2000  }
0x4f: {  	[sflag:s25] =	ssyncset.done $0x0  }
0x50: {  	s29 =	simm.s32 $0x4A00;
	[sflag:s25] =	ssyncadd.s32 $0xFFFFE000  }
0x51: {  	[spmem:s2] =	stream.indirect.scatter.add.f32 [tilespmem:s16], [sflag:$0x2], $0x40, s29, s19, $0xb8;
	[tilespmem:$0x1B000] =	vst v63  }
0x52: {  	_ =	swait.ge [sflag:s26], $0x2000  }
0x53: {  	[sflag:s26] =	ssyncset.done $0x0  }
0x54: {  	s30 =	simm.s32 $0x4A80;
	[sflag:s26] =	ssyncadd.s32 $0xFFFFE000  }
0x55: {  	[spmem:s2] =	stream.indirect.scatter.add.f32 [tilespmem:s20], [sflag:$0x2], $0x40, s30, s19, $0xb8;
	[tilespmem:$0x1B000] =	vst v63  }
0x56: {  	_ =	swait.ge [sflag:s26], $0x2000  }
0x57: {  	[sflag:s26] =	ssyncset.done $0x0  }
0x58: {  	s31 =	simm.s32 $0x4B00;
	[sflag:s26] =	ssyncadd.s32 $0xFFFFE000  }
0x59: {  	[spmem:s2] =	stream.indirect.scatter.add.f32 [tilespmem:s22], [sflag:$0x2], $0x40, s31, s19, $0xb8;
	[tilespmem:$0x1B000] =	vst v63  }
0x5a: {  	_ =	swait.ge [sflag:s26], $0x2000  }
0x5b: {  	[sflag:s26] =	ssyncset.done $0x0  }
0x5c: {  	s29 =	simm.s32 $0x4B80;
	[sflag:s26] =	ssyncadd.s32 $0xFFFFE000  }
0x5d: {  	[spmem:s2] =	stream.indirect.scatter.add.f32 [tilespmem:s24], [sflag:$0x2], $0x40, s29, s19, $0xb8;
	[tilespmem:$0x1B000] =	vst v63  }
0x5e: {  	_ =	swait.ge [sflag:s26], $0x2000  }
0x5f: {  	[sflag:s26] =	ssyncset.done $0x0  }
0x60: {  	s30 =	simm.s32 $0x400;
	[sflag:s26] =	ssyncadd.s32 $0xFFFFE000  }
0x61: {  	[tilespmem:s16], [sflag:$0x1] =	stream.indirect.gather [hbm4b:s4+s19], $0x40, s30, s19, $0xb8;
	[tilespmem:$0x1B000] =	vst v63  }
0x62: {  	s31 =	simm.s32 $0x480  }
0x63: {  	[tilespmem:s20], [sflag:$0x1] =	stream.indirect.gather [hbm4b:s4+s19], $0x40, s31, s19, $0xb8;
	[tilespmem:$0x1B000] =	vst v63  }
0x64: {  	s29 =	simm.s32 $0x500  }
0x65: {  	[tilespmem:s22], [sflag:$0x1] =	stream.indirect.gather [hbm4b:s4+s19], $0x40, s29, s19, $0xb8;
	[tilespmem:$0x1B000] =	vst v63  }
0x66: {  	s30 =	simm.s32 $0x580  }
0x67: {  	[tilespmem:s24], [sflag:$0x1] =	stream.indirect.gather [hbm4b:s4+s19], $0x40, s30, s19, $0xb8;
	[tilespmem:$0x1B000] =	vst v63  }
0x68: {  	_ =	swait.ge [sflag:s25], $0x2000  }
0x69: {  	[sflag:s25] =	ssyncset.done $0x0  }
0x6a: {  	[sflag:s25] =	ssyncadd.s32 $0xFFFFE000  }
0x6b: {  	_ =	swait.ge [sflag:s25], $0x2000  }
0x6c: {  	[sflag:s25] =	ssyncset.done $0x0  }
0x6d: {  	[sflag:s25] =	ssyncadd.s32 $0xFFFFE000  }
0x6e: {  	_ =	swait.ge [sflag:s25], $0x2000  }
0x6f: {  	[sflag:s25] =	ssyncset.done $0x0  }
0x70: {  	[sflag:s25] =	ssyncadd.s32 $0xFFFFE000  }
0x71: {  	_ =	swait.ge [sflag:s25], $0x2000  }
0x72: {  	[sflag:s25] =	ssyncset.done $0x0  }
0x73: {  	s31 =	simm.s32 $0x4C00;
	[sflag:s25] =	ssyncadd.s32 $0xFFFFE000  }
0x74: {  	[spmem:s2] =	stream.indirect.scatter.add.f32 [tilespmem:s16], [sflag:$0x2], $0x40, s31, s19, $0xb8;
	[tilespmem:$0x1B000] =	vst v63  }
0x75: {  	_ =	swait.ge [sflag:s26], $0x2000  }
0x76: {  	[sflag:s26] =	ssyncset.done $0x0  }
0x77: {  	s29 =	simm.s32 $0x4C80;
	[sflag:s26] =	ssyncadd.s32 $0xFFFFE000  }
0x78: {  	[spmem:s2] =	stream.indirect.scatter.add.f32 [tilespmem:s20], [sflag:$0x2], $0x40, s29, s19, $0xb8;
	[tilespmem:$0x1B000] =	vst v63  }
0x79: {  	_ =	swait.ge [sflag:s26], $0x2000  }
0x7a: {  	[sflag:s26] =	ssyncset.done $0x0  }
0x7b: {  	s30 =	simm.s32 $0x4D00;
	[sflag:s26] =	ssyncadd.s32 $0xFFFFE000  }
0x7c: {  	[spmem:s2] =	stream.indirect.scatter.add.f32 [tilespmem:s22], [sflag:$0x2], $0x40, s30, s19, $0xb8;
	[tilespmem:$0x1B000] =	vst v63  }
0x7d: {  	_ =	swait.ge [sflag:s26], $0x2000  }
0x7e: {  	[sflag:s26] =	ssyncset.done $0x0  }
0x7f: {  	s31 =	simm.s32 $0x4D80;
	[sflag:s26] =	ssyncadd.s32 $0xFFFFE000  }
0x80: {  	[spmem:s2] =	stream.indirect.scatter.add.f32 [tilespmem:s24], [sflag:$0x2], $0x40, s31, s19, $0xb8;
	[tilespmem:$0x1B000] =	vst v63  }
0x81: {  	_ =	swait.ge [sflag:s26], $0x2000  }
0x82: {  	[sflag:s26] =	ssyncset.done $0x0  }
0x83: {  	s29 =	simm.s32 $0x600;
	[sflag:s26] =	ssyncadd.s32 $0xFFFFE000  }
0x84: {  	[tilespmem:s16], [sflag:$0x1] =	stream.indirect.gather [hbm4b:s4+s19], $0x40, s29, s19, $0xb8;
	[tilespmem:$0x1B000] =	vst v63  }
0x85: {  	s30 =	simm.s32 $0x680  }
0x86: {  	[tilespmem:s20], [sflag:$0x1] =	stream.indirect.gather [hbm4b:s4+s19], $0x40, s30, s19, $0xb8;
	[tilespmem:$0x1B000] =	vst v63  }
0x87: {  	s31 =	simm.s32 $0x700  }
0x88: {  	[tilespmem:s22], [sflag:$0x1] =	stream.indirect.gather [hbm4b:s4+s19], $0x40, s31, s19, $0xb8;
	[tilespmem:$0x1B000] =	vst v63  }
0x89: {  	s29 =	simm.s32 $0x780  }
0x8a: {  	[tilespmem:s24], [sflag:$0x1] =	stream.indirect.gather [hbm4b:s4+s19], $0x40, s29, s19, $0xb8;
	[tilespmem:$0x1B000] =	vst v63  }
0x8b: {  	_ =	swait.ge [sflag:s25], $0x2000  }
0x8c: {  	[sflag:s25] =	ssyncset.done $0x0  }
0x8d: {  	[sflag:s25] =	ssyncadd.s32 $0xFFFFE000  }
0x8e: {  	_ =	swait.ge [sflag:s25], $0x2000  }
0x8f: {  	[sflag:s25] =	ssyncset.done $0x0  }
0x90: {  	[sflag:s25] =	ssyncadd.s32 $0xFFFFE000  }
0x91: {  	_ =	swait.ge [sflag:s25], $0x2000  }
0x92: {  	[sflag:s25] =	ssyncset.done $0x0  }
0x93: {  	[sflag:s25] =	ssyncadd.s32 $0xFFFFE000  }
0x94: {  	_ =	swait.ge [sflag:s25], $0x2000  }
0x95: {  	[sflag:s25] =	ssyncset.done $0x0  }
0x96: {  	s30 =	simm.s32 $0x4E00;
	[sflag:s25] =	ssyncadd.s32 $0xFFFFE000  }
0x97: {  	[spmem:s2] =	stream.indirect.scatter.add.f32 [tilespmem:s16], [sflag:$0x2], $0x40, s30, s19, $0xb8;
	[tilespmem:$0x1B000] =	vst v63  }
0x98: {  	_ =	swait.ge [sflag:s26], $0x2000  }
0x99: {  	[sflag:s26] =	ssyncset.done $0x0  }
0x9a: {  	s31 =	simm.s32 $0x4E80;
	[sflag:s26] =	ssyncadd.s32 $0xFFFFE000  }
0x9b: {  	[spmem:s2] =	stream.indirect.scatter.add.f32 [tilespmem:s20], [sflag:$0x2], $0x40, s31, s19, $0xb8;
	[tilespmem:$0x1B000] =	vst v63  }
0x9c: {  	_ =	swait.ge [sflag:s26], $0x2000  }
0x9d: {  	[sflag:s26] =	ssyncset.done $0x0  }
0x9e: {  	[sflag:s26] =	ssyncadd.s32 $0xFFFFE000  }
0x9f: {  	[spmem:s2] =	stream.indirect.scatter.add.f32 [tilespmem:s22], [sflag:$0x2], $0x40, s0, s19, $0xb8;
	[tilespmem:$0x1B000] =	vst v63  }
0xa0: {  	_ =	swait.ge [sflag:s26], $0x2000  }
0xa1: {  	[sflag:s26] =	ssyncset.done $0x0  }
0xa2: {  	[sflag:s26] =	ssyncadd.s32 $0xFFFFE000  }
0xa3: {  	[spmem:s2] =	stream.indirect.scatter.add.f32 [tilespmem:s24], [sflag:$0x2], $0x40, s21, s19, $0xb8;
	[tilespmem:$0x1B000] =	vst v63  }
0xa4: {  	_ =	swait.ge [sflag:s26], $0x2000  }
0xa5: {  	[sflag:s26] =	ssyncset.done $0x0  }
0xa6: {  	[sflag:s26] =	ssyncadd.s32 $0xFFFFE000  }
.LBB2_8:
0xa7: {  	s23 =	sadd.s32 $0x1, s23  }
0xa8: {  	s28 =	sshll.u32 s1, $0x6;
	[bflag:$0x0] =	sbarrier.arrive $0xFFFF;
	p1 =	sne.s32 s23, s15  }
.Ltmp1:
0xa9: {  	s29 =	sshrl.u32 s5, $0x3;
	s28 =	sor.u32 $0x1C03, s28;
	(pc) =	sbr.rel @!p1 .LBB2_9-.Ltmp1, $4  }
0xaa: {  	[hbm:s14], [sflag:s28] =	dma.local [spmem:s29], $0x1400  }
0xab: {  	_ =	swait.ge [sflag:s17], $0x1400  }
0xac: {  	[sflag:s17] =	ssyncset.done $0x0  }
0xad: {  	[sflag:s17] =	ssyncadd.s32 $0xFFFFEC00  }
.LBB2_1:
0xae: {  	s29 =	simm.s32 $0x100;
	s28 =	simm.s32 $0x0  }
.LBB2_2:
0xaf: {  	p1 =	sne.s32 s29, $0x7F00;
	[tilespmem:s28+$0x9030] =	vst v0;
	s30 =	smov.u32 s29;
	s29 =	sadd.s32 $0x100, s29  }
.Ltmp2:
0xb0: {  	[tilespmem:s28+$0x9020] =	vst v0;
	(pc) =	sbr.rel @p1 .LBB2_2-.Ltmp2, $3  }
0xb1: {  	[tilespmem:s28+$0x9000] =	vst v0  }
0xb2: {  	[tilespmem:s28+$0x9010] =	vst v0;
	_ =	sdelay $0x1  }
0xb3: {  	s28 =	sshra.s32 s30, $0x2  }
0xb4: {  	[tilespmem:s28+$0x9030] =	vst v0  }
0xb5: {  	[tilespmem:s28+$0x9020] =	vst v0  }
0xb6: {  	[tilespmem:s28+$0x9000] =	vst v0  }
0xb7: {  	[tilespmem:s28+$0x9010] =	vst v0  }
0xb8: {  	[spmem:s5] =	stream.linear.scatter [tilespmem:s16], [sflag:$0x3], $0x2000, $0x38;
	[tilespmem:$0x1B000] =	vst v63  }
0xb9: {  	_ =	swait.ge [sflag:s17], $0x2000  }
0xba: {  	[sflag:s17] =	ssyncset.done $0x0  }
0xbb: {  	[sflag:s17] =	ssyncadd.s32 $0xFFFFE000  }
0xbc: {  	[spmem:s6] =	stream.linear.scatter [tilespmem:s16], [sflag:$0x3], $0x2000, $0x38;
	[tilespmem:$0x1B000] =	vst v63  }
0xbd: {  	_ =	swait.ge [sflag:s17], $0x2000  }
0xbe: {  	[sflag:s17] =	ssyncset.done $0x0  }
0xbf: {  	[sflag:s17] =	ssyncadd.s32 $0xFFFFE000  }
0xc0: {  	[spmem:s7] =	stream.linear.scatter [tilespmem:s16], [sflag:$0x3], $0x2000, $0x38;
	[tilespmem:$0x1B000] =	vst v63  }
0xc1: {  	_ =	swait.ge [sflag:s17], $0x2000  }
0xc2: {  	[sflag:s17] =	ssyncset.done $0x0  }
0xc3: {  	[sflag:s17] =	ssyncadd.s32 $0xFFFFE000  }
0xc4: {  	[spmem:s8] =	stream.linear.scatter [tilespmem:s16], [sflag:$0x3], $0x2000, $0x38;
	[tilespmem:$0x1B000] =	vst v63  }
0xc5: {  	_ =	swait.ge [sflag:s17], $0x2000  }
0xc6: {  	[sflag:s17] =	ssyncset.done $0x0  }
.Ltmp3:
0xc7: {  	[sflag:s17] =	ssyncadd.s32 $0xFFFFE000;
	(pc) =	sbr.rel @p0 .LBB2_7-.Ltmp3, $4  }
0xc8: {  	[spmem:s9] =	stream.linear.scatter [tilespmem:s16], [sflag:$0x3], $0x2000, $0x38;
	[tilespmem:$0x1B000] =	vst v63  }
0xc9: {  	_ =	swait.ge [sflag:s17], $0x2000  }
0xca: {  	[sflag:s17] =	ssyncset.done $0x0  }
0xcb: {  	[sflag:s17] =	ssyncadd.s32 $0xFFFFE000  }
0xcc: {  	s28 =	simm.s32 $0x0  }
0xcd: {  	[tilespmem:s28], [sflag:$0x3] =	stream.linear.gather [hbm4b:s10+s28], $0x4800, $0x38;
	[tilespmem:$0x1B000] =	vst v63  }
0xce: {  	_ =	swait.ge [sflag:s17], $0x4800  }
0xcf: {  	[sflag:s17] =	ssyncset.done $0x0  }
0xd0: {  	[sflag:s17] =	ssyncadd.s32 $0xFFFFB800  }
0xd1: {  	[tilespmem:s18], [sflag:$0x3] =	stream.linear.gather [hbm4b:s11+s28], $0x4800, $0x38;
	[tilespmem:$0x1B000] =	vst v63  }
0xd2: {  	_ =	swait.ge [sflag:s17], $0x4800  }
0xd3: {  	[sflag:s17] =	ssyncset.done $0x0  }
0xd4: {  	[sflag:s17] =	ssyncadd.s32 $0xFFFFB800  }
0xd5: {  	s28 =	simm.s32 $0x0;
	[bflag:$0x0] =	sbarrier.arrive $0xFFFF  }
0xd6: {  	[tilespmem:s16], [sflag:$0x1] =	stream.indirect.gather [hbm4b:s4+s19], $0x40, s28, s19, $0xb8;
	[tilespmem:$0x1B000] =	vst v63  }
0xd7: {  	s28 =	simm.s32 $0x80  }
0xd8: {  	[tilespmem:s20], [sflag:$0x1] =	stream.indirect.gather [hbm4b:s4+s19], $0x40, s28, s19, $0xb8;
	[tilespmem:$0x1B000] =	vst v63  }
0xd9: {  	s28 =	simm.s32 $0x100  }
0xda: {  	[tilespmem:s22], [sflag:$0x1] =	stream.indirect.gather [hbm4b:s4+s19], $0x40, s28, s19, $0xb8;
	[tilespmem:$0x1B000] =	vst v63  }
0xdb: {  	s28 =	simm.s32 $0x180  }
0xdc: {  	[tilespmem:s24], [sflag:$0x1] =	stream.indirect.gather [hbm4b:s4+s19], $0x40, s28, s19, $0xb8;
	[tilespmem:$0x1B000] =	vst v63  }
0xdd: {  	_ =	swait.ge [sflag:s25], $0x2000  }
0xde: {  	[sflag:s25] =	ssyncset.done $0x0  }
0xdf: {  	[sflag:s25] =	ssyncadd.s32 $0xFFFFE000  }
0xe0: {  	_ =	swait.ge [sflag:s25], $0x2000  }
0xe1: {  	[sflag:s25] =	ssyncset.done $0x0  }
0xe2: {  	[sflag:s25] =	ssyncadd.s32 $0xFFFFE000  }
0xe3: {  	_ =	swait.ge [sflag:s25], $0x2000  }
0xe4: {  	[sflag:s25] =	ssyncset.done $0x0  }
0xe5: {  	[sflag:s25] =	ssyncadd.s32 $0xFFFFE000  }
0xe6: {  	_ =	swait.ge [sflag:s25], $0x2000  }
0xe7: {  	[sflag:s25] =	ssyncset.done $0x0  }
0xe8: {  	s28 =	simm.s32 $0x4800;
	[sflag:s25] =	ssyncadd.s32 $0xFFFFE000  }
0xe9: {  	[spmem:s2] =	stream.indirect.scatter.add.f32 [tilespmem:s16], [sflag:$0x2], $0x40, s28, s19, $0xb8;
	[tilespmem:$0x1B000] =	vst v63  }
0xea: {  	_ =	swait.ge [sflag:s26], $0x2000  }
0xeb: {  	[sflag:s26] =	ssyncset.done $0x0  }
0xec: {  	s28 =	simm.s32 $0x4880;
	[sflag:s26] =	ssyncadd.s32 $0xFFFFE000  }
0xed: {  	[spmem:s2] =	stream.indirect.scatter.add.f32 [tilespmem:s20], [sflag:$0x2], $0x40, s28, s19, $0xb8;
	[tilespmem:$0x1B000] =	vst v63  }
0xee: {  	_ =	swait.ge [sflag:s26], $0x2000  }
0xef: {  	[sflag:s26] =	ssyncset.done $0x0  }
0xf0: {  	s28 =	simm.s32 $0x4900;
	[sflag:s26] =	ssyncadd.s32 $0xFFFFE000  }
0xf1: {  	[spmem:s2] =	stream.indirect.scatter.add.f32 [tilespmem:s22], [sflag:$0x2], $0x40, s28, s19, $0xb8;
	[tilespmem:$0x1B000] =	vst v63  }
0xf2: {  	_ =	swait.ge [sflag:s26], $0x2000  }
0xf3: {  	[sflag:s26] =	ssyncset.done $0x0  }
0xf4: {  	s28 =	simm.s32 $0x4980;
	[sflag:s26] =	ssyncadd.s32 $0xFFFFE000  }
0xf5: {  	[spmem:s2] =	stream.indirect.scatter.add.f32 [tilespmem:s24], [sflag:$0x2], $0x40, s28, s19, $0xb8;
	[tilespmem:$0x1B000] =	vst v63  }
0xf6: {  	_ =	swait.ge [sflag:s26], $0x2000  }
0xf7: {  	s29 =	simm.s32 $0x1000;
	s28 =	simm.s32 $0x800;
	[sflag:s26] =	ssyncset.done $0x0  }
.LBB2_5:
0xf8: {  	s30 =	sshra.s32 s28, $0x2  }
0xf9: {  	[sflag:s26] =	ssyncadd.s32 $0xFFFFE000;
	s28 =	smov.u32 s29;
	s31 =	sadd.s32 $0x800, s29  }
0xfa: {  	[tilespmem:s16], [sflag:$0x1] =	stream.indirect.gather [hbm4b:s4+s19], $0x40, s30, s19, $0xb8;
	[tilespmem:$0x1B000] =	vst v63  }
0xfb: {  	p1 =	seq.s32 s29, $0x11800;
	s29 =	sadd.s32 $0x80, s30  }
0xfc: {  	[tilespmem:s20], [sflag:$0x1] =	stream.indirect.gather [hbm4b:s4+s19], $0x40, s29, s19, $0xb8;
	[tilespmem:$0x1B000] =	vst v63  }
0xfd: {  	s29 =	sadd.s32 $0x100, s30  }
0xfe: {  	[tilespmem:s22], [sflag:$0x1] =	stream.indirect.gather [hbm4b:s4+s19], $0x40, s29, s19, $0xb8;
	[tilespmem:$0x1B000] =	vst v63  }
0xff: {  	s29 =	sadd.s32 $0x180, s30  }
0x100: {  	[tilespmem:s24], [sflag:$0x1] =	stream.indirect.gather [hbm4b:s4+s19], $0x40, s29, s19, $0xb8;
	[tilespmem:$0x1B000] =	vst v63  }
0x101: {  	_ =	swait.ge [sflag:s25], $0x2000  }
0x102: {  	[sflag:s25] =	ssyncset.done $0x0  }
0x103: {  	[sflag:s25] =	ssyncadd.s32 $0xFFFFE000  }
0x104: {  	_ =	swait.ge [sflag:s25], $0x2000  }
0x105: {  	[sflag:s25] =	ssyncset.done $0x0  }
0x106: {  	[sflag:s25] =	ssyncadd.s32 $0xFFFFE000  }
0x107: {  	_ =	swait.ge [sflag:s25], $0x2000  }
0x108: {  	[sflag:s25] =	ssyncset.done $0x0  }
0x109: {  	[sflag:s25] =	ssyncadd.s32 $0xFFFFE000  }
0x10a: {  	_ =	swait.ge [sflag:s25], $0x2000  }
0x10b: {  	[sflag:s25] =	ssyncset.done $0x0  }
0x10c: {  	s29 =	sadd.s32 $0x4800, s30;
	[sflag:s25] =	ssyncadd.s32 $0xFFFFE000  }
0x10d: {  	[spmem:s2] =	stream.indirect.scatter.add.f32 [tilespmem:s16], [sflag:$0x2], $0x40, s29, s19, $0xb8;
	[tilespmem:$0x1B000] =	vst v63  }
0x10e: {  	_ =	swait.ge [sflag:s26], $0x2000  }
0x10f: {  	[sflag:s26] =	ssyncset.done $0x0  }
0x110: {  	s29 =	sadd.s32 $0x4880, s30;
	[sflag:s26] =	ssyncadd.s32 $0xFFFFE000  }
0x111: {  	[spmem:s2] =	stream.indirect.scatter.add.f32 [tilespmem:s20], [sflag:$0x2], $0x40, s29, s19, $0xb8;
	[tilespmem:$0x1B000] =	vst v63  }
0x112: {  	_ =	swait.ge [sflag:s26], $0x2000  }
0x113: {  	[sflag:s26] =	ssyncset.done $0x0  }
0x114: {  	s29 =	sadd.s32 $0x4900, s30;
	[sflag:s26] =	ssyncadd.s32 $0xFFFFE000  }
0x115: {  	[spmem:s2] =	stream.indirect.scatter.add.f32 [tilespmem:s22], [sflag:$0x2], $0x40, s29, s19, $0xb8;
	[tilespmem:$0x1B000] =	vst v63  }
0x116: {  	_ =	swait.ge [sflag:s26], $0x2000  }
.Ltmp4:
0x117: {  	[sflag:s26] =	ssyncset.done $0x0;
	(pc) =	sbr.rel @!p1 .LBB2_5-.Ltmp4, $4  }
0x118: {  	s29 =	sadd.s32 $0x4980, s30;
	[sflag:s26] =	ssyncadd.s32 $0xFFFFE000  }
0x119: {  	[spmem:s2] =	stream.indirect.scatter.add.f32 [tilespmem:s24], [sflag:$0x2], $0x40, s29, s19, $0xb8;
	[tilespmem:$0x1B000] =	vst v63  }
0x11a: {  	_ =	swait.ge [sflag:s26], $0x2000  }
0x11b: {  	s29 =	smov.u32 s31;
	[sflag:s26] =	ssyncset.done $0x0  }
0x11c: {  	s28 =	sshra.s32 s28, $0x2;
	[sflag:s26] =	ssyncadd.s32 $0xFFFFE000  }
0x11d: {  	[tilespmem:s16], [sflag:$0x1] =	stream.indirect.gather [hbm4b:s4+s19], $0x40, s28, s19, $0xb8;
	[tilespmem:$0x1B000] =	vst v63  }
0x11e: {  	s29 =	sadd.s32 $0x80, s28  }
0x11f: {  	[tilespmem:s20], [sflag:$0x1] =	stream.indirect.gather [hbm4b:s4+s19], $0x40, s29, s19, $0xb8;
	[tilespmem:$0x1B000] =	vst v63  }
0x120: {  	s31 =	sadd.s32 $0x100, s28  }
0x121: {  	[tilespmem:s22], [sflag:$0x1] =	stream.indirect.gather [hbm4b:s4+s19], $0x40, s31, s19, $0xb8;
	[tilespmem:$0x1B000] =	vst v63  }
0x122: {  	s30 =	sadd.s32 $0x180, s28  }
0x123: {  	[tilespmem:s24], [sflag:$0x1] =	stream.indirect.gather [hbm4b:s4+s19], $0x40, s30, s19, $0xb8;
	[tilespmem:$0x1B000] =	vst v63  }
0x124: {  	_ =	swait.ge [sflag:s25], $0x2000  }
0x125: {  	[sflag:s25] =	ssyncset.done $0x0  }
0x126: {  	[sflag:s25] =	ssyncadd.s32 $0xFFFFE000  }
0x127: {  	_ =	swait.ge [sflag:s25], $0x2000  }
0x128: {  	[sflag:s25] =	ssyncset.done $0x0  }
0x129: {  	[sflag:s25] =	ssyncadd.s32 $0xFFFFE000  }
0x12a: {  	_ =	swait.ge [sflag:s25], $0x2000  }
0x12b: {  	[sflag:s25] =	ssyncset.done $0x0  }
0x12c: {  	[sflag:s25] =	ssyncadd.s32 $0xFFFFE000  }
0x12d: {  	_ =	swait.ge [sflag:s25], $0x2000  }
0x12e: {  	[sflag:s25] =	ssyncset.done $0x0  }
0x12f: {  	s31 =	sadd.s32 $0x4800, s28;
	[sflag:s25] =	ssyncadd.s32 $0xFFFFE000  }
0x130: {  	[spmem:s2] =	stream.indirect.scatter.add.f32 [tilespmem:s16], [sflag:$0x2], $0x40, s31, s19, $0xb8;
	[tilespmem:$0x1B000] =	vst v63  }
0x131: {  	_ =	swait.ge [sflag:s26], $0x2000  }
0x132: {  	[sflag:s26] =	ssyncset.done $0x0  }
0x133: {  	s30 =	sadd.s32 $0x4880, s28;
	[sflag:s26] =	ssyncadd.s32 $0xFFFFE000  }
0x134: {  	[spmem:s2] =	stream.indirect.scatter.add.f32 [tilespmem:s20], [sflag:$0x2], $0x40, s30, s19, $0xb8;
	[tilespmem:$0x1B000] =	vst v63  }
0x135: {  	_ =	swait.ge [sflag:s26], $0x2000  }
0x136: {  	[sflag:s26] =	ssyncset.done $0x0  }
0x137: {  	s31 =	sadd.s32 $0x4900, s28;
	[sflag:s26] =	ssyncadd.s32 $0xFFFFE000  }
0x138: {  	[spmem:s2] =	stream.indirect.scatter.add.f32 [tilespmem:s22], [sflag:$0x2], $0x40, s31, s19, $0xb8;
	[tilespmem:$0x1B000] =	vst v63  }
0x139: {  	_ =	swait.ge [sflag:s26], $0x2000  }
0x13a: {  	[sflag:s26] =	ssyncset.done $0x0  }
.Ltmp5:
0x13b: {  	s28 =	sadd.s32 $0x4980, s28;
	[sflag:s26] =	ssyncadd.s32 $0xFFFFE000;
	(pc) =	sbr.rel .LBB2_8-.Ltmp5, $4  }
0x13c: {  	[spmem:s2] =	stream.indirect.scatter.add.f32 [tilespmem:s24], [sflag:$0x2], $0x40, s28, s19, $0xb8;
	[tilespmem:$0x1B000] =	vst v63  }
0x13d: {  	_ =	swait.ge [sflag:s26], $0x2000  }
0x13e: {  	[sflag:s26] =	ssyncset.done $0x0  }
0x13f: {  	[sflag:s26] =	ssyncadd.s32 $0xFFFFE000  }
.LBB2_9:
0x140: {  	_ =	sfence.sel $0x180000  }
0x141: {  	[bflag:$0x0] =	sbarrier.arrive $0xFFFF  }
0x142: {  	_ =	strace $0x9000004A  }
0x143: {  	[bflag:$0x2] =	sbarrier.arrive $0xFFFF  }
0x144: {  	p0 =	sne.s32 s1, $0x0;
	s0 =	rddreg [dreg:$0x2]  }
0x145: {  	s0 =	sadd.s32 @!p0 $0x100000, s0  }
0x146: {  	[sflag:s0] =	ssyncadd.tile.s32 @!p0 $0x1;
	_ =	shalt  }
.Lfunc_end2:
_tile_overlayer_lowered:
.L_overlay_start_2:
0x147: {  	(tag) =	ssettag $0x2  }
0x148: {  	s0 =	rddreg [dreg:$0x0];
	s2 =	stileid.u32  }
0x149: {  	s1 =	rddreg [dreg:$0x1];
	p0 =	sne.s32 s2, $0x0  }
0x14a: {  	s3 =	rddreg [dreg:$0x2];
	[bflag:$0x3] =	sbarrier.arrive $0xFFFF;
	s2 =	simm.s32 @!p0 $0x1C03  }
0x14b: {  	[timem:s3], [sflag:s2] =	dma.local @!p0 [hbm:s0], s1  }
0x14c: {  	s0 =	simm.s32 @!p0 $0x3  }
0x14d: {  	_ =	swait.ge @!p0 [sflag:s0], s1  }
0x14e: {  	s1 =	ssub.s32 @!p0 $0x0, s1;
	[sflag:s0] =	ssyncset.done @!p0 $0x0  }
0x14f: {  	[sflag:s0] =	ssyncadd.s32 @!p0 s1  }
0x150: {  	[bflag:$0x3] =	sbarrier.arrive $0xFFFF  }
0x151: {  	_ =	shalt  }

// kernel: kernel.7.cloned.1.call-start
scs
__scs_entry_jumppad:
0x0: {  	(pc) =	sbr.rel $0x88, $3  }
0x1: {  	(tag) =	ssettag $0x0;
	lr =	simm.s32 $0x1  }
0x2: {  	[smem:$0x3F96] =	sst lr;
	_ =	strace $0xD0000000  }
0x3: {  	_ = 	snop  }
0x4: {  	_ = 	snop  }
0x5: {  	_ = 	snop  }
0x6: {  	_ = 	snop  }
0x7: {  	_ = 	snop  }
__scs_overlays_trampoline_lowered:
0x8: {  	[smem:$0x3FA5] =	sst s0  }
0x9: {  	[smem:$0x3FA6] =	sst s1  }
0xa: {  	[smem:$0x3FA7] =	sst s2  }
0xb: {  	[smem:$0x3FA8] =	sst s3  }
0xc: {  	[smem:$0x3FA9] =	sst s4  }
0xd: {  	[smem:$0x3FAA] =	sst s5  }
0xe: {  	[smem:$0x3FAB] =	sst s6  }
0xf: {  	[smem:$0x3FAC] =	sst s7  }
0x10: {  	[smem:$0x3FAD] =	sst s8  }
0x11: {  	[smem:$0x3FAE] =	sst s9;
	s0 =	simm.s32 @!p0 $0x0  }
0x12: {  	s1 =	sld [smem:$0x3F94];
	s0 =	simm.s32 @p0 $0x1  }
0x13: {  	[smem:$0x3FAF] =	sst s0;
	s0 =	simm.s32 @!p1 $0x0  }
0x14: {  	s2 =	sld [smem:$0x3F93];
	s0 =	simm.s32 @p1 $0x1  }
0x15: {  	[smem:$0x3FB0] =	sst s0;
	s0 =	simm.s32 @!p2 $0x0  }
0x16: {  	s3 =	sld [smem:$0x3FDB];
	s0 =	simm.s32 @p2 $0x1  }
0x17: {  	s4 =	simm.s32 $0x1BF5;
	[smem:$0x3FB2] =	sst s0  }
0x18: {  	s0 =	sld [smem:$0x3F95];
	_ =	swait.ge [sflag:s4], $0x0  }
0x19: {  	s7 =	sld [smem:$0x3F96]  }
0x1a: {  	s8 =	sadd.s32 $0xFFFFE003, lr  }
0x1b: {  	s9 =	sadd.s32 $0xFFFFFEF7, lr;
	s5 =	simm.s32 $0xFFFFFFFF;
	p2 =	slt.u32 s8, $0xFFFFF086  }
0x1c: {  	p1 =	slt.u32 s9, $0xF7A;
	s5 =	simm.s32 @!p2 $0x0  }
0x1d: {  	s5 =	simm.s32 @p1 $0x1;
	p0 =	seq.s32 s7, s2  }
0x1e: {  	s7 =	smul.u32 @!p0 $0xF7A, s2;
	p2 =	seq.s32 @!p0 s5, $0x0  }
0x1f: {  	s9 =	smul.u32 $0xF7A, s1;
	s8 =	simm.s32 @!p0 $0x1BF5;
	p2 =	por !p2, p0  }
0x20: {  	[sflag:s8] =	ssyncset.s32 @!p0 $0xFFFFF086;
	s6 =	sadd.s32 @!p0 s3, s7;
	s7 =	simm.s32 @!p0 $0x108  }
0x21: {  	s3 =	sadd.s32 s3, s9;
	s6 =	sadd.s32 @!p0 $0x88, s6;
	s7 =	simm.s32 @p2 $0x1082  }
0x22: {  	[simem:s7], [sflag:s8] =	dma.local @!p0 [hbm:s6], $0xF7A  }
0x23: {  	s9 =	sor.u32 $0xD0000000, s2;
	s6 =	simm.s32 $0x108;
	_ =	swait.ge @!p0 [sflag:s8], $0x0  }
0x24: {  	s3 =	sadd.s32 $0x88, s3;
	s6 =	simm.s32 @!p1 $0x1082;
	[sflag:s4] =	ssyncset.s32 $0xFFFFF086  }
0x25: {  	[simem:s6], [sflag:s4] =	dma.local [hbm:s3], $0xF7A  }
0x26: {  	[smem:$0x3F96] =	sst s1;
	(tag) =	ssettag s2;
	_ =	strace s9  }
0x27: {  	s1 =	sld [smem:$0x3FA6]  }
0x28: {  	s2 =	sld [smem:$0x3FA7]  }
0x29: {  	s4 =	sld [smem:$0x3FA9]  }
0x2a: {  	p0 =	seq.s32 s5, $0x0;
	s5 =	sld [smem:$0x3FAA]  }
0x2b: {  	s6 =	sld [smem:$0x3FAB]  }
0x2c: {  	s7 =	sld [smem:$0x3FAC]  }
0x2d: {  	s3 =	simm.s32 $0x108;
	s8 =	sld [smem:$0x3FAD]  }
0x2e: {  	s3 =	simm.s32 @!p0 $0x1082;
	s9 =	sld [smem:$0x3FAE]  }
0x2f: {  	lr =	sadd.s32 s0, s3;
	s0 =	sld [smem:$0x3FA5]  }
0x30: {  	s3 =	sld [smem:$0x3FA8]  }
0x31: {  	[smem:$0x3FB1] =	sst s10  }
0x32: {  	s10 =	sld [smem:$0x3FAF];
	_ =	sdelay $0x3  }
0x33: {  	p0 =	seq.s32 s10, $0x1;
	s10 =	sld [smem:$0x3FB1];
	_ =	sdelay $0x3  }
0x34: {  	[smem:$0x3FB1] =	sst s10  }
0x35: {  	s10 =	sld [smem:$0x3FB0];
	_ =	sdelay $0x3  }
0x36: {  	p1 =	seq.s32 s10, $0x1;
	s10 =	sld [smem:$0x3FB1];
	_ =	sdelay $0x3  }
0x37: {  	[smem:$0x3FB1] =	sst s10  }
0x38: {  	s10 =	sld [smem:$0x3FB2]  }
0x39: {  	_ = 	snop;
	(pc) =	sbr.ind lr, $3  }
0x3a: {  	_ = 	snop  }
0x3b: {  	_ = 	snop  }
0x3c: {  	p2 =	seq.s32 s10, $0x1;
	s10 =	sld [smem:$0x3FB1]  }
0x3d: {  	_ =	shalt  }
0x3e: {  	_ =	shalt  }
0x3f: {  	_ =	shalt  }
0x40: {  	_ =	shalt  }
0x41: {  	_ =	shalt  }
0x42: {  	_ =	shalt  }
0x43: {  	_ =	shalt  }
0x44: {  	_ =	shalt  }
0x45: {  	_ =	shalt  }
0x46: {  	_ =	shalt  }
0x47: {  	_ =	shalt  }
0x48: {  	_ =	shalt  }
0x49: {  	_ =	shalt  }
0x4a: {  	_ =	shalt  }
0x4b: {  	_ =	shalt  }
0x4c: {  	_ =	shalt  }
0x4d: {  	_ =	shalt  }
0x4e: {  	_ =	shalt  }
0x4f: {  	_ =	shalt  }
0x50: {  	_ =	shalt  }
0x51: {  	_ =	shalt  }
0x52: {  	_ =	shalt  }
0x53: {  	_ =	shalt  }
0x54: {  	_ =	shalt  }
0x55: {  	_ =	shalt  }
0x56: {  	_ =	shalt  }
0x57: {  	_ =	shalt  }
0x58: {  	_ =	shalt  }
0x59: {  	_ =	shalt  }
0x5a: {  	_ =	shalt  }
0x5b: {  	_ =	shalt  }
0x5c: {  	_ =	shalt  }
0x5d: {  	_ =	shalt  }
0x5e: {  	_ =	shalt  }
0x5f: {  	_ =	shalt  }
0x60: {  	_ =	shalt  }
0x61: {  	_ =	shalt  }
0x62: {  	_ =	shalt  }
0x63: {  	_ =	shalt  }
0x64: {  	_ =	shalt  }
0x65: {  	_ =	shalt  }
0x66: {  	_ =	shalt  }
0x67: {  	_ =	shalt  }
0x68: {  	_ =	shalt  }
0x69: {  	_ =	shalt  }
0x6a: {  	_ =	shalt  }
0x6b: {  	_ =	shalt  }
0x6c: {  	_ =	shalt  }
0x6d: {  	_ =	shalt  }
0x6e: {  	_ =	shalt  }
0x6f: {  	_ =	shalt  }
0x70: {  	_ =	shalt  }
0x71: {  	_ =	shalt  }
0x72: {  	_ =	shalt  }
0x73: {  	_ =	shalt  }
0x74: {  	_ =	shalt  }
0x75: {  	_ =	shalt  }
0x76: {  	_ =	shalt  }
0x77: {  	_ =	shalt  }
0x78: {  	_ =	shalt  }
0x79: {  	_ =	shalt  }
0x7a: {  	_ =	shalt  }
0x7b: {  	_ =	shalt  }
0x7c: {  	_ =	shalt  }
0x7d: {  	_ =	shalt  }
0x7e: {  	_ =	shalt  }
0x7f: {  	_ =	shalt  }
0x80: {  	_ =	shalt  }
0x81: {  	_ =	shalt  }
0x82: {  	_ =	shalt  }
0x83: {  	_ =	shalt  }
0x84: {  	_ =	shalt  }
0x85: {  	_ =	shalt  }
0x86: {  	_ =	shalt  }
0x87: {  	_ =	shalt  }
.Lfunc_end0:
.L_simem_size_0:
called_computation_lowered:
.L_overlay_start_0:
0x88: {  	s2 =	sld [smem:$0x3FD9]  }
0x89: {  	s3 =	sld [smem:$0x3FFE];
	_ =	sdelay $0x1  }
0x8a: {  	s1 =	srdreg.scid  }
0x8b: {  	s0 =	sand.u32 $0x1, s1  }
0x8c: {  	s16 =	sshll.u32 s0, $0xA;
	s2 =	sadd.s32 s3, s2  }
0x8d: {  	s2 =	sadd.s32 s2, s16  }
0x8e: {  	[smem:$0x3FBD] =	sst s2  }
0x8f: {  	_ = 	snop  }
0x90: {  	(tm) =	ssettm $0x1  }
0x91: {  	s17 =	sld [smem:$0x3FFB];
	_ =	sdelay $0x3  }
0x92: {  	_ =	strace s17  }
0x93: {  	s2 =	sld [smem:$0x3FFC];
	_ =	sdelay $0x3  }
0x94: {  	_ =	strace s2  }
0x95: {  	s2 =	sld [smem:$0x3FFD];
	_ =	sdelay $0x3  }
0x96: {  	_ =	strace s2  }
0x97: {  	_ =	strace $0x8FFFFFFF  }
0x98: {  	s18 =	sld [smem:$0x3FDB];
	_ =	sdelay $0x1  }
0x99: {  	s19 =	simm.s32 $_scs_section_size  }
0x9a: {  	s4 =	simm.s32 $_size__tile_overlayer_lowered;
	s5 =	simm.s32 $_tile_overlayer_lowered  }
0x9b: {  	s22 =	simm.s32 $0x1BFF;
	s21 =	sshll.u32 s5, $0x1;
	s2 =	sadd.s32 s19, s18  }
0x9c: {  	s6 =	simm.s32 $0x0;
	s20 =	sshll.u32 s4, $0x1;
	s4 =	sadd.s32 s21, s2  }
0x9d: {  	[timem:s6], [sflag:s22] =	dma.local [hbm:s4], s20  }
0x9e: {  	_ =	swait.ge [sflag:s22], s20  }
0x9f: {  	s3 =	ssub.s32 $0x0, s20;
	[sflag:s22] =	ssyncset.done $0x0  }
0xa0: {  	[sflag:s22] =	ssyncadd.s32 s3;
	_ =	sdelay $0x1  }
0xa1: {  	s23 =	simm.s32 $0x1B8B  }
0xa2: {  	_ =	swait.ge [sflag:s23], $0x1  }
0xa3: {  	[sflag:s23] =	ssyncset.done $0x0  }
0xa4: {  	s25 =	simm.s32 $0x1B8E;
	s24 =	sld [smem:$0x3FFE];
	[sflag:s23] =	ssyncadd.s32 $0xFFFFFFFF  }
0xa5: {  	s26 =	simm.s32 $execute0_lowered;
	[smem:$0x3FD2] =	sst s25  }
0xa6: {  	s4 =	sshll.u32 s26, $0x1;
	_ =	strace $0x80000046;
	[dreg:$0x1] =	wrdreg $0xFFFFFFFF  }
0xa7: {  	s28 =	simm.s32 $_size_execute0_lowered;
	s2 =	sadd.s32 s2, s4;
	[dreg:$0x0] =	wrdreg $0x0  }
0xa8: {  	s4 =	sshll.u32 s28, $0x1;
	[dreg:$0x2] =	wrdreg s2  }
0xa9: {  	[dreg:$0x3] =	wrdreg s4  }
0xaa: {  	[dreg:$0x4] =	wrdreg $0xC0  }
0xab: {  	_ =	task [dreg:s6], $0x5FFFF  }
0xac: {  	[dreg:$0x1] =	wrdreg $0xFFFFFFFF  }
0xad: {  	[dreg:$0x0] =	wrdreg $0x60  }
0xae: {  	[dreg:$0x2] =	wrdreg s24  }
0xaf: {  	[dreg:$0x3] =	wrdreg $0xD0000  }
0xb0: {  	[dreg:$0x4] =	wrdreg $0x9  }
0xb1: {  	_ =	task.clear_ibuf [dreg:s6], $0x5FFFF;
	_ =	strace $0x90000046  }
0xb2: {  	s29 =	simm.s32 $0x9;
	_ =	strace $0x80000048  }
0xb3: {  	_ =	swait.ge [sflag:s29], $0x1  }
0xb4: {  	[sflag:s29] =	ssyncadd.s32 $0xFFFFFFFF  }
0xb5: {  	_ =	strace $0x90000048  }
0xb6: {  	_ =	sfence  }
0xb7: {  	s30 =	sld [smem:$0x0];
	_ =	sdelay $0x2  }
0xb8: {  	s31 =	sshll.u32 s1, $0xD;
	s1 =	sshrl.u32 s1, $0x2  }
0xb9: {  	s3 =	sand.u32 $0x4000, s31;
	s1 =	sadd.s32 s1, s30  }
0xba: {  	s0 =	sor.u32 s3, s0;
	s1 =	sshll.u32 s1, $0x11  }
0xbb: {  	s0 =	sor.u32 s1, s0  }
0xbc: {  	s0 =	sadd.s32 $0x8F2B, s0  }
0xbd: {  	[sflag:s0] =	ssyncadd.remote.s32 $0x1  }
0xbe: {  	_ =	sfence.sel $0xFFFF  }
0xbf: {  	[dreg:$0x0] =	wrdreg $0xFFFFFFFF;
	(pc) =	sbr.abs _section_cstart, $3  }
0xc0: {  	[dreg:$0x1] =	wrdreg $0xFFFFFFFF  }
0xc1: {  	_ =	task.clear_ibuf [dreg:s6], $0x2FFFF;
	_ =	strace $0x9FFFFFFF  }
0xc2: {  	(tm) =	ssettm $0x7FFFFFFF  }
0xc3: {  	_ =	shalt  }
tec
execute0_lowered:
.L_overlay_start_1:
0x0: {  	(tag) =	ssettag $0x1  }
0x1: {  	s0 =	rddreg [dreg:$0x0]  }
0x2: {  	s2 =	rddreg [dreg:$0x1];
	s1 =	stileid.u32;
	s3 =	simm.s32 $0x0  }
0x3: {  	s4 =	srdreg.scid;
	s16 =	simm.s32 $0x9000;
	s17 =	simm.s32 $0x3  }
0x4: {  	s18 =	simm.s32 $0x4800;
	s19 =	simm.s32 $0x80;
	s20 =	simm.s32 $0xA000  }
0x5: {  	s22 =	simm.s32 $0xB000;
	s24 =	simm.s32 $0xC000;
	s25 =	simm.s32 $0x1  }
0x6: {  	s26 =	simm.s32 $0x2;
	s21 =	simm.s32 $0x4F80;
	s5 =	smul.u32 $0x900, s1  }
0x7: {  	s23 =	simm.s32 $0x0;
	[smem:$0x7FF] =	sst s3;
	s6 =	smul.u32 $0x5000, s1  }
0x8: {  	s10 =	sand.u32 $0x1, s4;
	s4 =	sadd.s32 $0x15C00, s0;
	s8 =	smul.u32 $0x14000, s1  }
0x9: {  	s28 =	sshll.u32 s1, $0x8;
	_ =	strace $0x80000047;
	s7 =	smul.u32 $0x50000, s10  }
0xa: {  	s13 =	sadd.s32 s28, s0;
	s30 =	ssub.s32 $0x2, s10;
	p0 =	seq.s32 s10, $0x1  }
0xb: {  	s11 =	sadd.s32 s5, s0;
	s9 =	sshrl.u32 s30, $0x1;
	s8 =	sshrl.u32 s8, $0x2  }
0xc: {  	s12 =	sadd.s32 $0x14C00, s13;
	s13 =	sadd.s32 $0x13C00, s13;
	s29 =	sadd.s32 s6, s7  }
.Ltmp0:
0xd: {  	s15 =	ssub.s32 s30, s9;
	s31 =	sadd.s32 s8, s2;
	(pc) =	sbr.rel .LBB2_1-.Ltmp0, $4  }
0xe: {  	s10 =	sadd.s32 $0xAC00, s11;
	s11 =	sadd.s32 $0x1C00, s11;
	s5 =	sshrl.u32 s29, $0x3  }
0xf: {  	s7 =	sadd.s32 $0x2000, s31;
	s8 =	sadd.s32 $0x3000, s31;
	s9 =	sadd.s32 $0x4000, s31  }
0x10: {  	s15 =	smax.u32 s15, $0x1;
	s0 =	sadd.s32 s5, s0;
	s5 =	sadd.s32 s6, s2  }
0x11: {  	v0 =	vimm.f32 $0.0e+00;
	s6 =	sadd.s32 $0x1000, s31;
	s14 =	sadd.s32 $0x1FC00, s0;
	s0 =	simm.s32 $0x4F00  }
.LBB2_7:
0x12: {  	[tilespmem:s3], [sflag:$0x3] =	stream.linear.gather [hbm4b:s12+s3], $0x800, $0x38;
	[tilespmem:$0x12000] =	vst v63  }
0x13: {  	_ =	swait.ge [sflag:s17], $0x800  }
0x14: {  	[sflag:s17] =	ssyncset.done $0x0  }
0x15: {  	[sflag:s17] =	ssyncadd.s32 $0xFFFFF800  }
0x16: {  	[tilespmem:s18], [sflag:$0x3] =	stream.linear.gather [hbm4b:s13+s3], $0x800, $0x38;
	[tilespmem:$0x12000] =	vst v63  }
0x17: {  	_ =	swait.ge [sflag:s17], $0x800  }
0x18: {  	[sflag:s17] =	ssyncset.done $0x0  }
0x19: {  	[sflag:s17] =	ssyncadd.s32 $0xFFFFF800  }
0x1a: {  	[bflag:$0x0] =	sbarrier.arrive $0xFFFF  }
0x1b: {  	[tilespmem:s16], [sflag:$0x1] =	stream.indirect.gather [hbm4b:s4+s19], $0x20, s3, s19, $0xb8;
	[tilespmem:$0x12000] =	vst v63  }
0x1c: {  	_ = 	snop  }
0x1d: {  	[tilespmem:s20], [sflag:$0x1] =	stream.indirect.gather [hbm4b:s4+s19], $0x20, s19, s19, $0xb8;
	[tilespmem:$0x12000] =	vst v63  }
0x1e: {  	s28 =	simm.s32 $0x100  }
0x1f: {  	[tilespmem:s22], [sflag:$0x1] =	stream.indirect.gather [hbm4b:s4+s19], $0x20, s28, s19, $0xb8;
	[tilespmem:$0x12000] =	vst v63  }
0x20: {  	s30 =	simm.s32 $0x180  }
0x21: {  	[tilespmem:s24], [sflag:$0x1] =	stream.indirect.gather [hbm4b:s4+s19], $0x20, s30, s19, $0xb8;
	[tilespmem:$0x12000] =	vst v63  }
0x22: {  	_ =	swait.ge [sflag:s25], $0x1000  }
0x23: {  	[sflag:s25] =	ssyncset.done $0x0  }
0x24: {  	[sflag:s25] =	ssyncadd.s32 $0xFFFFF000  }
0x25: {  	_ =	swait.ge [sflag:s25], $0x1000  }
0x26: {  	[sflag:s25] =	ssyncset.done $0x0  }
0x27: {  	[sflag:s25] =	ssyncadd.s32 $0xFFFFF000  }
0x28: {  	_ =	swait.ge [sflag:s25], $0x1000  }
0x29: {  	[sflag:s25] =	ssyncset.done $0x0  }
0x2a: {  	[sflag:s25] =	ssyncadd.s32 $0xFFFFF000  }
0x2b: {  	_ =	swait.ge [sflag:s25], $0x1000  }
0x2c: {  	[sflag:s25] =	ssyncset.done $0x0  }
0x2d: {  	[sflag:s25] =	ssyncadd.s32 $0xFFFFF000  }
0x2e: {  	[spmem:s2] =	stream.indirect.scatter.add.f32 [tilespmem:s16], [sflag:$0x2], $0x20, s18, s19, $0xb8;
	[tilespmem:$0x12000] =	vst v63  }
0x2f: {  	_ =	swait.ge [sflag:s26], $0x1000  }
0x30: {  	[sflag:s26] =	ssyncset.done $0x0  }
0x31: {  	s31 =	simm.s32 $0x4880;
	[sflag:s26] =	ssyncadd.s32 $0xFFFFF000  }
0x32: {  	[spmem:s2] =	stream.indirect.scatter.add.f32 [tilespmem:s20], [sflag:$0x2], $0x20, s31, s19, $0xb8;
	[tilespmem:$0x12000] =	vst v63  }
0x33: {  	_ =	swait.ge [sflag:s26], $0x1000  }
0x34: {  	[sflag:s26] =	ssyncset.done $0x0  }
0x35: {  	s29 =	simm.s32 $0x4900;
	[sflag:s26] =	ssyncadd.s32 $0xFFFFF000  }
0x36: {  	[spmem:s2] =	stream.indirect.scatter.add.f32 [tilespmem:s22], [sflag:$0x2], $0x20, s29, s19, $0xb8;
	[tilespmem:$0x12000] =	vst v63  }
0x37: {  	_ =	swait.ge [sflag:s26], $0x1000  }
0x38: {  	[sflag:s26] =	ssyncset.done $0x0  }
0x39: {  	s30 =	simm.s32 $0x4980;
	[sflag:s26] =	ssyncadd.s32 $0xFFFFF000  }
0x3a: {  	[spmem:s2] =	stream.indirect.scatter.add.f32 [tilespmem:s24], [sflag:$0x2], $0x20, s30, s19, $0xb8;
	[tilespmem:$0x12000] =	vst v63  }
0x3b: {  	_ =	swait.ge [sflag:s26], $0x1000  }
0x3c: {  	[sflag:s26] =	ssyncset.done $0x0  }
0x3d: {  	s31 =	simm.s32 $0x200;
	[sflag:s26] =	ssyncadd.s32 $0xFFFFF000  }
0x3e: {  	[tilespmem:s16], [sflag:$0x1] =	stream.indirect.gather [hbm4b:s4+s19], $0x20, s31, s19, $0xb8;
	[tilespmem:$0x12000] =	vst v63  }
0x3f: {  	s29 =	simm.s32 $0x280  }
0x40: {  	[tilespmem:s20], [sflag:$0x1] =	stream.indirect.gather [hbm4b:s4+s19], $0x20, s29, s19, $0xb8;
	[tilespmem:$0x12000] =	vst v63  }
0x41: {  	s30 =	simm.s32 $0x300  }
0x42: {  	[tilespmem:s22], [sflag:$0x1] =	stream.indirect.gather [hbm4b:s4+s19], $0x20, s30, s19, $0xb8;
	[tilespmem:$0x12000] =	vst v63  }
0x43: {  	s31 =	simm.s32 $0x380  }
0x44: {  	[tilespmem:s24], [sflag:$0x1] =	stream.indirect.gather [hbm4b:s4+s19], $0x20, s31, s19, $0xb8;
	[tilespmem:$0x12000] =	vst v63  }
0x45: {  	_ =	swait.ge [sflag:s25], $0x1000  }
0x46: {  	[sflag:s25] =	ssyncset.done $0x0  }
0x47: {  	[sflag:s25] =	ssyncadd.s32 $0xFFFFF000  }
0x48: {  	_ =	swait.ge [sflag:s25], $0x1000  }
0x49: {  	[sflag:s25] =	ssyncset.done $0x0  }
0x4a: {  	[sflag:s25] =	ssyncadd.s32 $0xFFFFF000  }
0x4b: {  	_ =	swait.ge [sflag:s25], $0x1000  }
0x4c: {  	[sflag:s25] =	ssyncset.done $0x0  }
0x4d: {  	[sflag:s25] =	ssyncadd.s32 $0xFFFFF000  }
0x4e: {  	_ =	swait.ge [sflag:s25], $0x1000  }
0x4f: {  	[sflag:s25] =	ssyncset.done $0x0  }
0x50: {  	s29 =	simm.s32 $0x4A00;
	[sflag:s25] =	ssyncadd.s32 $0xFFFFF000  }
0x51: {  	[spmem:s2] =	stream.indirect.scatter.add.f32 [tilespmem:s16], [sflag:$0x2], $0x20, s29, s19, $0xb8;
	[tilespmem:$0x12000] =	vst v63  }
0x52: {  	_ =	swait.ge [sflag:s26], $0x1000  }
0x53: {  	[sflag:s26] =	ssyncset.done $0x0  }
0x54: {  	s30 =	simm.s32 $0x4A80;
	[sflag:s26] =	ssyncadd.s32 $0xFFFFF000  }
0x55: {  	[spmem:s2] =	stream.indirect.scatter.add.f32 [tilespmem:s20], [sflag:$0x2], $0x20, s30, s19, $0xb8;
	[tilespmem:$0x12000] =	vst v63  }
0x56: {  	_ =	swait.ge [sflag:s26], $0x1000  }
0x57: {  	[sflag:s26] =	ssyncset.done $0x0  }
0x58: {  	s31 =	simm.s32 $0x4B00;
	[sflag:s26] =	ssyncadd.s32 $0xFFFFF000  }
0x59: {  	[spmem:s2] =	stream.indirect.scatter.add.f32 [tilespmem:s22], [sflag:$0x2], $0x20, s31, s19, $0xb8;
	[tilespmem:$0x12000] =	vst v63  }
0x5a: {  	_ =	swait.ge [sflag:s26], $0x1000  }
0x5b: {  	[sflag:s26] =	ssyncset.done $0x0  }
0x5c: {  	s29 =	simm.s32 $0x4B80;
	[sflag:s26] =	ssyncadd.s32 $0xFFFFF000  }
0x5d: {  	[spmem:s2] =	stream.indirect.scatter.add.f32 [tilespmem:s24], [sflag:$0x2], $0x20, s29, s19, $0xb8;
	[tilespmem:$0x12000] =	vst v63  }
0x5e: {  	_ =	swait.ge [sflag:s26], $0x1000  }
0x5f: {  	[sflag:s26] =	ssyncset.done $0x0  }
0x60: {  	s30 =	simm.s32 $0x400;
	[sflag:s26] =	ssyncadd.s32 $0xFFFFF000  }
0x61: {  	[tilespmem:s16], [sflag:$0x1] =	stream.indirect.gather [hbm4b:s4+s19], $0x20, s30, s19, $0xb8;
	[tilespmem:$0x12000] =	vst v63  }
0x62: {  	s31 =	simm.s32 $0x480  }
0x63: {  	[tilespmem:s20], [sflag:$0x1] =	stream.indirect.gather [hbm4b:s4+s19], $0x20, s31, s19, $0xb8;
	[tilespmem:$0x12000] =	vst v63  }
0x64: {  	s29 =	simm.s32 $0x500  }
0x65: {  	[tilespmem:s22], [sflag:$0x1] =	stream.indirect.gather [hbm4b:s4+s19], $0x20, s29, s19, $0xb8;
	[tilespmem:$0x12000] =	vst v63  }
0x66: {  	s30 =	simm.s32 $0x580  }
0x67: {  	[tilespmem:s24], [sflag:$0x1] =	stream.indirect.gather [hbm4b:s4+s19], $0x20, s30, s19, $0xb8;
	[tilespmem:$0x12000] =	vst v63  }
0x68: {  	_ =	swait.ge [sflag:s25], $0x1000  }
0x69: {  	[sflag:s25] =	ssyncset.done $0x0  }
0x6a: {  	[sflag:s25] =	ssyncadd.s32 $0xFFFFF000  }
0x6b: {  	_ =	swait.ge [sflag:s25], $0x1000  }
0x6c: {  	[sflag:s25] =	ssyncset.done $0x0  }
0x6d: {  	[sflag:s25] =	ssyncadd.s32 $0xFFFFF000  }
0x6e: {  	_ =	swait.ge [sflag:s25], $0x1000  }
0x6f: {  	[sflag:s25] =	ssyncset.done $0x0  }
0x70: {  	[sflag:s25] =	ssyncadd.s32 $0xFFFFF000  }
0x71: {  	_ =	swait.ge [sflag:s25], $0x1000  }
0x72: {  	[sflag:s25] =	ssyncset.done $0x0  }
0x73: {  	s31 =	simm.s32 $0x4C00;
	[sflag:s25] =	ssyncadd.s32 $0xFFFFF000  }
0x74: {  	[spmem:s2] =	stream.indirect.scatter.add.f32 [tilespmem:s16], [sflag:$0x2], $0x20, s31, s19, $0xb8;
	[tilespmem:$0x12000] =	vst v63  }
0x75: {  	_ =	swait.ge [sflag:s26], $0x1000  }
0x76: {  	[sflag:s26] =	ssyncset.done $0x0  }
0x77: {  	s29 =	simm.s32 $0x4C80;
	[sflag:s26] =	ssyncadd.s32 $0xFFFFF000  }
0x78: {  	[spmem:s2] =	stream.indirect.scatter.add.f32 [tilespmem:s20], [sflag:$0x2], $0x20, s29, s19, $0xb8;
	[tilespmem:$0x12000] =	vst v63  }
0x79: {  	_ =	swait.ge [sflag:s26], $0x1000  }
0x7a: {  	[sflag:s26] =	ssyncset.done $0x0  }
0x7b: {  	s30 =	simm.s32 $0x4D00;
	[sflag:s26] =	ssyncadd.s32 $0xFFFFF000  }
0x7c: {  	[spmem:s2] =	stream.indirect.scatter.add.f32 [tilespmem:s22], [sflag:$0x2], $0x20, s30, s19, $0xb8;
	[tilespmem:$0x12000] =	vst v63  }
0x7d: {  	_ =	swait.ge [sflag:s26], $0x1000  }
0x7e: {  	[sflag:s26] =	ssyncset.done $0x0  }
0x7f: {  	s31 =	simm.s32 $0x4D80;
	[sflag:s26] =	ssyncadd.s32 $0xFFFFF000  }
0x80: {  	[spmem:s2] =	stream.indirect.scatter.add.f32 [tilespmem:s24], [sflag:$0x2], $0x20, s31, s19, $0xb8;
	[tilespmem:$0x12000] =	vst v63  }
0x81: {  	_ =	swait.ge [sflag:s26], $0x1000  }
0x82: {  	[sflag:s26] =	ssyncset.done $0x0  }
0x83: {  	s29 =	simm.s32 $0x600;
	[sflag:s26] =	ssyncadd.s32 $0xFFFFF000  }
0x84: {  	[tilespmem:s16], [sflag:$0x1] =	stream.indirect.gather [hbm4b:s4+s19], $0x20, s29, s19, $0xb8;
	[tilespmem:$0x12000] =	vst v63  }
0x85: {  	s30 =	simm.s32 $0x680  }
0x86: {  	[tilespmem:s20], [sflag:$0x1] =	stream.indirect.gather [hbm4b:s4+s19], $0x20, s30, s19, $0xb8;
	[tilespmem:$0x12000] =	vst v63  }
0x87: {  	s31 =	simm.s32 $0x700  }
0x88: {  	[tilespmem:s22], [sflag:$0x1] =	stream.indirect.gather [hbm4b:s4+s19], $0x20, s31, s19, $0xb8;
	[tilespmem:$0x12000] =	vst v63  }
0x89: {  	s29 =	simm.s32 $0x780  }
0x8a: {  	[tilespmem:s24], [sflag:$0x1] =	stream.indirect.gather [hbm4b:s4+s19], $0x20, s29, s19, $0xb8;
	[tilespmem:$0x12000] =	vst v63  }
0x8b: {  	_ =	swait.ge [sflag:s25], $0x1000  }
0x8c: {  	[sflag:s25] =	ssyncset.done $0x0  }
0x8d: {  	[sflag:s25] =	ssyncadd.s32 $0xFFFFF000  }
0x8e: {  	_ =	swait.ge [sflag:s25], $0x1000  }
0x8f: {  	[sflag:s25] =	ssyncset.done $0x0  }
0x90: {  	[sflag:s25] =	ssyncadd.s32 $0xFFFFF000  }
0x91: {  	_ =	swait.ge [sflag:s25], $0x1000  }
0x92: {  	[sflag:s25] =	ssyncset.done $0x0  }
0x93: {  	[sflag:s25] =	ssyncadd.s32 $0xFFFFF000  }
0x94: {  	_ =	swait.ge [sflag:s25], $0x1000  }
0x95: {  	[sflag:s25] =	ssyncset.done $0x0  }
0x96: {  	s30 =	simm.s32 $0x4E00;
	[sflag:s25] =	ssyncadd.s32 $0xFFFFF000  }
0x97: {  	[spmem:s2] =	stream.indirect.scatter.add.f32 [tilespmem:s16], [sflag:$0x2], $0x20, s30, s19, $0xb8;
	[tilespmem:$0x12000] =	vst v63  }
0x98: {  	_ =	swait.ge [sflag:s26], $0x1000  }
0x99: {  	[sflag:s26] =	ssyncset.done $0x0  }
0x9a: {  	s31 =	simm.s32 $0x4E80;
	[sflag:s26] =	ssyncadd.s32 $0xFFFFF000  }
0x9b: {  	[spmem:s2] =	stream.indirect.scatter.add.f32 [tilespmem:s20], [sflag:$0x2], $0x20, s31, s19, $0xb8;
	[tilespmem:$0x12000] =	vst v63  }
0x9c: {  	_ =	swait.ge [sflag:s26], $0x1000  }
0x9d: {  	[sflag:s26] =	ssyncset.done $0x0  }
0x9e: {  	[sflag:s26] =	ssyncadd.s32 $0xFFFFF000  }
0x9f: {  	[spmem:s2] =	stream.indirect.scatter.add.f32 [tilespmem:s22], [sflag:$0x2], $0x20, s0, s19, $0xb8;
	[tilespmem:$0x12000] =	vst v63  }
0xa0: {  	_ =	swait.ge [sflag:s26], $0x1000  }
0xa1: {  	[sflag:s26] =	ssyncset.done $0x0  }
0xa2: {  	[sflag:s26] =	ssyncadd.s32 $0xFFFFF000  }
0xa3: {  	[spmem:s2] =	stream.indirect.scatter.add.f32 [tilespmem:s24], [sflag:$0x2], $0x20, s21, s19, $0xb8;
	[tilespmem:$0x12000] =	vst v63  }
0xa4: {  	_ =	swait.ge [sflag:s26], $0x1000  }
0xa5: {  	[sflag:s26] =	ssyncset.done $0x0  }
0xa6: {  	[sflag:s26] =	ssyncadd.s32 $0xFFFFF000  }
.LBB2_8:
0xa7: {  	s23 =	sadd.s32 $0x1, s23  }
0xa8: {  	s28 =	sshll.u32 s1, $0x6;
	[bflag:$0x0] =	sbarrier.arrive $0xFFFF;
	p1 =	sne.s32 s23, s15  }
.Ltmp1:
0xa9: {  	s29 =	sshrl.u32 s5, $0x3;
	s28 =	sor.u32 $0x1C03, s28;
	(pc) =	sbr.rel @!p1 .LBB2_9-.Ltmp1, $4  }
0xaa: {  	[hbm:s14], [sflag:s28] =	dma.local [spmem:s29], $0xA00  }
0xab: {  	_ =	swait.ge [sflag:s17], $0xA00  }
0xac: {  	[sflag:s17] =	ssyncset.done $0x0  }
0xad: {  	[sflag:s17] =	ssyncadd.s32 $0xFFFFF600  }
.LBB2_1:
0xae: {  	s28 =	simm.s32 $0x80;
	s29 =	simm.s32 $0x0  }
.LBB2_2:
0xaf: {  	p1 =	sne.s32 s28, $0x3F80;
	[tilespmem:s29+$0x9000] =	vst v0;
	s30 =	smov.u32 s28;
	s28 =	sadd.s32 $0x80, s28  }
.Ltmp2:
0xb0: {  	[tilespmem:s29+$0x9010] =	vst v0;
	(pc) =	sbr.rel @p1 .LBB2_2-.Ltmp2, $2  }
0xb1: {  	_ =	sdelay $0x2  }
0xb2: {  	s29 =	sshra.s32 s30, $0x2  }
0xb3: {  	[tilespmem:s29+$0x9000] =	vst v0  }
0xb4: {  	[tilespmem:s29+$0x9010] =	vst v0  }
0xb5: {  	[spmem:s5] =	stream.linear.scatter [tilespmem:s16], [sflag:$0x3], $0x1000, $0x38;
	[tilespmem:$0x12000] =	vst v63  }
0xb6: {  	_ =	swait.ge [sflag:s17], $0x1000  }
0xb7: {  	[sflag:s17] =	ssyncset.done $0x0  }
0xb8: {  	[sflag:s17] =	ssyncadd.s32 $0xFFFFF000  }
0xb9: {  	[spmem:s6] =	stream.linear.scatter [tilespmem:s16], [sflag:$0x3], $0x1000, $0x38;
	[tilespmem:$0x12000] =	vst v63  }
0xba: {  	_ =	swait.ge [sflag:s17], $0x1000  }
0xbb: {  	[sflag:s17] =	ssyncset.done $0x0  }
0xbc: {  	[sflag:s17] =	ssyncadd.s32 $0xFFFFF000  }
0xbd: {  	[spmem:s7] =	stream.linear.scatter [tilespmem:s16], [sflag:$0x3], $0x1000, $0x38;
	[tilespmem:$0x12000] =	vst v63  }
0xbe: {  	_ =	swait.ge [sflag:s17], $0x1000  }
0xbf: {  	[sflag:s17] =	ssyncset.done $0x0  }
0xc0: {  	[sflag:s17] =	ssyncadd.s32 $0xFFFFF000  }
0xc1: {  	[spmem:s8] =	stream.linear.scatter [tilespmem:s16], [sflag:$0x3], $0x1000, $0x38;
	[tilespmem:$0x12000] =	vst v63  }
0xc2: {  	_ =	swait.ge [sflag:s17], $0x1000  }
0xc3: {  	[sflag:s17] =	ssyncset.done $0x0  }
.Ltmp3:
0xc4: {  	[sflag:s17] =	ssyncadd.s32 $0xFFFFF000;
	(pc) =	sbr.rel @p0 .LBB2_7-.Ltmp3, $4  }
0xc5: {  	[spmem:s9] =	stream.linear.scatter [tilespmem:s16], [sflag:$0x3], $0x1000, $0x38;
	[tilespmem:$0x12000] =	vst v63  }
0xc6: {  	_ =	swait.ge [sflag:s17], $0x1000  }
0xc7: {  	[sflag:s17] =	ssyncset.done $0x0  }
0xc8: {  	[sflag:s17] =	ssyncadd.s32 $0xFFFFF000  }
0xc9: {  	s28 =	simm.s32 $0x0  }
0xca: {  	[tilespmem:s28], [sflag:$0x3] =	stream.linear.gather [hbm4b:s10+s28], $0x4800, $0x38;
	[tilespmem:$0x12000] =	vst v63  }
0xcb: {  	_ =	swait.ge [sflag:s17], $0x4800  }
0xcc: {  	[sflag:s17] =	ssyncset.done $0x0  }
0xcd: {  	[sflag:s17] =	ssyncadd.s32 $0xFFFFB800  }
0xce: {  	[tilespmem:s18], [sflag:$0x3] =	stream.linear.gather [hbm4b:s11+s28], $0x4800, $0x38;
	[tilespmem:$0x12000] =	vst v63  }
0xcf: {  	_ =	swait.ge [sflag:s17], $0x4800  }
0xd0: {  	[sflag:s17] =	ssyncset.done $0x0  }
0xd1: {  	[sflag:s17] =	ssyncadd.s32 $0xFFFFB800  }
0xd2: {  	s28 =	simm.s32 $0x0;
	[bflag:$0x0] =	sbarrier.arrive $0xFFFF  }
0xd3: {  	[tilespmem:s16], [sflag:$0x1] =	stream.indirect.gather [hbm4b:s4+s19], $0x20, s28, s19, $0xb8;
	[tilespmem:$0x12000] =	vst v63  }
0xd4: {  	s28 =	simm.s32 $0x80  }
0xd5: {  	[tilespmem:s20], [sflag:$0x1] =	stream.indirect.gather [hbm4b:s4+s19], $0x20, s28, s19, $0xb8;
	[tilespmem:$0x12000] =	vst v63  }
0xd6: {  	s28 =	simm.s32 $0x100  }
0xd7: {  	[tilespmem:s22], [sflag:$0x1] =	stream.indirect.gather [hbm4b:s4+s19], $0x20, s28, s19, $0xb8;
	[tilespmem:$0x12000] =	vst v63  }
0xd8: {  	s28 =	simm.s32 $0x180  }
0xd9: {  	[tilespmem:s24], [sflag:$0x1] =	stream.indirect.gather [hbm4b:s4+s19], $0x20, s28, s19, $0xb8;
	[tilespmem:$0x12000] =	vst v63  }
0xda: {  	_ =	swait.ge [sflag:s25], $0x1000  }
0xdb: {  	[sflag:s25] =	ssyncset.done $0x0  }
0xdc: {  	[sflag:s25] =	ssyncadd.s32 $0xFFFFF000  }
0xdd: {  	_ =	swait.ge [sflag:s25], $0x1000  }
0xde: {  	[sflag:s25] =	ssyncset.done $0x0  }
0xdf: {  	[sflag:s25] =	ssyncadd.s32 $0xFFFFF000  }
0xe0: {  	_ =	swait.ge [sflag:s25], $0x1000  }
0xe1: {  	[sflag:s25] =	ssyncset.done $0x0  }
0xe2: {  	[sflag:s25] =	ssyncadd.s32 $0xFFFFF000  }
0xe3: {  	_ =	swait.ge [sflag:s25], $0x1000  }
0xe4: {  	[sflag:s25] =	ssyncset.done $0x0  }
0xe5: {  	s28 =	simm.s32 $0x4800;
	[sflag:s25] =	ssyncadd.s32 $0xFFFFF000  }
0xe6: {  	[spmem:s2] =	stream.indirect.scatter.add.f32 [tilespmem:s16], [sflag:$0x2], $0x20, s28, s19, $0xb8;
	[tilespmem:$0x12000] =	vst v63  }
0xe7: {  	_ =	swait.ge [sflag:s26], $0x1000  }
0xe8: {  	[sflag:s26] =	ssyncset.done $0x0  }
0xe9: {  	s28 =	simm.s32 $0x4880;
	[sflag:s26] =	ssyncadd.s32 $0xFFFFF000  }
0xea: {  	[spmem:s2] =	stream.indirect.scatter.add.f32 [tilespmem:s20], [sflag:$0x2], $0x20, s28, s19, $0xb8;
	[tilespmem:$0x12000] =	vst v63  }
0xeb: {  	_ =	swait.ge [sflag:s26], $0x1000  }
0xec: {  	[sflag:s26] =	ssyncset.done $0x0  }
0xed: {  	s28 =	simm.s32 $0x4900;
	[sflag:s26] =	ssyncadd.s32 $0xFFFFF000  }
0xee: {  	[spmem:s2] =	stream.indirect.scatter.add.f32 [tilespmem:s22], [sflag:$0x2], $0x20, s28, s19, $0xb8;
	[tilespmem:$0x12000] =	vst v63  }
0xef: {  	_ =	swait.ge [sflag:s26], $0x1000  }
0xf0: {  	[sflag:s26] =	ssyncset.done $0x0  }
0xf1: {  	s28 =	simm.s32 $0x4980;
	[sflag:s26] =	ssyncadd.s32 $0xFFFFF000  }
0xf2: {  	[spmem:s2] =	stream.indirect.scatter.add.f32 [tilespmem:s24], [sflag:$0x2], $0x20, s28, s19, $0xb8;
	[tilespmem:$0x12000] =	vst v63  }
0xf3: {  	_ =	swait.ge [sflag:s26], $0x1000  }
0xf4: {  	s29 =	simm.s32 $0x1000;
	s28 =	simm.s32 $0x800;
	[sflag:s26] =	ssyncset.done $0x0  }
.LBB2_5:
0xf5: {  	s30 =	sshra.s32 s28, $0x2  }
0xf6: {  	[sflag:s26] =	ssyncadd.s32 $0xFFFFF000;
	s28 =	smov.u32 s29;
	s31 =	sadd.s32 $0x800, s29  }
0xf7: {  	[tilespmem:s16], [sflag:$0x1] =	stream.indirect.gather [hbm4b:s4+s19], $0x20, s30, s19, $0xb8;
	[tilespmem:$0x12000] =	vst v63  }
0xf8: {  	p1 =	seq.s32 s29, $0x11800;
	s29 =	sadd.s32 $0x80, s30  }
0xf9: {  	[tilespmem:s20], [sflag:$0x1] =	stream.indirect.gather [hbm4b:s4+s19], $0x20, s29, s19, $0xb8;
	[tilespmem:$0x12000] =	vst v63  }
0xfa: {  	s29 =	sadd.s32 $0x100, s30  }
0xfb: {  	[tilespmem:s22], [sflag:$0x1] =	stream.indirect.gather [hbm4b:s4+s19], $0x20, s29, s19, $0xb8;
	[tilespmem:$0x12000] =	vst v63  }
0xfc: {  	s29 =	sadd.s32 $0x180, s30  }
0xfd: {  	[tilespmem:s24], [sflag:$0x1] =	stream.indirect.gather [hbm4b:s4+s19], $0x20, s29, s19, $0xb8;
	[tilespmem:$0x12000] =	vst v63  }
0xfe: {  	_ =	swait.ge [sflag:s25], $0x1000  }
0xff: {  	[sflag:s25] =	ssyncset.done $0x0  }
0x100: {  	[sflag:s25] =	ssyncadd.s32 $0xFFFFF000  }
0x101: {  	_ =	swait.ge [sflag:s25], $0x1000  }
0x102: {  	[sflag:s25] =	ssyncset.done $0x0  }
0x103: {  	[sflag:s25] =	ssyncadd.s32 $0xFFFFF000  }
0x104: {  	_ =	swait.ge [sflag:s25], $0x1000  }
0x105: {  	[sflag:s25] =	ssyncset.done $0x0  }
0x106: {  	[sflag:s25] =	ssyncadd.s32 $0xFFFFF000  }
0x107: {  	_ =	swait.ge [sflag:s25], $0x1000  }
0x108: {  	[sflag:s25] =	ssyncset.done $0x0  }
0x109: {  	s29 =	sadd.s32 $0x4800, s30;
	[sflag:s25] =	ssyncadd.s32 $0xFFFFF000  }
0x10a: {  	[spmem:s2] =	stream.indirect.scatter.add.f32 [tilespmem:s16], [sflag:$0x2], $0x20, s29, s19, $0xb8;
	[tilespmem:$0x12000] =	vst v63  }
0x10b: {  	_ =	swait.ge [sflag:s26], $0x1000  }
0x10c: {  	[sflag:s26] =	ssyncset.done $0x0  }
0x10d: {  	s29 =	sadd.s32 $0x4880, s30;
	[sflag:s26] =	ssyncadd.s32 $0xFFFFF000  }
0x10e: {  	[spmem:s2] =	stream.indirect.scatter.add.f32 [tilespmem:s20], [sflag:$0x2], $0x20, s29, s19, $0xb8;
	[tilespmem:$0x12000] =	vst v63  }
0x10f: {  	_ =	swait.ge [sflag:s26], $0x1000  }
0x110: {  	[sflag:s26] =	ssyncset.done $0x0  }
0x111: {  	s29 =	sadd.s32 $0x4900, s30;
	[sflag:s26] =	ssyncadd.s32 $0xFFFFF000  }
0x112: {  	[spmem:s2] =	stream.indirect.scatter.add.f32 [tilespmem:s22], [sflag:$0x2], $0x20, s29, s19, $0xb8;
	[tilespmem:$0x12000] =	vst v63  }
0x113: {  	_ =	swait.ge [sflag:s26], $0x1000  }
.Ltmp4:
0x114: {  	[sflag:s26] =	ssyncset.done $0x0;
	(pc) =	sbr.rel @!p1 .LBB2_5-.Ltmp4, $4  }
0x115: {  	s29 =	sadd.s32 $0x4980, s30;
	[sflag:s26] =	ssyncadd.s32 $0xFFFFF000  }
0x116: {  	[spmem:s2] =	stream.indirect.scatter.add.f32 [tilespmem:s24], [sflag:$0x2], $0x20, s29, s19, $0xb8;
	[tilespmem:$0x12000] =	vst v63  }
0x117: {  	_ =	swait.ge [sflag:s26], $0x1000  }
0x118: {  	s29 =	smov.u32 s31;
	[sflag:s26] =	ssyncset.done $0x0  }
0x119: {  	s28 =	sshra.s32 s28, $0x2;
	[sflag:s26] =	ssyncadd.s32 $0xFFFFF000  }
0x11a: {  	[tilespmem:s16], [sflag:$0x1] =	stream.indirect.gather [hbm4b:s4+s19], $0x20, s28, s19, $0xb8;
	[tilespmem:$0x12000] =	vst v63  }
0x11b: {  	s29 =	sadd.s32 $0x80, s28  }
0x11c: {  	[tilespmem:s20], [sflag:$0x1] =	stream.indirect.gather [hbm4b:s4+s19], $0x20, s29, s19, $0xb8;
	[tilespmem:$0x12000] =	vst v63  }
0x11d: {  	s31 =	sadd.s32 $0x100, s28  }
0x11e: {  	[tilespmem:s22], [sflag:$0x1] =	stream.indirect.gather [hbm4b:s4+s19], $0x20, s31, s19, $0xb8;
	[tilespmem:$0x12000] =	vst v63  }
0x11f: {  	s30 =	sadd.s32 $0x180, s28  }
0x120: {  	[tilespmem:s24], [sflag:$0x1] =	stream.indirect.gather [hbm4b:s4+s19], $0x20, s30, s19, $0xb8;
	[tilespmem:$0x12000] =	vst v63  }
0x121: {  	_ =	swait.ge [sflag:s25], $0x1000  }
0x122: {  	[sflag:s25] =	ssyncset.done $0x0  }
0x123: {  	[sflag:s25] =	ssyncadd.s32 $0xFFFFF000  }
0x124: {  	_ =	swait.ge [sflag:s25], $0x1000  }
0x125: {  	[sflag:s25] =	ssyncset.done $0x0  }
0x126: {  	[sflag:s25] =	ssyncadd.s32 $0xFFFFF000  }
0x127: {  	_ =	swait.ge [sflag:s25], $0x1000  }
0x128: {  	[sflag:s25] =	ssyncset.done $0x0  }
0x129: {  	[sflag:s25] =	ssyncadd.s32 $0xFFFFF000  }
0x12a: {  	_ =	swait.ge [sflag:s25], $0x1000  }
0x12b: {  	[sflag:s25] =	ssyncset.done $0x0  }
0x12c: {  	s31 =	sadd.s32 $0x4800, s28;
	[sflag:s25] =	ssyncadd.s32 $0xFFFFF000  }
0x12d: {  	[spmem:s2] =	stream.indirect.scatter.add.f32 [tilespmem:s16], [sflag:$0x2], $0x20, s31, s19, $0xb8;
	[tilespmem:$0x12000] =	vst v63  }
0x12e: {  	_ =	swait.ge [sflag:s26], $0x1000  }
0x12f: {  	[sflag:s26] =	ssyncset.done $0x0  }
0x130: {  	s30 =	sadd.s32 $0x4880, s28;
	[sflag:s26] =	ssyncadd.s32 $0xFFFFF000  }
0x131: {  	[spmem:s2] =	stream.indirect.scatter.add.f32 [tilespmem:s20], [sflag:$0x2], $0x20, s30, s19, $0xb8;
	[tilespmem:$0x12000] =	vst v63  }
0x132: {  	_ =	swait.ge [sflag:s26], $0x1000  }
0x133: {  	[sflag:s26] =	ssyncset.done $0x0  }
0x134: {  	s31 =	sadd.s32 $0x4900, s28;
	[sflag:s26] =	ssyncadd.s32 $0xFFFFF000  }
0x135: {  	[spmem:s2] =	stream.indirect.scatter.add.f32 [tilespmem:s22], [sflag:$0x2], $0x20, s31, s19, $0xb8;
	[tilespmem:$0x12000] =	vst v63  }
0x136: {  	_ =	swait.ge [sflag:s26], $0x1000  }
0x137: {  	[sflag:s26] =	ssyncset.done $0x0  }
.Ltmp5:
0x138: {  	s28 =	sadd.s32 $0x4980, s28;
	[sflag:s26] =	ssyncadd.s32 $0xFFFFF000;
	(pc) =	sbr.rel .LBB2_8-.Ltmp5, $4  }
0x139: {  	[spmem:s2] =	stream.indirect.scatter.add.f32 [tilespmem:s24], [sflag:$0x2], $0x20, s28, s19, $0xb8;
	[tilespmem:$0x12000] =	vst v63  }
0x13a: {  	_ =	swait.ge [sflag:s26], $0x1000  }
0x13b: {  	[sflag:s26] =	ssyncset.done $0x0  }
0x13c: {  	[sflag:s26] =	ssyncadd.s32 $0xFFFFF000  }
.LBB2_9:
0x13d: {  	_ =	sfence.sel $0x180000  }
0x13e: {  	[bflag:$0x0] =	sbarrier.arrive $0xFFFF  }
0x13f: {  	_ =	strace $0x90000047  }
0x140: {  	[bflag:$0x2] =	sbarrier.arrive $0xFFFF  }
0x141: {  	p0 =	sne.s32 s1, $0x0;
	s0 =	rddreg [dreg:$0x2]  }
0x142: {  	s0 =	sadd.s32 @!p0 $0x100000, s0  }
0x143: {  	[sflag:s0] =	ssyncadd.tile.s32 @!p0 $0x1;
	_ =	shalt  }
.Lfunc_end2:
_tile_overlayer_lowered:
.L_overlay_start_2:
0x144: {  	(tag) =	ssettag $0x2  }
0x145: {  	s0 =	rddreg [dreg:$0x0];
	s2 =	stileid.u32  }
0x146: {  	s1 =	rddreg [dreg:$0x1];
	p0 =	sne.s32 s2, $0x0  }
0x147: {  	s3 =	rddreg [dreg:$0x2];
	[bflag:$0x3] =	sbarrier.arrive $0xFFFF;
	s2 =	simm.s32 @!p0 $0x1C03  }
0x148: {  	[timem:s3], [sflag:s2] =	dma.local @!p0 [hbm:s0], s1  }
0x149: {  	s0 =	simm.s32 @!p0 $0x3  }
0x14a: {  	_ =	swait.ge @!p0 [sflag:s0], s1  }
0x14b: {  	s1 =	ssub.s32 @!p0 $0x0, s1;
	[sflag:s0] =	ssyncset.done @!p0 $0x0  }
0x14c: {  	[sflag:s0] =	ssyncadd.s32 @!p0 s1  }
0x14d: {  	[bflag:$0x3] =	sbarrier.arrive $0xFFFF  }
0x14e: {  	_ =	shalt  }

</sc_bundles>
